<compile_context>
chip_gen: v7x
topology: tpu7x:2x2x1
jax: 0.10.2.dev20260603
libtpu: 0.0.44.dev20260713+nightly
codegen_flags: <defaults>
</compile_context>

<pallas_src>
import functools

import jax
import jax.numpy as jnp
from jax import lax
from jax.experimental import pallas as pl
from jax.experimental.pallas import tpu as pltpu
from jax.experimental.pallas import tpu_sc as plsc

EMB = 32
SCALE = float(EMB) ** 0.5

NC = 2
NS = 16
NW = NC * NS

CHUNK = 128
NBUF = 2


def _body(xt_hbm, tq_hbm, out_hbm, idx_v, q_v, lb_v, rowbufs, outbufs, isem,
          gsems, wsems, *, npos, rows_per_w):
    wid = lax.axis_index("s") * NC + lax.axis_index("c")
    i_base = wid * rows_per_w
    nchunk = rows_per_w // CHUNK

    idx_cps = [
        pltpu.async_copy(
            xt_hbm.at[j, pl.ds(i_base, rows_per_w)], idx_v.at[j], isem)
        for j in range(npos)
    ]
    for cp in idx_cps:
        cp.wait()

    @pl.loop(0, npos)
    def _prep(j):
        for k in range(rows_per_w // 16):
            v = idx_v[j, pl.ds(k * 16, 16)]
            q_v[j, pl.ds(k * 16, 16)] = lax.shift_right_logical(v, 2)
            lb_v[j, pl.ds(k * 16, 16)] = lax.shift_left(
                jnp.bitwise_and(v, 3), 5)

    def fire_gather(j, c, b):
        return pltpu.async_copy(
            tq_hbm.at[q_v.at[j, pl.ds(c * CHUNK, CHUNK)]],
            rowbufs[b], gsems[b])

    def drain_gather(b):
        pltpu.make_async_copy(
            tq_hbm.at[pl.ds(0, CHUNK)], rowbufs[b], gsems[b]).wait()

    def drain_write(b):
        pltpu.make_async_copy(
            outbufs[b],
            out_hbm.at[0, pl.ds(0, EMB), pl.ds(0, CHUNK)], wsems[b],
        ).wait()

    iota = lax.iota(jnp.int32, 16)
    row_sel = [ii0 * 16 + iota for ii0 in range(8)]

    fire_gather(0, 0, 0)
    fire_gather(0, 1, 1)

    @pl.loop(0, npos)
    def _per_pos(j):
        for c in range(nchunk):
            b = c % NBUF
            drain_gather(b)
            if c < NBUF:
                @pl.when(j > 0)
                def _():
                    drain_write(b)
            else:
                drain_write(b)

            src = rowbufs[b]
            dst = outbufs[b]
            lbs = [lb_v[j, pl.ds(c * CHUNK + ii0 * 16, 16)]
                   for ii0 in range(8)]

            @pl.loop(0, EMB)
            def _tr(f):
                for ii0 in range(8):
                    v = plsc.load_gather(src, [row_sel[ii0], lbs[ii0] + f])
                    dst[f, pl.ds(ii0 * 16, 16)] = v * SCALE

            if c + NBUF < nchunk:
                fire_gather(j, c + NBUF, b)
            else:
                @pl.when(j + 1 < npos)
                def _():
                    fire_gather(j + 1, c + NBUF - nchunk, b)
            pltpu.async_copy(
                dst,
                out_hbm.at[j, pl.ds(0, EMB),
                           pl.ds(i_base + c * CHUNK, CHUNK)],
                wsems[b])

    for b in range(NBUF):
        drain_write(b)


@jax.jit
def _embed(xt, tq):
    npos, nbatch = xt.shape
    rows_per_w = nbatch // NW
    mesh = plsc.VectorSubcoreMesh(core_axis_name="c", subcore_axis_name="s")

    def body(xt_hbm, tq_hbm, out_hbm, idx_v, q_v, lb_v, *rest):
        rowbufs = rest[:NBUF]
        outbufs = rest[NBUF:2 * NBUF]
        isem = rest[2 * NBUF]
        gsems = rest[2 * NBUF + 1:2 * NBUF + 1 + NBUF]
        wsems = rest[2 * NBUF + 1 + NBUF:]
        _body(xt_hbm, tq_hbm, out_hbm, idx_v, q_v, lb_v, rowbufs, outbufs,
              isem, gsems, wsems, npos=npos, rows_per_w=rows_per_w)

    k = pl.kernel(
        body,
        out_type=jax.ShapeDtypeStruct((npos, EMB, nbatch), jnp.float32),
        mesh=mesh,
        scratch_types=(
            [pltpu.VMEM((npos, rows_per_w), jnp.int32) for _ in range(3)]
            + [pltpu.VMEM((CHUNK, 128), jnp.float32) for _ in range(NBUF)]
            + [pltpu.VMEM((EMB, CHUNK), jnp.float32) for _ in range(NBUF)]
            + [pltpu.SemaphoreType.DMA for _ in range(1 + 2 * NBUF)]
        ),
        compiler_params=pltpu.CompilerParams(
            use_tc_tiling_on_sc=True, needs_layout_passes=False),
    )
    return k(xt, tq)


def kernel(x, table):
    vocab, emb = table.shape
    xt = x.T.astype(jnp.int32)
    tq = table.reshape(vocab // 4, 4 * emb)
    out = _embed(xt, tq)
    return out.transpose(2, 0, 1)

# --- scband reference (transcript-rebuilt; emitter-appended) ---
"""Pipeline reference for scband-input-embeddings-3590592659727 (READ-ONLY COPY).

The authoritative reference and input builder live on the scoring server;
editing this copy changes nothing except your own understanding.
"""

import jax, jax.numpy as jnp
import numpy as np

VOCAB_SIZE = 1000000
EMBEDDING_DIM = 32

def setup_inputs(seed: int = 0) -> dict:
    key = jax.random.key(seed)
    k1, k2 = jax.random.split(key)
    x = jax.random.randint(k1, (16384, 20), 0, VOCAB_SIZE, dtype=jnp.int64 if jax.config.jax_enable_x64 else jnp.int32)
    table = jax.random.normal(k2, (VOCAB_SIZE, EMBEDDING_DIM), dtype=jnp.float32)
    return {"x": x, "table": table}

def reference(x, table):
    # nn.Embedding lookup followed by scaling by sqrt(embedding_dim)
    emb = jnp.take(table, x, axis=0)
    return emb * (EMBEDDING_DIM ** 0.5)

if __name__ == "__main__":
    import jax
    _d = setup_inputs()
    print(jax.jit(kernel)(*tuple(_d.values())))

</pallas_src>

<mosaic_0001>
#map = affine_map<(d0, d1) -> (0, 0)>
#map1 = affine_map<(d0, d1) -> (0, 0, 0)>
module attributes {stable_mosaic.version = 14 : i64} {
  func.func @body(%arg0: i32, %arg1: i32, %arg2: memref<20x16384xi32, #tpu.memory_space<hbm>>, %arg3: memref<250000x128xf32, #tpu.memory_space<hbm>>, %arg4: memref<20x32x16384xf32, #tpu.memory_space<hbm>>, %arg5: memref<20x512xi32, #tpu.memory_space<vmem>>, %arg6: memref<20x512xi32, #tpu.memory_space<vmem>>, %arg7: memref<20x512xi32, #tpu.memory_space<vmem>>, %arg8: memref<128x128xf32, #tpu.memory_space<vmem>>, %arg9: memref<128x128xf32, #tpu.memory_space<vmem>>, %arg10: memref<32x128xf32, #tpu.memory_space<vmem>>, %arg11: memref<32x128xf32, #tpu.memory_space<vmem>>, %arg12: memref<!tpu.dma_semaphore, #tpu.memory_space<semaphore_mem>>, %arg13: memref<!tpu.dma_semaphore, #tpu.memory_space<semaphore_mem>>, %arg14: memref<!tpu.dma_semaphore, #tpu.memory_space<semaphore_mem>>, %arg15: memref<!tpu.dma_semaphore, #tpu.memory_space<semaphore_mem>>, %arg16: memref<!tpu.dma_semaphore, #tpu.memory_space<semaphore_mem>>) attributes {dimension_semantics = [#tpu.dimension_semantics<core_parallel>, #tpu.dimension_semantics<subcore_parallel>], iteration_bounds = array<i64: 2, 16>, scalar_prefetch = 0 : i64, scratch_operands = 12 : i64, tpu.core_type = #tpu.core_type<sc_vector_subcore>, window_params = [{transform_indices = #map}, {transform_indices = #map}, {transform_indices = #map1}]} {
    %mul3A = arith.constant 2 : i32
    %mul3A_0 = arith.muli %arg1, %mul3A : i32
    %add3A = arith.addi %mul3A_0, %arg0 : i32
    %mul3A_1 = arith.constant 512 : i32
    %mul3A_2 = arith.muli %add3A, %mul3A_1 : i32
    %dma_start3A = arith.constant 0 : i32
    %dma_start3A_3 = arith.constant 0 : i32
    %dma_start3A_4 = arith.constant 0 : i32
    %dma_start3A_5 = tpu.memref_slice %arg5[%dma_start3A_3, %dma_start3A_4] : memref<20x512xi32, #tpu.memory_space<vmem>> -> memref<1x512xi32, #tpu.memory_space<vmem>>
    %dma_start3A_6 = tpu.memref_squeeze %dma_start3A_5 : memref<1x512xi32, #tpu.memory_space<vmem>> -> memref<512xi32, #tpu.memory_space<vmem>>
    %dma_start3A_7 = tpu.memref_slice %arg2[%dma_start3A, %mul3A_2] : memref<20x16384xi32, #tpu.memory_space<hbm>> -> memref<1x512xi32, #tpu.memory_space<hbm>>
    %dma_start3A_8 = tpu.memref_squeeze %dma_start3A_7 : memref<1x512xi32, #tpu.memory_space<hbm>> -> memref<512xi32, #tpu.memory_space<hbm>>
    %dma_start3A_9 = arith.constant 0 : i32
    %dma_start3A_10 = tpu.memref_slice %arg5[%dma_start3A_3, %dma_start3A_9] : memref<20x512xi32, #tpu.memory_space<vmem>> -> memref<1x512xi32, #tpu.memory_space<vmem>>
    %dma_start3A_11 = tpu.memref_squeeze %dma_start3A_10 : memref<1x512xi32, #tpu.memory_space<vmem>> -> memref<512xi32, #tpu.memory_space<vmem>>
    %dma_start3A_12 = tpu.memref_slice %arg2[%dma_start3A, %mul3A_2] : memref<20x16384xi32, #tpu.memory_space<hbm>> -> memref<1x512xi32, #tpu.memory_space<hbm>>
    %dma_start3A_13 = tpu.memref_squeeze %dma_start3A_12 : memref<1x512xi32, #tpu.memory_space<hbm>> -> memref<512xi32, #tpu.memory_space<hbm>>
    tpu.enqueue_dma source(%dma_start3A_13 : memref<512xi32, #tpu.memory_space<hbm>>) target(%dma_start3A_11 : memref<512xi32, #tpu.memory_space<vmem>>) target_semaphore(%arg12 : memref<!tpu.dma_semaphore, #tpu.memory_space<semaphore_mem>>)
    %dma_start3A_14 = arith.constant 1 : i32
    %dma_start3A_15 = arith.constant 1 : i32
    %dma_start3A_16 = arith.constant 0 : i32
    %dma_start3A_17 = tpu.memref_slice %arg5[%dma_start3A_15, %dma_start3A_16] : memref<20x512xi32, #tpu.memory_space<vmem>> -> memref<1x512xi32, #tpu.memory_space<vmem>>
    %dma_start3A_18 = tpu.memref_squeeze %dma_start3A_17 : memref<1x512xi32, #tpu.memory_space<vmem>> -> memref<512xi32, #tpu.memory_space<vmem>>
    %dma_start3A_19 = tpu.memref_slice %arg2[%dma_start3A_14, %mul3A_2] : memref<20x16384xi32, #tpu.memory_space<hbm>> -> memref<1x512xi32, #tpu.memory_space<hbm>>
    %dma_start3A_20 = tpu.memref_squeeze %dma_start3A_19 : memref<1x512xi32, #tpu.memory_space<hbm>> -> memref<512xi32, #tpu.memory_space<hbm>>
    %dma_start3A_21 = arith.constant 0 : i32
    %dma_start3A_22 = tpu.memref_slice %arg5[%dma_start3A_15, %dma_start3A_21] : memref<20x512xi32, #tpu.memory_space<vmem>> -> memref<1x512xi32, #tpu.memory_space<vmem>>
    %dma_start3A_23 = tpu.memref_squeeze %dma_start3A_22 : memref<1x512xi32, #tpu.memory_space<vmem>> -> memref<512xi32, #tpu.memory_space<vmem>>
    %dma_start3A_24 = tpu.memref_slice %arg2[%dma_start3A_14, %mul3A_2] : memref<20x16384xi32, #tpu.memory_space<hbm>> -> memref<1x512xi32, #tpu.memory_space<hbm>>
    %dma_start3A_25 = tpu.memref_squeeze %dma_start3A_24 : memref<1x512xi32, #tpu.memory_space<hbm>> -> memref<512xi32, #tpu.memory_space<hbm>>
    tpu.enqueue_dma source(%dma_start3A_25 : memref<512xi32, #tpu.memory_space<hbm>>) target(%dma_start3A_23 : memref<512xi32, #tpu.memory_space<vmem>>) target_semaphore(%arg12 : memref<!tpu.dma_semaphore, #tpu.memory_space<semaphore_mem>>)
    %dma_start3A_26 = arith.constant 2 : i32
    %dma_start3A_27 = arith.constant 2 : i32
    %dma_start3A_28 = arith.constant 0 : i32
    %dma_start3A_29 = tpu.memref_slice %arg5[%dma_start3A_27, %dma_start3A_28] : memref<20x512xi32, #tpu.memory_space<vmem>> -> memref<1x512xi32, #tpu.memory_space<vmem>>
    %dma_start3A_30 = tpu.memref_squeeze %dma_start3A_29 : memref<1x512xi32, #tpu.memory_space<vmem>> -> memref<512xi32, #tpu.memory_space<vmem>>
    %dma_start3A_31 = tpu.memref_slice %arg2[%dma_start3A_26, %mul3A_2] : memref<20x16384xi32, #tpu.memory_space<hbm>> -> memref<1x512xi32, #tpu.memory_space<hbm>>
    %dma_start3A_32 = tpu.memref_squeeze %dma_start3A_31 : memref<1x512xi32, #tpu.memory_space<hbm>> -> memref<512xi32, #tpu.memory_space<hbm>>
    %dma_start3A_33 = arith.constant 0 : i32
    %dma_start3A_34 = tpu.memref_slice %arg5[%dma_start3A_27, %dma_start3A_33] : memref<20x512xi32, #tpu.memory_space<vmem>> -> memref<1x512xi32, #tpu.memory_space<vmem>>
    %dma_start3A_35 = tpu.memref_squeeze %dma_start3A_34 : memref<1x512xi32, #tpu.memory_space<vmem>> -> memref<512xi32, #tpu.memory_space<vmem>>
    %dma_start3A_36 = tpu.memref_slice %arg2[%dma_start3A_26, %mul3A_2] : memref<20x16384xi32, #tpu.memory_space<hbm>> -> memref<1x512xi32, #tpu.memory_space<hbm>>
    %dma_start3A_37 = tpu.memref_squeeze %dma_start3A_36 : memref<1x512xi32, #tpu.memory_space<hbm>> -> memref<512xi32, #tpu.memory_space<hbm>>
    tpu.enqueue_dma source(%dma_start3A_37 : memref<512xi32, #tpu.memory_space<hbm>>) target(%dma_start3A_35 : memref<512xi32, #tpu.memory_space<vmem>>) target_semaphore(%arg12 : memref<!tpu.dma_semaphore, #tpu.memory_space<semaphore_mem>>)
    %dma_start3A_38 = arith.constant 3 : i32
    %dma_start3A_39 = arith.constant 3 : i32
    %dma_start3A_40 = arith.constant 0 : i32
    %dma_start3A_41 = tpu.memref_slice %arg5[%dma_start3A_39, %dma_start3A_40] : memref<20x512xi32, #tpu.memory_space<vmem>> -> memref<1x512xi32, #tpu.memory_space<vmem>>
    %dma_start3A_42 = tpu.memref_squeeze %dma_start3A_41 : memref<1x512xi32, #tpu.memory_space<vmem>> -> memref<512xi32, #tpu.memory_space<vmem>>
    %dma_start3A_43 = tpu.memref_slice %arg2[%dma_start3A_38, %mul3A_2] : memref<20x16384xi32, #tpu.memory_space<hbm>> -> memref<1x512xi32, #tpu.memory_space<hbm>>
    %dma_start3A_44 = tpu.memref_squeeze %dma_start3A_43 : memref<1x512xi32, #tpu.memory_space<hbm>> -> memref<512xi32, #tpu.memory_space<hbm>>
    %dma_start3A_45 = arith.constant 0 : i32
    %dma_start3A_46 = tpu.memref_slice %arg5[%dma_start3A_39, %dma_start3A_45] : memref<20x512xi32, #tpu.memory_space<vmem>> -> memref<1x512xi32, #tpu.memory_space<vmem>>
    %dma_start3A_47 = tpu.memref_squeeze %dma_start3A_46 : memref<1x512xi32, #tpu.memory_space<vmem>> -> memref<512xi32, #tpu.memory_space<vmem>>
    %dma_start3A_48 = tpu.memref_slice %arg2[%dma_start3A_38, %mul3A_2] : memref<20x16384xi32, #tpu.memory_space<hbm>> -> memref<1x512xi32, #tpu.memory_space<hbm>>
    %dma_start3A_49 = tpu.memref_squeeze %dma_start3A_48 : memref<1x512xi32, #tpu.memory_space<hbm>> -> memref<512xi32, #tpu.memory_space<hbm>>
    tpu.enqueue_dma source(%dma_start3A_49 : memref<512xi32, #tpu.memory_space<hbm>>) target(%dma_start3A_47 : memref<512xi32, #tpu.memory_space<vmem>>) target_semaphore(%arg12 : memref<!tpu.dma_semaphore, #tpu.memory_space<semaphore_mem>>)
    %dma_start3A_50 = arith.constant 4 : i32
    %dma_start3A_51 = arith.constant 4 : i32
    %dma_start3A_52 = arith.constant 0 : i32
    %dma_start3A_53 = tpu.memref_slice %arg5[%dma_start3A_51, %dma_start3A_52] : memref<20x512xi32, #tpu.memory_space<vmem>> -> memref<1x512xi32, #tpu.memory_space<vmem>>
    %dma_start3A_54 = tpu.memref_squeeze %dma_start3A_53 : memref<1x512xi32, #tpu.memory_space<vmem>> -> memref<512xi32, #tpu.memory_space<vmem>>
    %dma_start3A_55 = tpu.memref_slice %arg2[%dma_start3A_50, %mul3A_2] : memref<20x16384xi32, #tpu.memory_space<hbm>> -> memref<1x512xi32, #tpu.memory_space<hbm>>
    %dma_start3A_56 = tpu.memref_squeeze %dma_start3A_55 : memref<1x512xi32, #tpu.memory_space<hbm>> -> memref<512xi32, #tpu.memory_space<hbm>>
    %dma_start3A_57 = arith.constant 0 : i32
    %dma_start3A_58 = tpu.memref_slice %arg5[%dma_start3A_51, %dma_start3A_57] : memref<20x512xi32, #tpu.memory_space<vmem>> -> memref<1x512xi32, #tpu.memory_space<vmem>>
    %dma_start3A_59 = tpu.memref_squeeze %dma_start3A_58 : memref<1x512xi32, #tpu.memory_space<vmem>> -> memref<512xi32, #tpu.memory_space<vmem>>
    %dma_start3A_60 = tpu.memref_slice %arg2[%dma_start3A_50, %mul3A_2] : memref<20x16384xi32, #tpu.memory_space<hbm>> -> memref<1x512xi32, #tpu.memory_space<hbm>>
    %dma_start3A_61 = tpu.memref_squeeze %dma_start3A_60 : memref<1x512xi32, #tpu.memory_space<hbm>> -> memref<512xi32, #tpu.memory_space<hbm>>
    tpu.enqueue_dma source(%dma_start3A_61 : memref<512xi32, #tpu.memory_space<hbm>>) target(%dma_start3A_59 : memref<512xi32, #tpu.memory_space<vmem>>) target_semaphore(%arg12 : memref<!tpu.dma_semaphore, #tpu.memory_space<semaphore_mem>>)
    %dma_start3A_62 = arith.constant 5 : i32
    %dma_start3A_63 = arith.constant 5 : i32
    %dma_start3A_64 = arith.constant 0 : i32
    %dma_start3A_65 = tpu.memref_slice %arg5[%dma_start3A_63, %dma_start3A_64] : memref<20x512xi32, #tpu.memory_space<vmem>> -> memref<1x512xi32, #tpu.memory_space<vmem>>
    %dma_start3A_66 = tpu.memref_squeeze %dma_start3A_65 : memref<1x512xi32, #tpu.memory_space<vmem>> -> memref<512xi32, #tpu.memory_space<vmem>>
    %dma_start3A_67 = tpu.memref_slice %arg2[%dma_start3A_62, %mul3A_2] : memref<20x16384xi32, #tpu.memory_space<hbm>> -> memref<1x512xi32, #tpu.memory_space<hbm>>
    %dma_start3A_68 = tpu.memref_squeeze %dma_start3A_67 : memref<1x512xi32, #tpu.memory_space<hbm>> -> memref<512xi32, #tpu.memory_space<hbm>>
    %dma_start3A_69 = arith.constant 0 : i32
    %dma_start3A_70 = tpu.memref_slice %arg5[%dma_start3A_63, %dma_start3A_69] : memref<20x512xi32, #tpu.memory_space<vmem>> -> memref<1x512xi32, #tpu.memory_space<vmem>>
    %dma_start3A_71 = tpu.memref_squeeze %dma_start3A_70 : memref<1x512xi32, #tpu.memory_space<vmem>> -> memref<512xi32, #tpu.memory_space<vmem>>
    %dma_start3A_72 = tpu.memref_slice %arg2[%dma_start3A_62, %mul3A_2] : memref<20x16384xi32, #tpu.memory_space<hbm>> -> memref<1x512xi32, #tpu.memory_space<hbm>>
    %dma_start3A_73 = tpu.memref_squeeze %dma_start3A_72 : memref<1x512xi32, #tpu.memory_space<hbm>> -> memref<512xi32, #tpu.memory_space<hbm>>
    tpu.enqueue_dma source(%dma_start3A_73 : memref<512xi32, #tpu.memory_space<hbm>>) target(%dma_start3A_71 : memref<512xi32, #tpu.memory_space<vmem>>) target_semaphore(%arg12 : memref<!tpu.dma_semaphore, #tpu.memory_space<semaphore_mem>>)
    %dma_start3A_74 = arith.constant 6 : i32
    %dma_start3A_75 = arith.constant 6 : i32
    %dma_start3A_76 = arith.constant 0 : i32
    %dma_start3A_77 = tpu.memref_slice %arg5[%dma_start3A_75, %dma_start3A_76] : memref<20x512xi32, #tpu.memory_space<vmem>> -> memref<1x512xi32, #tpu.memory_space<vmem>>
    %dma_start3A_78 = tpu.memref_squeeze %dma_start3A_77 : memref<1x512xi32, #tpu.memory_space<vmem>> -> memref<512xi32, #tpu.memory_space<vmem>>
    %dma_start3A_79 = tpu.memref_slice %arg2[%dma_start3A_74, %mul3A_2] : memref<20x16384xi32, #tpu.memory_space<hbm>> -> memref<1x512xi32, #tpu.memory_space<hbm>>
    %dma_start3A_80 = tpu.memref_squeeze %dma_start3A_79 : memref<1x512xi32, #tpu.memory_space<hbm>> -> memref<512xi32, #tpu.memory_space<hbm>>
    %dma_start3A_81 = arith.constant 0 : i32
    %dma_start3A_82 = tpu.memref_slice %arg5[%dma_start3A_75, %dma_start3A_81] : memref<20x512xi32, #tpu.memory_space<vmem>> -> memref<1x512xi32, #tpu.memory_space<vmem>>
    %dma_start3A_83 = tpu.memref_squeeze %dma_start3A_82 : memref<1x512xi32, #tpu.memory_space<vmem>> -> memref<512xi32, #tpu.memory_space<vmem>>
    %dma_start3A_84 = tpu.memref_slice %arg2[%dma_start3A_74, %mul3A_2] : memref<20x16384xi32, #tpu.memory_space<hbm>> -> memref<1x512xi32, #tpu.memory_space<hbm>>
    %dma_start3A_85 = tpu.memref_squeeze %dma_start3A_84 : memref<1x512xi32, #tpu.memory_space<hbm>> -> memref<512xi32, #tpu.memory_space<hbm>>
    tpu.enqueue_dma source(%dma_start3A_85 : memref<512xi32, #tpu.memory_space<hbm>>) target(%dma_start3A_83 : memref<512xi32, #tpu.memory_space<vmem>>) target_semaphore(%arg12 : memref<!tpu.dma_semaphore, #tpu.memory_space<semaphore_mem>>)
    %dma_start3A_86 = arith.constant 7 : i32
    %dma_start3A_87 = arith.constant 7 : i32
    %dma_start3A_88 = arith.constant 0 : i32
    %dma_start3A_89 = tpu.memref_slice %arg5[%dma_start3A_87, %dma_start3A_88] : memref<20x512xi32, #tpu.memory_space<vmem>> -> memref<1x512xi32, #tpu.memory_space<vmem>>
    %dma_start3A_90 = tpu.memref_squeeze %dma_start3A_89 : memref<1x512xi32, #tpu.memory_space<vmem>> -> memref<512xi32, #tpu.memory_space<vmem>>
    %dma_start3A_91 = tpu.memref_slice %arg2[%dma_start3A_86, %mul3A_2] : memref<20x16384xi32, #tpu.memory_space<hbm>> -> memref<1x512xi32, #tpu.memory_space<hbm>>
    %dma_start3A_92 = tpu.memref_squeeze %dma_start3A_91 : memref<1x512xi32, #tpu.memory_space<hbm>> -> memref<512xi32, #tpu.memory_space<hbm>>
    %dma_start3A_93 = arith.constant 0 : i32
    %dma_start3A_94 = tpu.memref_slice %arg5[%dma_start3A_87, %dma_start3A_93] : memref<20x512xi32, #tpu.memory_space<vmem>> -> memref<1x512xi32, #tpu.memory_space<vmem>>
    %dma_start3A_95 = tpu.memref_squeeze %dma_start3A_94 : memref<1x512xi32, #tpu.memory_space<vmem>> -> memref<512xi32, #tpu.memory_space<vmem>>
    %dma_start3A_96 = tpu.memref_slice %arg2[%dma_start3A_86, %mul3A_2] : memref<20x16384xi32, #tpu.memory_space<hbm>> -> memref<1x512xi32, #tpu.memory_space<hbm>>
    %dma_start3A_97 = tpu.memref_squeeze %dma_start3A_96 : memref<1x512xi32, #tpu.memory_space<hbm>> -> memref<512xi32, #tpu.memory_space<hbm>>
    tpu.enqueue_dma source(%dma_start3A_97 : memref<512xi32, #tpu.memory_space<hbm>>) target(%dma_start3A_95 : memref<512xi32, #tpu.memory_space<vmem>>) target_semaphore(%arg12 : memref<!tpu.dma_semaphore, #tpu.memory_space<semaphore_mem>>)
    %dma_start3A_98 = arith.constant 8 : i32
    %dma_start3A_99 = arith.constant 8 : i32
    %dma_start3A_100 = arith.constant 0 : i32
    %dma_start3A_101 = tpu.memref_slice %arg5[%dma_start3A_99, %dma_start3A_100] : memref<20x512xi32, #tpu.memory_space<vmem>> -> memref<1x512xi32, #tpu.memory_space<vmem>>
    %dma_start3A_102 = tpu.memref_squeeze %dma_start3A_101 : memref<1x512xi32, #tpu.memory_space<vmem>> -> memref<512xi32, #tpu.memory_space<vmem>>
    %dma_start3A_103 = tpu.memref_slice %arg2[%dma_start3A_98, %mul3A_2] : memref<20x16384xi32, #tpu.memory_space<hbm>> -> memref<1x512xi32, #tpu.memory_space<hbm>>
    %dma_start3A_104 = tpu.memref_squeeze %dma_start3A_103 : memref<1x512xi32, #tpu.memory_space<hbm>> -> memref<512xi32, #tpu.memory_space<hbm>>
    %dma_start3A_105 = arith.constant 0 : i32
    %dma_start3A_106 = tpu.memref_slice %arg5[%dma_start3A_99, %dma_start3A_105] : memref<20x512xi32, #tpu.memory_space<vmem>> -> memref<1x512xi32, #tpu.memory_space<vmem>>
    %dma_start3A_107 = tpu.memref_squeeze %dma_start3A_106 : memref<1x512xi32, #tpu.memory_space<vmem>> -> memref<512xi32, #tpu.memory_space<vmem>>
    %dma_start3A_108 = tpu.memref_slice %arg2[%dma_start3A_98, %mul3A_2] : memref<20x16384xi32, #tpu.memory_space<hbm>> -> memref<1x512xi32, #tpu.memory_space<hbm>>
    %dma_start3A_109 = tpu.memref_squeeze %dma_start3A_108 : memref<1x512xi32, #tpu.memory_space<hbm>> -> memref<512xi32, #tpu.memory_space<hbm>>
    tpu.enqueue_dma source(%dma_start3A_109 : memref<512xi32, #tpu.memory_space<hbm>>) target(%dma_start3A_107 : memref<512xi32, #tpu.memory_space<vmem>>) target_semaphore(%arg12 : memref<!tpu.dma_semaphore, #tpu.memory_space<semaphore_mem>>)
    %dma_start3A_110 = arith.constant 9 : i32
    %dma_start3A_111 = arith.constant 9 : i32
    %dma_start3A_112 = arith.constant 0 : i32
    %dma_start3A_113 = tpu.memref_slice %arg5[%dma_start3A_111, %dma_start3A_112] : memref<20x512xi32, #tpu.memory_space<vmem>> -> memref<1x512xi32, #tpu.memory_space<vmem>>
    %dma_start3A_114 = tpu.memref_squeeze %dma_start3A_113 : memref<1x512xi32, #tpu.memory_space<vmem>> -> memref<512xi32, #tpu.memory_space<vmem>>
    %dma_start3A_115 = tpu.memref_slice %arg2[%dma_start3A_110, %mul3A_2] : memref<20x16384xi32, #tpu.memory_space<hbm>> -> memref<1x512xi32, #tpu.memory_space<hbm>>
    %dma_start3A_116 = tpu.memref_squeeze %dma_start3A_115 : memref<1x512xi32, #tpu.memory_space<hbm>> -> memref<512xi32, #tpu.memory_space<hbm>>
    %dma_start3A_117 = arith.constant 0 : i32
    %dma_start3A_118 = tpu.memref_slice %arg5[%dma_start3A_111, %dma_start3A_117] : memref<20x512xi32, #tpu.memory_space<vmem>> -> memref<1x512xi32, #tpu.memory_space<vmem>>
    %dma_start3A_119 = tpu.memref_squeeze %dma_start3A_118 : memref<1x512xi32, #tpu.memory_space<vmem>> -> memref<512xi32, #tpu.memory_space<vmem>>
    %dma_start3A_120 = tpu.memref_slice %arg2[%dma_start3A_110, %mul3A_2] : memref<20x16384xi32, #tpu.memory_space<hbm>> -> memref<1x512xi32, #tpu.memory_space<hbm>>
    %dma_start3A_121 = tpu.memref_squeeze %dma_start3A_120 : memref<1x512xi32, #tpu.memory_space<hbm>> -> memref<512xi32, #tpu.memory_space<hbm>>
    tpu.enqueue_dma source(%dma_start3A_121 : memref<512xi32, #tpu.memory_space<hbm>>) target(%dma_start3A_119 : memref<512xi32, #tpu.memory_space<vmem>>) target_semaphore(%arg12 : memref<!tpu.dma_semaphore, #tpu.memory_space<semaphore_mem>>)
    %dma_start3A_122 = arith.constant 10 : i32
    %dma_start3A_123 = arith.constant 10 : i32
    %dma_start3A_124 = arith.constant 0 : i32
    %dma_start3A_125 = tpu.memref_slice %arg5[%dma_start3A_123, %dma_start3A_124] : memref<20x512xi32, #tpu.memory_space<vmem>> -> memref<1x512xi32, #tpu.memory_space<vmem>>
    %dma_start3A_126 = tpu.memref_squeeze %dma_start3A_125 : memref<1x512xi32, #tpu.memory_space<vmem>> -> memref<512xi32, #tpu.memory_space<vmem>>
    %dma_start3A_127 = tpu.memref_slice %arg2[%dma_start3A_122, %mul3A_2] : memref<20x16384xi32, #tpu.memory_space<hbm>> -> memref<1x512xi32, #tpu.memory_space<hbm>>
    %dma_start3A_128 = tpu.memref_squeeze %dma_start3A_127 : memref<1x512xi32, #tpu.memory_space<hbm>> -> memref<512xi32, #tpu.memory_space<hbm>>
    %dma_start3A_129 = arith.constant 0 : i32
    %dma_start3A_130 = tpu.memref_slice %arg5[%dma_start3A_123, %dma_start3A_129] : memref<20x512xi32, #tpu.memory_space<vmem>> -> memref<1x512xi32, #tpu.memory_space<vmem>>
    %dma_start3A_131 = tpu.memref_squeeze %dma_start3A_130 : memref<1x512xi32, #tpu.memory_space<vmem>> -> memref<512xi32, #tpu.memory_space<vmem>>
    %dma_start3A_132 = tpu.memref_slice %arg2[%dma_start3A_122, %mul3A_2] : memref<20x16384xi32, #tpu.memory_space<hbm>> -> memref<1x512xi32, #tpu.memory_space<hbm>>
    %dma_start3A_133 = tpu.memref_squeeze %dma_start3A_132 : memref<1x512xi32, #tpu.memory_space<hbm>> -> memref<512xi32, #tpu.memory_space<hbm>>
    tpu.enqueue_dma source(%dma_start3A_133 : memref<512xi32, #tpu.memory_space<hbm>>) target(%dma_start3A_131 : memref<512xi32, #tpu.memory_space<vmem>>) target_semaphore(%arg12 : memref<!tpu.dma_semaphore, #tpu.memory_space<semaphore_mem>>)
    %dma_start3A_134 = arith.constant 11 : i32
    %dma_start3A_135 = arith.constant 11 : i32
    %dma_start3A_136 = arith.constant 0 : i32
    %dma_start3A_137 = tpu.memref_slice %arg5[%dma_start3A_135, %dma_start3A_136] : memref<20x512xi32, #tpu.memory_space<vmem>> -> memref<1x512xi32, #tpu.memory_space<vmem>>
    %dma_start3A_138 = tpu.memref_squeeze %dma_start3A_137 : memref<1x512xi32, #tpu.memory_space<vmem>> -> memref<512xi32, #tpu.memory_space<vmem>>
    %dma_start3A_139 = tpu.memref_slice %arg2[%dma_start3A_134, %mul3A_2] : memref<20x16384xi32, #tpu.memory_space<hbm>> -> memref<1x512xi32, #tpu.memory_space<hbm>>
    %dma_start3A_140 = tpu.memref_squeeze %dma_start3A_139 : memref<1x512xi32, #tpu.memory_space<hbm>> -> memref<512xi32, #tpu.memory_space<hbm>>
    %dma_start3A_141 = arith.constant 0 : i32
    %dma_start3A_142 = tpu.memref_slice %arg5[%dma_start3A_135, %dma_start3A_141] : memref<20x512xi32, #tpu.memory_space<vmem>> -> memref<1x512xi32, #tpu.memory_space<vmem>>
    %dma_start3A_143 = tpu.memref_squeeze %dma_start3A_142 : memref<1x512xi32, #tpu.memory_space<vmem>> -> memref<512xi32, #tpu.memory_space<vmem>>
    %dma_start3A_144 = tpu.memref_slice %arg2[%dma_start3A_134, %mul3A_2] : memref<20x16384xi32, #tpu.memory_space<hbm>> -> memref<1x512xi32, #tpu.memory_space<hbm>>
    %dma_start3A_145 = tpu.memref_squeeze %dma_start3A_144 : memref<1x512xi32, #tpu.memory_space<hbm>> -> memref<512xi32, #tpu.memory_space<hbm>>
    tpu.enqueue_dma source(%dma_start3A_145 : memref<512xi32, #tpu.memory_space<hbm>>) target(%dma_start3A_143 : memref<512xi32, #tpu.memory_space<vmem>>) target_semaphore(%arg12 : memref<!tpu.dma_semaphore, #tpu.memory_space<semaphore_mem>>)
    %dma_start3A_146 = arith.constant 12 : i32
    %dma_start3A_147 = arith.constant 12 : i32
    %dma_start3A_148 = arith.constant 0 : i32
    %dma_start3A_149 = tpu.memref_slice %arg5[%dma_start3A_147, %dma_start3A_148] : memref<20x512xi32, #tpu.memory_space<vmem>> -> memref<1x512xi32, #tpu.memory_space<vmem>>
    %dma_start3A_150 = tpu.memref_squeeze %dma_start3A_149 : memref<1x512xi32, #tpu.memory_space<vmem>> -> memref<512xi32, #tpu.memory_space<vmem>>
    %dma_start3A_151 = tpu.memref_slice %arg2[%dma_start3A_146, %mul3A_2] : memref<20x16384xi32, #tpu.memory_space<hbm>> -> memref<1x512xi32, #tpu.memory_space<hbm>>
    %dma_start3A_152 = tpu.memref_squeeze %dma_start3A_151 : memref<1x512xi32, #tpu.memory_space<hbm>> -> memref<512xi32, #tpu.memory_space<hbm>>
    %dma_start3A_153 = arith.constant 0 : i32
    %dma_start3A_154 = tpu.memref_slice %arg5[%dma_start3A_147, %dma_start3A_153] : memref<20x512xi32, #tpu.memory_space<vmem>> -> memref<1x512xi32, #tpu.memory_space<vmem>>
    %dma_start3A_155 = tpu.memref_squeeze %dma_start3A_154 : memref<1x512xi32, #tpu.memory_space<vmem>> -> memref<512xi32, #tpu.memory_space<vmem>>
    %dma_start3A_156 = tpu.memref_slice %arg2[%dma_start3A_146, %mul3A_2] : memref<20x16384xi32, #tpu.memory_space<hbm>> -> memref<1x512xi32, #tpu.memory_space<hbm>>
    %dma_start3A_157 = tpu.memref_squeeze %dma_start3A_156 : memref<1x512xi32, #tpu.memory_space<hbm>> -> memref<512xi32, #tpu.memory_space<hbm>>
    tpu.enqueue_dma source(%dma_start3A_157 : memref<512xi32, #tpu.memory_space<hbm>>) target(%dma_start3A_155 : memref<512xi32, #tpu.memory_space<vmem>>) target_semaphore(%arg12 : memref<!tpu.dma_semaphore, #tpu.memory_space<semaphore_mem>>)
    %dma_start3A_158 = arith.constant 13 : i32
    %dma_start3A_159 = arith.constant 13 : i32
    %dma_start3A_160 = arith.constant 0 : i32
    %dma_start3A_161 = tpu.memref_slice %arg5[%dma_start3A_159, %dma_start3A_160] : memref<20x512xi32, #tpu.memory_space<vmem>> -> memref<1x512xi32, #tpu.memory_space<vmem>>
    %dma_start3A_162 = tpu.memref_squeeze %dma_start3A_161 : memref<1x512xi32, #tpu.memory_space<vmem>> -> memref<512xi32, #tpu.memory_space<vmem>>
    %dma_start3A_163 = tpu.memref_slice %arg2[%dma_start3A_158, %mul3A_2] : memref<20x16384xi32, #tpu.memory_space<hbm>> -> memref<1x512xi32, #tpu.memory_space<hbm>>
    %dma_start3A_164 = tpu.memref_squeeze %dma_start3A_163 : memref<1x512xi32, #tpu.memory_space<hbm>> -> memref<512xi32, #tpu.memory_space<hbm>>
    %dma_start3A_165 = arith.constant 0 : i32
    %dma_start3A_166 = tpu.memref_slice %arg5[%dma_start3A_159, %dma_start3A_165] : memref<20x512xi32, #tpu.memory_space<vmem>> -> memref<1x512xi32, #tpu.memory_space<vmem>>
    %dma_start3A_167 = tpu.memref_squeeze %dma_start3A_166 : memref<1x512xi32, #tpu.memory_space<vmem>> -> memref<512xi32, #tpu.memory_space<vmem>>
    %dma_start3A_168 = tpu.memref_slice %arg2[%dma_start3A_158, %mul3A_2] : memref<20x16384xi32, #tpu.memory_space<hbm>> -> memref<1x512xi32, #tpu.memory_space<hbm>>
    %dma_start3A_169 = tpu.memref_squeeze %dma_start3A_168 : memref<1x512xi32, #tpu.memory_space<hbm>> -> memref<512xi32, #tpu.memory_space<hbm>>
    tpu.enqueue_dma source(%dma_start3A_169 : memref<512xi32, #tpu.memory_space<hbm>>) target(%dma_start3A_167 : memref<512xi32, #tpu.memory_space<vmem>>) target_semaphore(%arg12 : memref<!tpu.dma_semaphore, #tpu.memory_space<semaphore_mem>>)
    %dma_start3A_170 = arith.constant 14 : i32
    %dma_start3A_171 = arith.constant 14 : i32
    %dma_start3A_172 = arith.constant 0 : i32
    %dma_start3A_173 = tpu.memref_slice %arg5[%dma_start3A_171, %dma_start3A_172] : memref<20x512xi32, #tpu.memory_space<vmem>> -> memref<1x512xi32, #tpu.memory_space<vmem>>
    %dma_start3A_174 = tpu.memref_squeeze %dma_start3A_173 : memref<1x512xi32, #tpu.memory_space<vmem>> -> memref<512xi32, #tpu.memory_space<vmem>>
    %dma_start3A_175 = tpu.memref_slice %arg2[%dma_start3A_170, %mul3A_2] : memref<20x16384xi32, #tpu.memory_space<hbm>> -> memref<1x512xi32, #tpu.memory_space<hbm>>
    %dma_start3A_176 = tpu.memref_squeeze %dma_start3A_175 : memref<1x512xi32, #tpu.memory_space<hbm>> -> memref<512xi32, #tpu.memory_space<hbm>>
    %dma_start3A_177 = arith.constant 0 : i32
    %dma_start3A_178 = tpu.memref_slice %arg5[%dma_start3A_171, %dma_start3A_177] : memref<20x512xi32, #tpu.memory_space<vmem>> -> memref<1x512xi32, #tpu.memory_space<vmem>>
    %dma_start3A_179 = tpu.memref_squeeze %dma_start3A_178 : memref<1x512xi32, #tpu.memory_space<vmem>> -> memref<512xi32, #tpu.memory_space<vmem>>
    %dma_start3A_180 = tpu.memref_slice %arg2[%dma_start3A_170, %mul3A_2] : memref<20x16384xi32, #tpu.memory_space<hbm>> -> memref<1x512xi32, #tpu.memory_space<hbm>>
    %dma_start3A_181 = tpu.memref_squeeze %dma_start3A_180 : memref<1x512xi32, #tpu.memory_space<hbm>> -> memref<512xi32, #tpu.memory_space<hbm>>
    tpu.enqueue_dma source(%dma_start3A_181 : memref<512xi32, #tpu.memory_space<hbm>>) target(%dma_start3A_179 : memref<512xi32, #tpu.memory_space<vmem>>) target_semaphore(%arg12 : memref<!tpu.dma_semaphore, #tpu.memory_space<semaphore_mem>>)
    %dma_start3A_182 = arith.constant 15 : i32
    %dma_start3A_183 = arith.constant 15 : i32
    %dma_start3A_184 = arith.constant 0 : i32
    %dma_start3A_185 = tpu.memref_slice %arg5[%dma_start3A_183, %dma_start3A_184] : memref<20x512xi32, #tpu.memory_space<vmem>> -> memref<1x512xi32, #tpu.memory_space<vmem>>
    %dma_start3A_186 = tpu.memref_squeeze %dma_start3A_185 : memref<1x512xi32, #tpu.memory_space<vmem>> -> memref<512xi32, #tpu.memory_space<vmem>>
    %dma_start3A_187 = tpu.memref_slice %arg2[%dma_start3A_182, %mul3A_2] : memref<20x16384xi32, #tpu.memory_space<hbm>> -> memref<1x512xi32, #tpu.memory_space<hbm>>
    %dma_start3A_188 = tpu.memref_squeeze %dma_start3A_187 : memref<1x512xi32, #tpu.memory_space<hbm>> -> memref<512xi32, #tpu.memory_space<hbm>>
    %dma_start3A_189 = arith.constant 0 : i32
    %dma_start3A_190 = tpu.memref_slice %arg5[%dma_start3A_183, %dma_start3A_189] : memref<20x512xi32, #tpu.memory_space<vmem>> -> memref<1x512xi32, #tpu.memory_space<vmem>>
    %dma_start3A_191 = tpu.memref_squeeze %dma_start3A_190 : memref<1x512xi32, #tpu.memory_space<vmem>> -> memref<512xi32, #tpu.memory_space<vmem>>
    %dma_start3A_192 = tpu.memref_slice %arg2[%dma_start3A_182, %mul3A_2] : memref<20x16384xi32, #tpu.memory_space<hbm>> -> memref<1x512xi32, #tpu.memory_space<hbm>>
    %dma_start3A_193 = tpu.memref_squeeze %dma_start3A_192 : memref<1x512xi32, #tpu.memory_space<hbm>> -> memref<512xi32, #tpu.memory_space<hbm>>
    tpu.enqueue_dma source(%dma_start3A_193 : memref<512xi32, #tpu.memory_space<hbm>>) target(%dma_start3A_191 : memref<512xi32, #tpu.memory_space<vmem>>) target_semaphore(%arg12 : memref<!tpu.dma_semaphore, #tpu.memory_space<semaphore_mem>>)
    %dma_start3A_194 = arith.constant 16 : i32
    %dma_start3A_195 = arith.constant 16 : i32
    %dma_start3A_196 = arith.constant 0 : i32
    %dma_start3A_197 = tpu.memref_slice %arg5[%dma_start3A_195, %dma_start3A_196] : memref<20x512xi32, #tpu.memory_space<vmem>> -> memref<1x512xi32, #tpu.memory_space<vmem>>
    %dma_start3A_198 = tpu.memref_squeeze %dma_start3A_197 : memref<1x512xi32, #tpu.memory_space<vmem>> -> memref<512xi32, #tpu.memory_space<vmem>>
    %dma_start3A_199 = tpu.memref_slice %arg2[%dma_start3A_194, %mul3A_2] : memref<20x16384xi32, #tpu.memory_space<hbm>> -> memref<1x512xi32, #tpu.memory_space<hbm>>
    %dma_start3A_200 = tpu.memref_squeeze %dma_start3A_199 : memref<1x512xi32, #tpu.memory_space<hbm>> -> memref<512xi32, #tpu.memory_space<hbm>>
    %dma_start3A_201 = arith.constant 0 : i32
    %dma_start3A_202 = tpu.memref_slice %arg5[%dma_start3A_195, %dma_start3A_201] : memref<20x512xi32, #tpu.memory_space<vmem>> -> memref<1x512xi32, #tpu.memory_space<vmem>>
    %dma_start3A_203 = tpu.memref_squeeze %dma_start3A_202 : memref<1x512xi32, #tpu.memory_space<vmem>> -> memref<512xi32, #tpu.memory_space<vmem>>
    %dma_start3A_204 = tpu.memref_slice %arg2[%dma_start3A_194, %mul3A_2] : memref<20x16384xi32, #tpu.memory_space<hbm>> -> memref<1x512xi32, #tpu.memory_space<hbm>>
    %dma_start3A_205 = tpu.memref_squeeze %dma_start3A_204 : memref<1x512xi32, #tpu.memory_space<hbm>> -> memref<512xi32, #tpu.memory_space<hbm>>
    tpu.enqueue_dma source(%dma_start3A_205 : memref<512xi32, #tpu.memory_space<hbm>>) target(%dma_start3A_203 : memref<512xi32, #tpu.memory_space<vmem>>) target_semaphore(%arg12 : memref<!tpu.dma_semaphore, #tpu.memory_space<semaphore_mem>>)
    %dma_start3A_206 = arith.constant 17 : i32
    %dma_start3A_207 = arith.constant 17 : i32
    %dma_start3A_208 = arith.constant 0 : i32
    %dma_start3A_209 = tpu.memref_slice %arg5[%dma_start3A_207, %dma_start3A_208] : memref<20x512xi32, #tpu.memory_space<vmem>> -> memref<1x512xi32, #tpu.memory_space<vmem>>
    %dma_start3A_210 = tpu.memref_squeeze %dma_start3A_209 : memref<1x512xi32, #tpu.memory_space<vmem>> -> memref<512xi32, #tpu.memory_space<vmem>>
    %dma_start3A_211 = tpu.memref_slice %arg2[%dma_start3A_206, %mul3A_2] : memref<20x16384xi32, #tpu.memory_space<hbm>> -> memref<1x512xi32, #tpu.memory_space<hbm>>
    %dma_start3A_212 = tpu.memref_squeeze %dma_start3A_211 : memref<1x512xi32, #tpu.memory_space<hbm>> -> memref<512xi32, #tpu.memory_space<hbm>>
    %dma_start3A_213 = arith.constant 0 : i32
    %dma_start3A_214 = tpu.memref_slice %arg5[%dma_start3A_207, %dma_start3A_213] : memref<20x512xi32, #tpu.memory_space<vmem>> -> memref<1x512xi32, #tpu.memory_space<vmem>>
    %dma_start3A_215 = tpu.memref_squeeze %dma_start3A_214 : memref<1x512xi32, #tpu.memory_space<vmem>> -> memref<512xi32, #tpu.memory_space<vmem>>
    %dma_start3A_216 = tpu.memref_slice %arg2[%dma_start3A_206, %mul3A_2] : memref<20x16384xi32, #tpu.memory_space<hbm>> -> memref<1x512xi32, #tpu.memory_space<hbm>>
    %dma_start3A_217 = tpu.memref_squeeze %dma_start3A_216 : memref<1x512xi32, #tpu.memory_space<hbm>> -> memref<512xi32, #tpu.memory_space<hbm>>
    tpu.enqueue_dma source(%dma_start3A_217 : memref<512xi32, #tpu.memory_space<hbm>>) target(%dma_start3A_215 : memref<512xi32, #tpu.memory_space<vmem>>) target_semaphore(%arg12 : memref<!tpu.dma_semaphore, #tpu.memory_space<semaphore_mem>>)
    %dma_start3A_218 = arith.constant 18 : i32
    %dma_start3A_219 = arith.constant 18 : i32
    %dma_start3A_220 = arith.constant 0 : i32
    %dma_start3A_221 = tpu.memref_slice %arg5[%dma_start3A_219, %dma_start3A_220] : memref<20x512xi32, #tpu.memory_space<vmem>> -> memref<1x512xi32, #tpu.memory_space<vmem>>
    %dma_start3A_222 = tpu.memref_squeeze %dma_start3A_221 : memref<1x512xi32, #tpu.memory_space<vmem>> -> memref<512xi32, #tpu.memory_space<vmem>>
    %dma_start3A_223 = tpu.memref_slice %arg2[%dma_start3A_218, %mul3A_2] : memref<20x16384xi32, #tpu.memory_space<hbm>> -> memref<1x512xi32, #tpu.memory_space<hbm>>
    %dma_start3A_224 = tpu.memref_squeeze %dma_start3A_223 : memref<1x512xi32, #tpu.memory_space<hbm>> -> memref<512xi32, #tpu.memory_space<hbm>>
    %dma_start3A_225 = arith.constant 0 : i32
    %dma_start3A_226 = tpu.memref_slice %arg5[%dma_start3A_219, %dma_start3A_225] : memref<20x512xi32, #tpu.memory_space<vmem>> -> memref<1x512xi32, #tpu.memory_space<vmem>>
    %dma_start3A_227 = tpu.memref_squeeze %dma_start3A_226 : memref<1x512xi32, #tpu.memory_space<vmem>> -> memref<512xi32, #tpu.memory_space<vmem>>
    %dma_start3A_228 = tpu.memref_slice %arg2[%dma_start3A_218, %mul3A_2] : memref<20x16384xi32, #tpu.memory_space<hbm>> -> memref<1x512xi32, #tpu.memory_space<hbm>>
    %dma_start3A_229 = tpu.memref_squeeze %dma_start3A_228 : memref<1x512xi32, #tpu.memory_space<hbm>> -> memref<512xi32, #tpu.memory_space<hbm>>
    tpu.enqueue_dma source(%dma_start3A_229 : memref<512xi32, #tpu.memory_space<hbm>>) target(%dma_start3A_227 : memref<512xi32, #tpu.memory_space<vmem>>) target_semaphore(%arg12 : memref<!tpu.dma_semaphore, #tpu.memory_space<semaphore_mem>>)
    %dma_start3A_230 = arith.constant 19 : i32
    %dma_start3A_231 = arith.constant 19 : i32
    %dma_start3A_232 = arith.constant 0 : i32
    %dma_start3A_233 = tpu.memref_slice %arg5[%dma_start3A_231, %dma_start3A_232] : memref<20x512xi32, #tpu.memory_space<vmem>> -> memref<1x512xi32, #tpu.memory_space<vmem>>
    %dma_start3A_234 = tpu.memref_squeeze %dma_start3A_233 : memref<1x512xi32, #tpu.memory_space<vmem>> -> memref<512xi32, #tpu.memory_space<vmem>>
    %dma_start3A_235 = tpu.memref_slice %arg2[%dma_start3A_230, %mul3A_2] : memref<20x16384xi32, #tpu.memory_space<hbm>> -> memref<1x512xi32, #tpu.memory_space<hbm>>
    %dma_start3A_236 = tpu.memref_squeeze %dma_start3A_235 : memref<1x512xi32, #tpu.memory_space<hbm>> -> memref<512xi32, #tpu.memory_space<hbm>>
    %dma_start3A_237 = arith.constant 0 : i32
    %dma_start3A_238 = tpu.memref_slice %arg5[%dma_start3A_231, %dma_start3A_237] : memref<20x512xi32, #tpu.memory_space<vmem>> -> memref<1x512xi32, #tpu.memory_space<vmem>>
    %dma_start3A_239 = tpu.memref_squeeze %dma_start3A_238 : memref<1x512xi32, #tpu.memory_space<vmem>> -> memref<512xi32, #tpu.memory_space<vmem>>
    %dma_start3A_240 = tpu.memref_slice %arg2[%dma_start3A_230, %mul3A_2] : memref<20x16384xi32, #tpu.memory_space<hbm>> -> memref<1x512xi32, #tpu.memory_space<hbm>>
    %dma_start3A_241 = tpu.memref_squeeze %dma_start3A_240 : memref<1x512xi32, #tpu.memory_space<hbm>> -> memref<512xi32, #tpu.memory_space<hbm>>
    tpu.enqueue_dma source(%dma_start3A_241 : memref<512xi32, #tpu.memory_space<hbm>>) target(%dma_start3A_239 : memref<512xi32, #tpu.memory_space<vmem>>) target_semaphore(%arg12 : memref<!tpu.dma_semaphore, #tpu.memory_space<semaphore_mem>>)
    %dma_wait3A = arith.constant 0 : i32
    %dma_wait3A_242 = arith.constant 0 : i32
    %dma_wait3A_243 = arith.constant 0 : i32
    %dma_wait3A_244 = tpu.memref_slice %arg5[%dma_wait3A_242, %dma_wait3A_243] : memref<20x512xi32, #tpu.memory_space<vmem>> -> memref<1x512xi32, #tpu.memory_space<vmem>>
    %dma_wait3A_245 = tpu.memref_squeeze %dma_wait3A_244 : memref<1x512xi32, #tpu.memory_space<vmem>> -> memref<512xi32, #tpu.memory_space<vmem>>
    %dma_wait3A_246 = tpu.memref_slice %arg2[%dma_wait3A, %mul3A_2] : memref<20x16384xi32, #tpu.memory_space<hbm>> -> memref<1x512xi32, #tpu.memory_space<hbm>>
    %dma_wait3A_247 = tpu.memref_squeeze %dma_wait3A_246 : memref<1x512xi32, #tpu.memory_space<hbm>> -> memref<512xi32, #tpu.memory_space<hbm>>
    %dma_wait3A_248 = arith.constant 0 : i32
    %dma_wait3A_249 = tpu.memref_slice %arg5[%dma_wait3A_242, %dma_wait3A_248] : memref<20x512xi32, #tpu.memory_space<vmem>> -> memref<1x512xi32, #tpu.memory_space<vmem>>
    %dma_wait3A_250 = tpu.memref_squeeze %dma_wait3A_249 : memref<1x512xi32, #tpu.memory_space<vmem>> -> memref<512xi32, #tpu.memory_space<vmem>>
    %dma_wait3A_251 = tpu.memref_slice %arg2[%dma_wait3A, %mul3A_2] : memref<20x16384xi32, #tpu.memory_space<hbm>> -> memref<1x512xi32, #tpu.memory_space<hbm>>
    %dma_wait3A_252 = tpu.memref_squeeze %dma_wait3A_251 : memref<1x512xi32, #tpu.memory_space<hbm>> -> memref<512xi32, #tpu.memory_space<hbm>>
    tpu.wait_dma2 semaphore(%arg12 : memref<!tpu.dma_semaphore, #tpu.memory_space<semaphore_mem>>) src(%dma_wait3A_252 : memref<512xi32, #tpu.memory_space<hbm>>) dst(%dma_wait3A_250 : memref<512xi32, #tpu.memory_space<vmem>>)
    %dma_wait3A_253 = arith.constant 1 : i32
    %dma_wait3A_254 = arith.constant 1 : i32
    %dma_wait3A_255 = arith.constant 0 : i32
    %dma_wait3A_256 = tpu.memref_slice %arg5[%dma_wait3A_254, %dma_wait3A_255] : memref<20x512xi32, #tpu.memory_space<vmem>> -> memref<1x512xi32, #tpu.memory_space<vmem>>
    %dma_wait3A_257 = tpu.memref_squeeze %dma_wait3A_256 : memref<1x512xi32, #tpu.memory_space<vmem>> -> memref<512xi32, #tpu.memory_space<vmem>>
    %dma_wait3A_258 = tpu.memref_slice %arg2[%dma_wait3A_253, %mul3A_2] : memref<20x16384xi32, #tpu.memory_space<hbm>> -> memref<1x512xi32, #tpu.memory_space<hbm>>
    %dma_wait3A_259 = tpu.memref_squeeze %dma_wait3A_258 : memref<1x512xi32, #tpu.memory_space<hbm>> -> memref<512xi32, #tpu.memory_space<hbm>>
    %dma_wait3A_260 = arith.constant 0 : i32
    %dma_wait3A_261 = tpu.memref_slice %arg5[%dma_wait3A_254, %dma_wait3A_260] : memref<20x512xi32, #tpu.memory_space<vmem>> -> memref<1x512xi32, #tpu.memory_space<vmem>>
    %dma_wait3A_262 = tpu.memref_squeeze %dma_wait3A_261 : memref<1x512xi32, #tpu.memory_space<vmem>> -> memref<512xi32, #tpu.memory_space<vmem>>
    %dma_wait3A_263 = tpu.memref_slice %arg2[%dma_wait3A_253, %mul3A_2] : memref<20x16384xi32, #tpu.memory_space<hbm>> -> memref<1x512xi32, #tpu.memory_space<hbm>>
    %dma_wait3A_264 = tpu.memref_squeeze %dma_wait3A_263 : memref<1x512xi32, #tpu.memory_space<hbm>> -> memref<512xi32, #tpu.memory_space<hbm>>
    tpu.wait_dma2 semaphore(%arg12 : memref<!tpu.dma_semaphore, #tpu.memory_space<semaphore_mem>>) src(%dma_wait3A_264 : memref<512xi32, #tpu.memory_space<hbm>>) dst(%dma_wait3A_262 : memref<512xi32, #tpu.memory_space<vmem>>)
    %dma_wait3A_265 = arith.constant 2 : i32
    %dma_wait3A_266 = arith.constant 2 : i32
    %dma_wait3A_267 = arith.constant 0 : i32
    %dma_wait3A_268 = tpu.memref_slice %arg5[%dma_wait3A_266, %dma_wait3A_267] : memref<20x512xi32, #tpu.memory_space<vmem>> -> memref<1x512xi32, #tpu.memory_space<vmem>>
    %dma_wait3A_269 = tpu.memref_squeeze %dma_wait3A_268 : memref<1x512xi32, #tpu.memory_space<vmem>> -> memref<512xi32, #tpu.memory_space<vmem>>
    %dma_wait3A_270 = tpu.memref_slice %arg2[%dma_wait3A_265, %mul3A_2] : memref<20x16384xi32, #tpu.memory_space<hbm>> -> memref<1x512xi32, #tpu.memory_space<hbm>>
    %dma_wait3A_271 = tpu.memref_squeeze %dma_wait3A_270 : memref<1x512xi32, #tpu.memory_space<hbm>> -> memref<512xi32, #tpu.memory_space<hbm>>
    %dma_wait3A_272 = arith.constant 0 : i32
    %dma_wait3A_273 = tpu.memref_slice %arg5[%dma_wait3A_266, %dma_wait3A_272] : memref<20x512xi32, #tpu.memory_space<vmem>> -> memref<1x512xi32, #tpu.memory_space<vmem>>
    %dma_wait3A_274 = tpu.memref_squeeze %dma_wait3A_273 : memref<1x512xi32, #tpu.memory_space<vmem>> -> memref<512xi32, #tpu.memory_space<vmem>>
    %dma_wait3A_275 = tpu.memref_slice %arg2[%dma_wait3A_265, %mul3A_2] : memref<20x16384xi32, #tpu.memory_space<hbm>> -> memref<1x512xi32, #tpu.memory_space<hbm>>
    %dma_wait3A_276 = tpu.memref_squeeze %dma_wait3A_275 : memref<1x512xi32, #tpu.memory_space<hbm>> -> memref<512xi32, #tpu.memory_space<hbm>>
    tpu.wait_dma2 semaphore(%arg12 : memref<!tpu.dma_semaphore, #tpu.memory_space<semaphore_mem>>) src(%dma_wait3A_276 : memref<512xi32, #tpu.memory_space<hbm>>) dst(%dma_wait3A_274 : memref<512xi32, #tpu.memory_space<vmem>>)
    %dma_wait3A_277 = arith.constant 3 : i32
    %dma_wait3A_278 = arith.constant 3 : i32
    %dma_wait3A_279 = arith.constant 0 : i32
    %dma_wait3A_280 = tpu.memref_slice %arg5[%dma_wait3A_278, %dma_wait3A_279] : memref<20x512xi32, #tpu.memory_space<vmem>> -> memref<1x512xi32, #tpu.memory_space<vmem>>
    %dma_wait3A_281 = tpu.memref_squeeze %dma_wait3A_280 : memref<1x512xi32, #tpu.memory_space<vmem>> -> memref<512xi32, #tpu.memory_space<vmem>>
    %dma_wait3A_282 = tpu.memref_slice %arg2[%dma_wait3A_277, %mul3A_2] : memref<20x16384xi32, #tpu.memory_space<hbm>> -> memref<1x512xi32, #tpu.memory_space<hbm>>
    %dma_wait3A_283 = tpu.memref_squeeze %dma_wait3A_282 : memref<1x512xi32, #tpu.memory_space<hbm>> -> memref<512xi32, #tpu.memory_space<hbm>>
    %dma_wait3A_284 = arith.constant 0 : i32
    %dma_wait3A_285 = tpu.memref_slice %arg5[%dma_wait3A_278, %dma_wait3A_284] : memref<20x512xi32, #tpu.memory_space<vmem>> -> memref<1x512xi32, #tpu.memory_space<vmem>>
    %dma_wait3A_286 = tpu.memref_squeeze %dma_wait3A_285 : memref<1x512xi32, #tpu.memory_space<vmem>> -> memref<512xi32, #tpu.memory_space<vmem>>
    %dma_wait3A_287 = tpu.memref_slice %arg2[%dma_wait3A_277, %mul3A_2] : memref<20x16384xi32, #tpu.memory_space<hbm>> -> memref<1x512xi32, #tpu.memory_space<hbm>>
    %dma_wait3A_288 = tpu.memref_squeeze %dma_wait3A_287 : memref<1x512xi32, #tpu.memory_space<hbm>> -> memref<512xi32, #tpu.memory_space<hbm>>
    tpu.wait_dma2 semaphore(%arg12 : memref<!tpu.dma_semaphore, #tpu.memory_space<semaphore_mem>>) src(%dma_wait3A_288 : memref<512xi32, #tpu.memory_space<hbm>>) dst(%dma_wait3A_286 : memref<512xi32, #tpu.memory_space<vmem>>)
    %dma_wait3A_289 = arith.constant 4 : i32
    %dma_wait3A_290 = arith.constant 4 : i32
    %dma_wait3A_291 = arith.constant 0 : i32
    %dma_wait3A_292 = tpu.memref_slice %arg5[%dma_wait3A_290, %dma_wait3A_291] : memref<20x512xi32, #tpu.memory_space<vmem>> -> memref<1x512xi32, #tpu.memory_space<vmem>>
    %dma_wait3A_293 = tpu.memref_squeeze %dma_wait3A_292 : memref<1x512xi32, #tpu.memory_space<vmem>> -> memref<512xi32, #tpu.memory_space<vmem>>
    %dma_wait3A_294 = tpu.memref_slice %arg2[%dma_wait3A_289, %mul3A_2] : memref<20x16384xi32, #tpu.memory_space<hbm>> -> memref<1x512xi32, #tpu.memory_space<hbm>>
    %dma_wait3A_295 = tpu.memref_squeeze %dma_wait3A_294 : memref<1x512xi32, #tpu.memory_space<hbm>> -> memref<512xi32, #tpu.memory_space<hbm>>
    %dma_wait3A_296 = arith.constant 0 : i32
    %dma_wait3A_297 = tpu.memref_slice %arg5[%dma_wait3A_290, %dma_wait3A_296] : memref<20x512xi32, #tpu.memory_space<vmem>> -> memref<1x512xi32, #tpu.memory_space<vmem>>
    %dma_wait3A_298 = tpu.memref_squeeze %dma_wait3A_297 : memref<1x512xi32, #tpu.memory_space<vmem>> -> memref<512xi32, #tpu.memory_space<vmem>>
    %dma_wait3A_299 = tpu.memref_slice %arg2[%dma_wait3A_289, %mul3A_2] : memref<20x16384xi32, #tpu.memory_space<hbm>> -> memref<1x512xi32, #tpu.memory_space<hbm>>
    %dma_wait3A_300 = tpu.memref_squeeze %dma_wait3A_299 : memref<1x512xi32, #tpu.memory_space<hbm>> -> memref<512xi32, #tpu.memory_space<hbm>>
    tpu.wait_dma2 semaphore(%arg12 : memref<!tpu.dma_semaphore, #tpu.memory_space<semaphore_mem>>) src(%dma_wait3A_300 : memref<512xi32, #tpu.memory_space<hbm>>) dst(%dma_wait3A_298 : memref<512xi32, #tpu.memory_space<vmem>>)
    %dma_wait3A_301 = arith.constant 5 : i32
    %dma_wait3A_302 = arith.constant 5 : i32
    %dma_wait3A_303 = arith.constant 0 : i32
    %dma_wait3A_304 = tpu.memref_slice %arg5[%dma_wait3A_302, %dma_wait3A_303] : memref<20x512xi32, #tpu.memory_space<vmem>> -> memref<1x512xi32, #tpu.memory_space<vmem>>
    %dma_wait3A_305 = tpu.memref_squeeze %dma_wait3A_304 : memref<1x512xi32, #tpu.memory_space<vmem>> -> memref<512xi32, #tpu.memory_space<vmem>>
    %dma_wait3A_306 = tpu.memref_slice %arg2[%dma_wait3A_301, %mul3A_2] : memref<20x16384xi32, #tpu.memory_space<hbm>> -> memref<1x512xi32, #tpu.memory_space<hbm>>
    %dma_wait3A_307 = tpu.memref_squeeze %dma_wait3A_306 : memref<1x512xi32, #tpu.memory_space<hbm>> -> memref<512xi32, #tpu.memory_space<hbm>>
    %dma_wait3A_308 = arith.constant 0 : i32
    %dma_wait3A_309 = tpu.memref_slice %arg5[%dma_wait3A_302, %dma_wait3A_308] : memref<20x512xi32, #tpu.memory_space<vmem>> -> memref<1x512xi32, #tpu.memory_space<vmem>>
    %dma_wait3A_310 = tpu.memref_squeeze %dma_wait3A_309 : memref<1x512xi32, #tpu.memory_space<vmem>> -> memref<512xi32, #tpu.memory_space<vmem>>
    %dma_wait3A_311 = tpu.memref_slice %arg2[%dma_wait3A_301, %mul3A_2] : memref<20x16384xi32, #tpu.memory_space<hbm>> -> memref<1x512xi32, #tpu.memory_space<hbm>>
    %dma_wait3A_312 = tpu.memref_squeeze %dma_wait3A_311 : memref<1x512xi32, #tpu.memory_space<hbm>> -> memref<512xi32, #tpu.memory_space<hbm>>
    tpu.wait_dma2 semaphore(%arg12 : memref<!tpu.dma_semaphore, #tpu.memory_space<semaphore_mem>>) src(%dma_wait3A_312 : memref<512xi32, #tpu.memory_space<hbm>>) dst(%dma_wait3A_310 : memref<512xi32, #tpu.memory_space<vmem>>)
    %dma_wait3A_313 = arith.constant 6 : i32
    %dma_wait3A_314 = arith.constant 6 : i32
    %dma_wait3A_315 = arith.constant 0 : i32
    %dma_wait3A_316 = tpu.memref_slice %arg5[%dma_wait3A_314, %dma_wait3A_315] : memref<20x512xi32, #tpu.memory_space<vmem>> -> memref<1x512xi32, #tpu.memory_space<vmem>>
    %dma_wait3A_317 = tpu.memref_squeeze %dma_wait3A_316 : memref<1x512xi32, #tpu.memory_space<vmem>> -> memref<512xi32, #tpu.memory_space<vmem>>
    %dma_wait3A_318 = tpu.memref_slice %arg2[%dma_wait3A_313, %mul3A_2] : memref<20x16384xi32, #tpu.memory_space<hbm>> -> memref<1x512xi32, #tpu.memory_space<hbm>>
    %dma_wait3A_319 = tpu.memref_squeeze %dma_wait3A_318 : memref<1x512xi32, #tpu.memory_space<hbm>> -> memref<512xi32, #tpu.memory_space<hbm>>
    %dma_wait3A_320 = arith.constant 0 : i32
    %dma_wait3A_321 = tpu.memref_slice %arg5[%dma_wait3A_314, %dma_wait3A_320] : memref<20x512xi32, #tpu.memory_space<vmem>> -> memref<1x512xi32, #tpu.memory_space<vmem>>
    %dma_wait3A_322 = tpu.memref_squeeze %dma_wait3A_321 : memref<1x512xi32, #tpu.memory_space<vmem>> -> memref<512xi32, #tpu.memory_space<vmem>>
    %dma_wait3A_323 = tpu.memref_slice %arg2[%dma_wait3A_313, %mul3A_2] : memref<20x16384xi32, #tpu.memory_space<hbm>> -> memref<1x512xi32, #tpu.memory_space<hbm>>
    %dma_wait3A_324 = tpu.memref_squeeze %dma_wait3A_323 : memref<1x512xi32, #tpu.memory_space<hbm>> -> memref<512xi32, #tpu.memory_space<hbm>>
    tpu.wait_dma2 semaphore(%arg12 : memref<!tpu.dma_semaphore, #tpu.memory_space<semaphore_mem>>) src(%dma_wait3A_324 : memref<512xi32, #tpu.memory_space<hbm>>) dst(%dma_wait3A_322 : memref<512xi32, #tpu.memory_space<vmem>>)
    %dma_wait3A_325 = arith.constant 7 : i32
    %dma_wait3A_326 = arith.constant 7 : i32
    %dma_wait3A_327 = arith.constant 0 : i32
    %dma_wait3A_328 = tpu.memref_slice %arg5[%dma_wait3A_326, %dma_wait3A_327] : memref<20x512xi32, #tpu.memory_space<vmem>> -> memref<1x512xi32, #tpu.memory_space<vmem>>
    %dma_wait3A_329 = tpu.memref_squeeze %dma_wait3A_328 : memref<1x512xi32, #tpu.memory_space<vmem>> -> memref<512xi32, #tpu.memory_space<vmem>>
    %dma_wait3A_330 = tpu.memref_slice %arg2[%dma_wait3A_325, %mul3A_2] : memref<20x16384xi32, #tpu.memory_space<hbm>> -> memref<1x512xi32, #tpu.memory_space<hbm>>
    %dma_wait3A_331 = tpu.memref_squeeze %dma_wait3A_330 : memref<1x512xi32, #tpu.memory_space<hbm>> -> memref<512xi32, #tpu.memory_space<hbm>>
    %dma_wait3A_332 = arith.constant 0 : i32
    %dma_wait3A_333 = tpu.memref_slice %arg5[%dma_wait3A_326, %dma_wait3A_332] : memref<20x512xi32, #tpu.memory_space<vmem>> -> memref<1x512xi32, #tpu.memory_space<vmem>>
    %dma_wait3A_334 = tpu.memref_squeeze %dma_wait3A_333 : memref<1x512xi32, #tpu.memory_space<vmem>> -> memref<512xi32, #tpu.memory_space<vmem>>
    %dma_wait3A_335 = tpu.memref_slice %arg2[%dma_wait3A_325, %mul3A_2] : memref<20x16384xi32, #tpu.memory_space<hbm>> -> memref<1x512xi32, #tpu.memory_space<hbm>>
    %dma_wait3A_336 = tpu.memref_squeeze %dma_wait3A_335 : memref<1x512xi32, #tpu.memory_space<hbm>> -> memref<512xi32, #tpu.memory_space<hbm>>
    tpu.wait_dma2 semaphore(%arg12 : memref<!tpu.dma_semaphore, #tpu.memory_space<semaphore_mem>>) src(%dma_wait3A_336 : memref<512xi32, #tpu.memory_space<hbm>>) dst(%dma_wait3A_334 : memref<512xi32, #tpu.memory_space<vmem>>)
    %dma_wait3A_337 = arith.constant 8 : i32
    %dma_wait3A_338 = arith.constant 8 : i32
    %dma_wait3A_339 = arith.constant 0 : i32
    %dma_wait3A_340 = tpu.memref_slice %arg5[%dma_wait3A_338, %dma_wait3A_339] : memref<20x512xi32, #tpu.memory_space<vmem>> -> memref<1x512xi32, #tpu.memory_space<vmem>>
    %dma_wait3A_341 = tpu.memref_squeeze %dma_wait3A_340 : memref<1x512xi32, #tpu.memory_space<vmem>> -> memref<512xi32, #tpu.memory_space<vmem>>
    %dma_wait3A_342 = tpu.memref_slice %arg2[%dma_wait3A_337, %mul3A_2] : memref<20x16384xi32, #tpu.memory_space<hbm>> -> memref<1x512xi32, #tpu.memory_space<hbm>>
    %dma_wait3A_343 = tpu.memref_squeeze %dma_wait3A_342 : memref<1x512xi32, #tpu.memory_space<hbm>> -> memref<512xi32, #tpu.memory_space<hbm>>
    %dma_wait3A_344 = arith.constant 0 : i32
    %dma_wait3A_345 = tpu.memref_slice %arg5[%dma_wait3A_338, %dma_wait3A_344] : memref<20x512xi32, #tpu.memory_space<vmem>> -> memref<1x512xi32, #tpu.memory_space<vmem>>
    %dma_wait3A_346 = tpu.memref_squeeze %dma_wait3A_345 : memref<1x512xi32, #tpu.memory_space<vmem>> -> memref<512xi32, #tpu.memory_space<vmem>>
    %dma_wait3A_347 = tpu.memref_slice %arg2[%dma_wait3A_337, %mul3A_2] : memref<20x16384xi32, #tpu.memory_space<hbm>> -> memref<1x512xi32, #tpu.memory_space<hbm>>
    %dma_wait3A_348 = tpu.memref_squeeze %dma_wait3A_347 : memref<1x512xi32, #tpu.memory_space<hbm>> -> memref<512xi32, #tpu.memory_space<hbm>>
    tpu.wait_dma2 semaphore(%arg12 : memref<!tpu.dma_semaphore, #tpu.memory_space<semaphore_mem>>) src(%dma_wait3A_348 : memref<512xi32, #tpu.memory_space<hbm>>) dst(%dma_wait3A_346 : memref<512xi32, #tpu.memory_space<vmem>>)
    %dma_wait3A_349 = arith.constant 9 : i32
    %dma_wait3A_350 = arith.constant 9 : i32
    %dma_wait3A_351 = arith.constant 0 : i32
    %dma_wait3A_352 = tpu.memref_slice %arg5[%dma_wait3A_350, %dma_wait3A_351] : memref<20x512xi32, #tpu.memory_space<vmem>> -> memref<1x512xi32, #tpu.memory_space<vmem>>
    %dma_wait3A_353 = tpu.memref_squeeze %dma_wait3A_352 : memref<1x512xi32, #tpu.memory_space<vmem>> -> memref<512xi32, #tpu.memory_space<vmem>>
    %dma_wait3A_354 = tpu.memref_slice %arg2[%dma_wait3A_349, %mul3A_2] : memref<20x16384xi32, #tpu.memory_space<hbm>> -> memref<1x512xi32, #tpu.memory_space<hbm>>
    %dma_wait3A_355 = tpu.memref_squeeze %dma_wait3A_354 : memref<1x512xi32, #tpu.memory_space<hbm>> -> memref<512xi32, #tpu.memory_space<hbm>>
    %dma_wait3A_356 = arith.constant 0 : i32
    %dma_wait3A_357 = tpu.memref_slice %arg5[%dma_wait3A_350, %dma_wait3A_356] : memref<20x512xi32, #tpu.memory_space<vmem>> -> memref<1x512xi32, #tpu.memory_space<vmem>>
    %dma_wait3A_358 = tpu.memref_squeeze %dma_wait3A_357 : memref<1x512xi32, #tpu.memory_space<vmem>> -> memref<512xi32, #tpu.memory_space<vmem>>
    %dma_wait3A_359 = tpu.memref_slice %arg2[%dma_wait3A_349, %mul3A_2] : memref<20x16384xi32, #tpu.memory_space<hbm>> -> memref<1x512xi32, #tpu.memory_space<hbm>>
    %dma_wait3A_360 = tpu.memref_squeeze %dma_wait3A_359 : memref<1x512xi32, #tpu.memory_space<hbm>> -> memref<512xi32, #tpu.memory_space<hbm>>
    tpu.wait_dma2 semaphore(%arg12 : memref<!tpu.dma_semaphore, #tpu.memory_space<semaphore_mem>>) src(%dma_wait3A_360 : memref<512xi32, #tpu.memory_space<hbm>>) dst(%dma_wait3A_358 : memref<512xi32, #tpu.memory_space<vmem>>)
    %dma_wait3A_361 = arith.constant 10 : i32
    %dma_wait3A_362 = arith.constant 10 : i32
    %dma_wait3A_363 = arith.constant 0 : i32
    %dma_wait3A_364 = tpu.memref_slice %arg5[%dma_wait3A_362, %dma_wait3A_363] : memref<20x512xi32, #tpu.memory_space<vmem>> -> memref<1x512xi32, #tpu.memory_space<vmem>>
    %dma_wait3A_365 = tpu.memref_squeeze %dma_wait3A_364 : memref<1x512xi32, #tpu.memory_space<vmem>> -> memref<512xi32, #tpu.memory_space<vmem>>
    %dma_wait3A_366 = tpu.memref_slice %arg2[%dma_wait3A_361, %mul3A_2] : memref<20x16384xi32, #tpu.memory_space<hbm>> -> memref<1x512xi32, #tpu.memory_space<hbm>>
    %dma_wait3A_367 = tpu.memref_squeeze %dma_wait3A_366 : memref<1x512xi32, #tpu.memory_space<hbm>> -> memref<512xi32, #tpu.memory_space<hbm>>
    %dma_wait3A_368 = arith.constant 0 : i32
    %dma_wait3A_369 = tpu.memref_slice %arg5[%dma_wait3A_362, %dma_wait3A_368] : memref<20x512xi32, #tpu.memory_space<vmem>> -> memref<1x512xi32, #tpu.memory_space<vmem>>
    %dma_wait3A_370 = tpu.memref_squeeze %dma_wait3A_369 : memref<1x512xi32, #tpu.memory_space<vmem>> -> memref<512xi32, #tpu.memory_space<vmem>>
    %dma_wait3A_371 = tpu.memref_slice %arg2[%dma_wait3A_361, %mul3A_2] : memref<20x16384xi32, #tpu.memory_space<hbm>> -> memref<1x512xi32, #tpu.memory_space<hbm>>
    %dma_wait3A_372 = tpu.memref_squeeze %dma_wait3A_371 : memref<1x512xi32, #tpu.memory_space<hbm>> -> memref<512xi32, #tpu.memory_space<hbm>>
    tpu.wait_dma2 semaphore(%arg12 : memref<!tpu.dma_semaphore, #tpu.memory_space<semaphore_mem>>) src(%dma_wait3A_372 : memref<512xi32, #tpu.memory_space<hbm>>) dst(%dma_wait3A_370 : memref<512xi32, #tpu.memory_space<vmem>>)
    %dma_wait3A_373 = arith.constant 11 : i32
    %dma_wait3A_374 = arith.constant 11 : i32
    %dma_wait3A_375 = arith.constant 0 : i32
    %dma_wait3A_376 = tpu.memref_slice %arg5[%dma_wait3A_374, %dma_wait3A_375] : memref<20x512xi32, #tpu.memory_space<vmem>> -> memref<1x512xi32, #tpu.memory_space<vmem>>
    %dma_wait3A_377 = tpu.memref_squeeze %dma_wait3A_376 : memref<1x512xi32, #tpu.memory_space<vmem>> -> memref<512xi32, #tpu.memory_space<vmem>>
    %dma_wait3A_378 = tpu.memref_slice %arg2[%dma_wait3A_373, %mul3A_2] : memref<20x16384xi32, #tpu.memory_space<hbm>> -> memref<1x512xi32, #tpu.memory_space<hbm>>
    %dma_wait3A_379 = tpu.memref_squeeze %dma_wait3A_378 : memref<1x512xi32, #tpu.memory_space<hbm>> -> memref<512xi32, #tpu.memory_space<hbm>>
    %dma_wait3A_380 = arith.constant 0 : i32
    %dma_wait3A_381 = tpu.memref_slice %arg5[%dma_wait3A_374, %dma_wait3A_380] : memref<20x512xi32, #tpu.memory_space<vmem>> -> memref<1x512xi32, #tpu.memory_space<vmem>>
    %dma_wait3A_382 = tpu.memref_squeeze %dma_wait3A_381 : memref<1x512xi32, #tpu.memory_space<vmem>> -> memref<512xi32, #tpu.memory_space<vmem>>
    %dma_wait3A_383 = tpu.memref_slice %arg2[%dma_wait3A_373, %mul3A_2] : memref<20x16384xi32, #tpu.memory_space<hbm>> -> memref<1x512xi32, #tpu.memory_space<hbm>>
    %dma_wait3A_384 = tpu.memref_squeeze %dma_wait3A_383 : memref<1x512xi32, #tpu.memory_space<hbm>> -> memref<512xi32, #tpu.memory_space<hbm>>
    tpu.wait_dma2 semaphore(%arg12 : memref<!tpu.dma_semaphore, #tpu.memory_space<semaphore_mem>>) src(%dma_wait3A_384 : memref<512xi32, #tpu.memory_space<hbm>>) dst(%dma_wait3A_382 : memref<512xi32, #tpu.memory_space<vmem>>)
    %dma_wait3A_385 = arith.constant 12 : i32
    %dma_wait3A_386 = arith.constant 12 : i32
    %dma_wait3A_387 = arith.constant 0 : i32
    %dma_wait3A_388 = tpu.memref_slice %arg5[%dma_wait3A_386, %dma_wait3A_387] : memref<20x512xi32, #tpu.memory_space<vmem>> -> memref<1x512xi32, #tpu.memory_space<vmem>>
    %dma_wait3A_389 = tpu.memref_squeeze %dma_wait3A_388 : memref<1x512xi32, #tpu.memory_space<vmem>> -> memref<512xi32, #tpu.memory_space<vmem>>
    %dma_wait3A_390 = tpu.memref_slice %arg2[%dma_wait3A_385, %mul3A_2] : memref<20x16384xi32, #tpu.memory_space<hbm>> -> memref<1x512xi32, #tpu.memory_space<hbm>>
    %dma_wait3A_391 = tpu.memref_squeeze %dma_wait3A_390 : memref<1x512xi32, #tpu.memory_space<hbm>> -> memref<512xi32, #tpu.memory_space<hbm>>
    %dma_wait3A_392 = arith.constant 0 : i32
    %dma_wait3A_393 = tpu.memref_slice %arg5[%dma_wait3A_386, %dma_wait3A_392] : memref<20x512xi32, #tpu.memory_space<vmem>> -> memref<1x512xi32, #tpu.memory_space<vmem>>
    %dma_wait3A_394 = tpu.memref_squeeze %dma_wait3A_393 : memref<1x512xi32, #tpu.memory_space<vmem>> -> memref<512xi32, #tpu.memory_space<vmem>>
    %dma_wait3A_395 = tpu.memref_slice %arg2[%dma_wait3A_385, %mul3A_2] : memref<20x16384xi32, #tpu.memory_space<hbm>> -> memref<1x512xi32, #tpu.memory_space<hbm>>
    %dma_wait3A_396 = tpu.memref_squeeze %dma_wait3A_395 : memref<1x512xi32, #tpu.memory_space<hbm>> -> memref<512xi32, #tpu.memory_space<hbm>>
    tpu.wait_dma2 semaphore(%arg12 : memref<!tpu.dma_semaphore, #tpu.memory_space<semaphore_mem>>) src(%dma_wait3A_396 : memref<512xi32, #tpu.memory_space<hbm>>) dst(%dma_wait3A_394 : memref<512xi32, #tpu.memory_space<vmem>>)
    %dma_wait3A_397 = arith.constant 13 : i32
    %dma_wait3A_398 = arith.constant 13 : i32
    %dma_wait3A_399 = arith.constant 0 : i32
    %dma_wait3A_400 = tpu.memref_slice %arg5[%dma_wait3A_398, %dma_wait3A_399] : memref<20x512xi32, #tpu.memory_space<vmem>> -> memref<1x512xi32, #tpu.memory_space<vmem>>
    %dma_wait3A_401 = tpu.memref_squeeze %dma_wait3A_400 : memref<1x512xi32, #tpu.memory_space<vmem>> -> memref<512xi32, #tpu.memory_space<vmem>>
    %dma_wait3A_402 = tpu.memref_slice %arg2[%dma_wait3A_397, %mul3A_2] : memref<20x16384xi32, #tpu.memory_space<hbm>> -> memref<1x512xi32, #tpu.memory_space<hbm>>
    %dma_wait3A_403 = tpu.memref_squeeze %dma_wait3A_402 : memref<1x512xi32, #tpu.memory_space<hbm>> -> memref<512xi32, #tpu.memory_space<hbm>>
    %dma_wait3A_404 = arith.constant 0 : i32
    %dma_wait3A_405 = tpu.memref_slice %arg5[%dma_wait3A_398, %dma_wait3A_404] : memref<20x512xi32, #tpu.memory_space<vmem>> -> memref<1x512xi32, #tpu.memory_space<vmem>>
    %dma_wait3A_406 = tpu.memref_squeeze %dma_wait3A_405 : memref<1x512xi32, #tpu.memory_space<vmem>> -> memref<512xi32, #tpu.memory_space<vmem>>
    %dma_wait3A_407 = tpu.memref_slice %arg2[%dma_wait3A_397, %mul3A_2] : memref<20x16384xi32, #tpu.memory_space<hbm>> -> memref<1x512xi32, #tpu.memory_space<hbm>>
    %dma_wait3A_408 = tpu.memref_squeeze %dma_wait3A_407 : memref<1x512xi32, #tpu.memory_space<hbm>> -> memref<512xi32, #tpu.memory_space<hbm>>
    tpu.wait_dma2 semaphore(%arg12 : memref<!tpu.dma_semaphore, #tpu.memory_space<semaphore_mem>>) src(%dma_wait3A_408 : memref<512xi32, #tpu.memory_space<hbm>>) dst(%dma_wait3A_406 : memref<512xi32, #tpu.memory_space<vmem>>)
    %dma_wait3A_409 = arith.constant 14 : i32
    %dma_wait3A_410 = arith.constant 14 : i32
    %dma_wait3A_411 = arith.constant 0 : i32
    %dma_wait3A_412 = tpu.memref_slice %arg5[%dma_wait3A_410, %dma_wait3A_411] : memref<20x512xi32, #tpu.memory_space<vmem>> -> memref<1x512xi32, #tpu.memory_space<vmem>>
    %dma_wait3A_413 = tpu.memref_squeeze %dma_wait3A_412 : memref<1x512xi32, #tpu.memory_space<vmem>> -> memref<512xi32, #tpu.memory_space<vmem>>
    %dma_wait3A_414 = tpu.memref_slice %arg2[%dma_wait3A_409, %mul3A_2] : memref<20x16384xi32, #tpu.memory_space<hbm>> -> memref<1x512xi32, #tpu.memory_space<hbm>>
    %dma_wait3A_415 = tpu.memref_squeeze %dma_wait3A_414 : memref<1x512xi32, #tpu.memory_space<hbm>> -> memref<512xi32, #tpu.memory_space<hbm>>
    %dma_wait3A_416 = arith.constant 0 : i32
    %dma_wait3A_417 = tpu.memref_slice %arg5[%dma_wait3A_410, %dma_wait3A_416] : memref<20x512xi32, #tpu.memory_space<vmem>> -> memref<1x512xi32, #tpu.memory_space<vmem>>
    %dma_wait3A_418 = tpu.memref_squeeze %dma_wait3A_417 : memref<1x512xi32, #tpu.memory_space<vmem>> -> memref<512xi32, #tpu.memory_space<vmem>>
    %dma_wait3A_419 = tpu.memref_slice %arg2[%dma_wait3A_409, %mul3A_2] : memref<20x16384xi32, #tpu.memory_space<hbm>> -> memref<1x512xi32, #tpu.memory_space<hbm>>
    %dma_wait3A_420 = tpu.memref_squeeze %dma_wait3A_419 : memref<1x512xi32, #tpu.memory_space<hbm>> -> memref<512xi32, #tpu.memory_space<hbm>>
    tpu.wait_dma2 semaphore(%arg12 : memref<!tpu.dma_semaphore, #tpu.memory_space<semaphore_mem>>) src(%dma_wait3A_420 : memref<512xi32, #tpu.memory_space<hbm>>) dst(%dma_wait3A_418 : memref<512xi32, #tpu.memory_space<vmem>>)
    %dma_wait3A_421 = arith.constant 15 : i32
    %dma_wait3A_422 = arith.constant 15 : i32
    %dma_wait3A_423 = arith.constant 0 : i32
    %dma_wait3A_424 = tpu.memref_slice %arg5[%dma_wait3A_422, %dma_wait3A_423] : memref<20x512xi32, #tpu.memory_space<vmem>> -> memref<1x512xi32, #tpu.memory_space<vmem>>
    %dma_wait3A_425 = tpu.memref_squeeze %dma_wait3A_424 : memref<1x512xi32, #tpu.memory_space<vmem>> -> memref<512xi32, #tpu.memory_space<vmem>>
    %dma_wait3A_426 = tpu.memref_slice %arg2[%dma_wait3A_421, %mul3A_2] : memref<20x16384xi32, #tpu.memory_space<hbm>> -> memref<1x512xi32, #tpu.memory_space<hbm>>
    %dma_wait3A_427 = tpu.memref_squeeze %dma_wait3A_426 : memref<1x512xi32, #tpu.memory_space<hbm>> -> memref<512xi32, #tpu.memory_space<hbm>>
    %dma_wait3A_428 = arith.constant 0 : i32
    %dma_wait3A_429 = tpu.memref_slice %arg5[%dma_wait3A_422, %dma_wait3A_428] : memref<20x512xi32, #tpu.memory_space<vmem>> -> memref<1x512xi32, #tpu.memory_space<vmem>>
    %dma_wait3A_430 = tpu.memref_squeeze %dma_wait3A_429 : memref<1x512xi32, #tpu.memory_space<vmem>> -> memref<512xi32, #tpu.memory_space<vmem>>
    %dma_wait3A_431 = tpu.memref_slice %arg2[%dma_wait3A_421, %mul3A_2] : memref<20x16384xi32, #tpu.memory_space<hbm>> -> memref<1x512xi32, #tpu.memory_space<hbm>>
    %dma_wait3A_432 = tpu.memref_squeeze %dma_wait3A_431 : memref<1x512xi32, #tpu.memory_space<hbm>> -> memref<512xi32, #tpu.memory_space<hbm>>
    tpu.wait_dma2 semaphore(%arg12 : memref<!tpu.dma_semaphore, #tpu.memory_space<semaphore_mem>>) src(%dma_wait3A_432 : memref<512xi32, #tpu.memory_space<hbm>>) dst(%dma_wait3A_430 : memref<512xi32, #tpu.memory_space<vmem>>)
    %dma_wait3A_433 = arith.constant 16 : i32
    %dma_wait3A_434 = arith.constant 16 : i32
    %dma_wait3A_435 = arith.constant 0 : i32
    %dma_wait3A_436 = tpu.memref_slice %arg5[%dma_wait3A_434, %dma_wait3A_435] : memref<20x512xi32, #tpu.memory_space<vmem>> -> memref<1x512xi32, #tpu.memory_space<vmem>>
    %dma_wait3A_437 = tpu.memref_squeeze %dma_wait3A_436 : memref<1x512xi32, #tpu.memory_space<vmem>> -> memref<512xi32, #tpu.memory_space<vmem>>
    %dma_wait3A_438 = tpu.memref_slice %arg2[%dma_wait3A_433, %mul3A_2] : memref<20x16384xi32, #tpu.memory_space<hbm>> -> memref<1x512xi32, #tpu.memory_space<hbm>>
    %dma_wait3A_439 = tpu.memref_squeeze %dma_wait3A_438 : memref<1x512xi32, #tpu.memory_space<hbm>> -> memref<512xi32, #tpu.memory_space<hbm>>
    %dma_wait3A_440 = arith.constant 0 : i32
    %dma_wait3A_441 = tpu.memref_slice %arg5[%dma_wait3A_434, %dma_wait3A_440] : memref<20x512xi32, #tpu.memory_space<vmem>> -> memref<1x512xi32, #tpu.memory_space<vmem>>
    %dma_wait3A_442 = tpu.memref_squeeze %dma_wait3A_441 : memref<1x512xi32, #tpu.memory_space<vmem>> -> memref<512xi32, #tpu.memory_space<vmem>>
    %dma_wait3A_443 = tpu.memref_slice %arg2[%dma_wait3A_433, %mul3A_2] : memref<20x16384xi32, #tpu.memory_space<hbm>> -> memref<1x512xi32, #tpu.memory_space<hbm>>
    %dma_wait3A_444 = tpu.memref_squeeze %dma_wait3A_443 : memref<1x512xi32, #tpu.memory_space<hbm>> -> memref<512xi32, #tpu.memory_space<hbm>>
    tpu.wait_dma2 semaphore(%arg12 : memref<!tpu.dma_semaphore, #tpu.memory_space<semaphore_mem>>) src(%dma_wait3A_444 : memref<512xi32, #tpu.memory_space<hbm>>) dst(%dma_wait3A_442 : memref<512xi32, #tpu.memory_space<vmem>>)
    %dma_wait3A_445 = arith.constant 17 : i32
    %dma_wait3A_446 = arith.constant 17 : i32
    %dma_wait3A_447 = arith.constant 0 : i32
    %dma_wait3A_448 = tpu.memref_slice %arg5[%dma_wait3A_446, %dma_wait3A_447] : memref<20x512xi32, #tpu.memory_space<vmem>> -> memref<1x512xi32, #tpu.memory_space<vmem>>
    %dma_wait3A_449 = tpu.memref_squeeze %dma_wait3A_448 : memref<1x512xi32, #tpu.memory_space<vmem>> -> memref<512xi32, #tpu.memory_space<vmem>>
    %dma_wait3A_450 = tpu.memref_slice %arg2[%dma_wait3A_445, %mul3A_2] : memref<20x16384xi32, #tpu.memory_space<hbm>> -> memref<1x512xi32, #tpu.memory_space<hbm>>
    %dma_wait3A_451 = tpu.memref_squeeze %dma_wait3A_450 : memref<1x512xi32, #tpu.memory_space<hbm>> -> memref<512xi32, #tpu.memory_space<hbm>>
    %dma_wait3A_452 = arith.constant 0 : i32
    %dma_wait3A_453 = tpu.memref_slice %arg5[%dma_wait3A_446, %dma_wait3A_452] : memref<20x512xi32, #tpu.memory_space<vmem>> -> memref<1x512xi32, #tpu.memory_space<vmem>>
    %dma_wait3A_454 = tpu.memref_squeeze %dma_wait3A_453 : memref<1x512xi32, #tpu.memory_space<vmem>> -> memref<512xi32, #tpu.memory_space<vmem>>
    %dma_wait3A_455 = tpu.memref_slice %arg2[%dma_wait3A_445, %mul3A_2] : memref<20x16384xi32, #tpu.memory_space<hbm>> -> memref<1x512xi32, #tpu.memory_space<hbm>>
    %dma_wait3A_456 = tpu.memref_squeeze %dma_wait3A_455 : memref<1x512xi32, #tpu.memory_space<hbm>> -> memref<512xi32, #tpu.memory_space<hbm>>
    tpu.wait_dma2 semaphore(%arg12 : memref<!tpu.dma_semaphore, #tpu.memory_space<semaphore_mem>>) src(%dma_wait3A_456 : memref<512xi32, #tpu.memory_space<hbm>>) dst(%dma_wait3A_454 : memref<512xi32, #tpu.memory_space<vmem>>)
    %dma_wait3A_457 = arith.constant 18 : i32
    %dma_wait3A_458 = arith.constant 18 : i32
    %dma_wait3A_459 = arith.constant 0 : i32
    %dma_wait3A_460 = tpu.memref_slice %arg5[%dma_wait3A_458, %dma_wait3A_459] : memref<20x512xi32, #tpu.memory_space<vmem>> -> memref<1x512xi32, #tpu.memory_space<vmem>>
    %dma_wait3A_461 = tpu.memref_squeeze %dma_wait3A_460 : memref<1x512xi32, #tpu.memory_space<vmem>> -> memref<512xi32, #tpu.memory_space<vmem>>
    %dma_wait3A_462 = tpu.memref_slice %arg2[%dma_wait3A_457, %mul3A_2] : memref<20x16384xi32, #tpu.memory_space<hbm>> -> memref<1x512xi32, #tpu.memory_space<hbm>>
    %dma_wait3A_463 = tpu.memref_squeeze %dma_wait3A_462 : memref<1x512xi32, #tpu.memory_space<hbm>> -> memref<512xi32, #tpu.memory_space<hbm>>
    %dma_wait3A_464 = arith.constant 0 : i32
    %dma_wait3A_465 = tpu.memref_slice %arg5[%dma_wait3A_458, %dma_wait3A_464] : memref<20x512xi32, #tpu.memory_space<vmem>> -> memref<1x512xi32, #tpu.memory_space<vmem>>
    %dma_wait3A_466 = tpu.memref_squeeze %dma_wait3A_465 : memref<1x512xi32, #tpu.memory_space<vmem>> -> memref<512xi32, #tpu.memory_space<vmem>>
    %dma_wait3A_467 = tpu.memref_slice %arg2[%dma_wait3A_457, %mul3A_2] : memref<20x16384xi32, #tpu.memory_space<hbm>> -> memref<1x512xi32, #tpu.memory_space<hbm>>
    %dma_wait3A_468 = tpu.memref_squeeze %dma_wait3A_467 : memref<1x512xi32, #tpu.memory_space<hbm>> -> memref<512xi32, #tpu.memory_space<hbm>>
    tpu.wait_dma2 semaphore(%arg12 : memref<!tpu.dma_semaphore, #tpu.memory_space<semaphore_mem>>) src(%dma_wait3A_468 : memref<512xi32, #tpu.memory_space<hbm>>) dst(%dma_wait3A_466 : memref<512xi32, #tpu.memory_space<vmem>>)
    %dma_wait3A_469 = arith.constant 19 : i32
    %dma_wait3A_470 = arith.constant 19 : i32
    %dma_wait3A_471 = arith.constant 0 : i32
    %dma_wait3A_472 = tpu.memref_slice %arg5[%dma_wait3A_470, %dma_wait3A_471] : memref<20x512xi32, #tpu.memory_space<vmem>> -> memref<1x512xi32, #tpu.memory_space<vmem>>
    %dma_wait3A_473 = tpu.memref_squeeze %dma_wait3A_472 : memref<1x512xi32, #tpu.memory_space<vmem>> -> memref<512xi32, #tpu.memory_space<vmem>>
    %dma_wait3A_474 = tpu.memref_slice %arg2[%dma_wait3A_469, %mul3A_2] : memref<20x16384xi32, #tpu.memory_space<hbm>> -> memref<1x512xi32, #tpu.memory_space<hbm>>
    %dma_wait3A_475 = tpu.memref_squeeze %dma_wait3A_474 : memref<1x512xi32, #tpu.memory_space<hbm>> -> memref<512xi32, #tpu.memory_space<hbm>>
    %dma_wait3A_476 = arith.constant 0 : i32
    %dma_wait3A_477 = tpu.memref_slice %arg5[%dma_wait3A_470, %dma_wait3A_476] : memref<20x512xi32, #tpu.memory_space<vmem>> -> memref<1x512xi32, #tpu.memory_space<vmem>>
    %dma_wait3A_478 = tpu.memref_squeeze %dma_wait3A_477 : memref<1x512xi32, #tpu.memory_space<vmem>> -> memref<512xi32, #tpu.memory_space<vmem>>
    %dma_wait3A_479 = tpu.memref_slice %arg2[%dma_wait3A_469, %mul3A_2] : memref<20x16384xi32, #tpu.memory_space<hbm>> -> memref<1x512xi32, #tpu.memory_space<hbm>>
    %dma_wait3A_480 = tpu.memref_squeeze %dma_wait3A_479 : memref<1x512xi32, #tpu.memory_space<hbm>> -> memref<512xi32, #tpu.memory_space<hbm>>
    tpu.wait_dma2 semaphore(%arg12 : memref<!tpu.dma_semaphore, #tpu.memory_space<semaphore_mem>>) src(%dma_wait3A_480 : memref<512xi32, #tpu.memory_space<hbm>>) dst(%dma_wait3A_478 : memref<512xi32, #tpu.memory_space<vmem>>)
    %scan3A = arith.constant 0 : i32
    %scan3A_481 = arith.constant 20 : i32
    %scan3A_482 = arith.addi %scan3A, %scan3A_481 : i32
    %scan3A_483 = arith.constant 1 : i32
    scf.for %scan3A_546 = %scan3A to %scan3A_482 step %scan3A_483  : i32 {
      %mul3A_547 = arith.constant 1 : i32
      %mul3A_548 = arith.muli %scan3A_546, %mul3A_547 : i32
      %add3A_549 = arith.constant 0 : i32
      %add3A_550 = arith.addi %add3A_549, %mul3A_548 : i32
      %get3A = arith.index_cast %add3A_550 : i32 to index
      %get3A_551 = arith.constant 0 : index
      %get3A_552 = tpu.vector_load %arg5[%get3A, %get3A_551] {strides = array<i32>} : memref<20x512xi32, #tpu.memory_space<vmem>>, vector<16xi32>,
      %shift_right_logical3A = arith.constant 2 : i32
      %shift_right_logical3A_553 = vector.broadcast %shift_right_logical3A : i32 to vector<16xi32>
      %shift_right_logical3A_554 = arith.shrui %get3A_552, %shift_right_logical3A_553 : vector<16xi32>
      %swap3A = arith.index_cast %add3A_550 : i32 to index
      %swap3A_555 = arith.constant 0 : index
      %swap3A_556 = tpu.vector_load %arg6[%swap3A, %swap3A_555] {strides = array<i32>} : memref<20x512xi32, #tpu.memory_space<vmem>>, vector<16xi32>,
      tpu.vector_store %arg6[%swap3A, %swap3A_555], %shift_right_logical3A_554 {strides = array<i32>} : memref<20x512xi32, #tpu.memory_space<vmem>>, vector<16xi32>,
      %and3A = arith.constant 3 : i32
      %and3A_557 = vector.broadcast %and3A : i32 to vector<16xi32>
      %and3A_558 = arith.andi %get3A_552, %and3A_557 : vector<16xi32>
      %shift_left3A = arith.constant 5 : i32
      %shift_left3A_559 = vector.broadcast %shift_left3A : i32 to vector<16xi32>
      %shift_left3A_560 = arith.shli %and3A_558, %shift_left3A_559 : vector<16xi32>
      %swap3A_561 = arith.index_cast %add3A_550 : i32 to index
      %swap3A_562 = arith.constant 0 : index
      %swap3A_563 = tpu.vector_load %arg7[%swap3A_561, %swap3A_562] {strides = array<i32>} : memref<20x512xi32, #tpu.memory_space<vmem>>, vector<16xi32>,
      tpu.vector_store %arg7[%swap3A_561, %swap3A_562], %shift_left3A_560 {strides = array<i32>} : memref<20x512xi32, #tpu.memory_space<vmem>>, vector<16xi32>,
      %get3A_564 = arith.index_cast %add3A_550 : i32 to index
      %get3A_565 = arith.constant 16 : index
      %get3A_566 = tpu.vector_load %arg5[%get3A_564, %get3A_565] {strides = array<i32>} : memref<20x512xi32, #tpu.memory_space<vmem>>, vector<16xi32>,
      %shift_right_logical3A_567 = arith.constant 2 : i32
      %shift_right_logical3A_568 = vector.broadcast %shift_right_logical3A_567 : i32 to vector<16xi32>
      %shift_right_logical3A_569 = arith.shrui %get3A_566, %shift_right_logical3A_568 : vector<16xi32>
      %swap3A_570 = arith.index_cast %add3A_550 : i32 to index
      %swap3A_571 = arith.constant 16 : index
      %swap3A_572 = tpu.vector_load %arg6[%swap3A_570, %swap3A_571] {strides = array<i32>} : memref<20x512xi32, #tpu.memory_space<vmem>>, vector<16xi32>,
      tpu.vector_store %arg6[%swap3A_570, %swap3A_571], %shift_right_logical3A_569 {strides = array<i32>} : memref<20x512xi32, #tpu.memory_space<vmem>>, vector<16xi32>,
      %and3A_573 = arith.constant 3 : i32
      %and3A_574 = vector.broadcast %and3A_573 : i32 to vector<16xi32>
      %and3A_575 = arith.andi %get3A_566, %and3A_574 : vector<16xi32>
      %shift_left3A_576 = arith.constant 5 : i32
      %shift_left3A_577 = vector.broadcast %shift_left3A_576 : i32 to vector<16xi32>
      %shift_left3A_578 = arith.shli %and3A_575, %shift_left3A_577 : vector<16xi32>
      %swap3A_579 = arith.index_cast %add3A_550 : i32 to index
      %swap3A_580 = arith.constant 16 : index
      %swap3A_581 = tpu.vector_load %arg7[%swap3A_579, %swap3A_580] {strides = array<i32>} : memref<20x512xi32, #tpu.memory_space<vmem>>, vector<16xi32>,
      tpu.vector_store %arg7[%swap3A_579, %swap3A_580], %shift_left3A_578 {strides = array<i32>} : memref<20x512xi32, #tpu.memory_space<vmem>>, vector<16xi32>,
      %get3A_582 = arith.index_cast %add3A_550 : i32 to index
      %get3A_583 = arith.constant 32 : index
      %get3A_584 = tpu.vector_load %arg5[%get3A_582, %get3A_583] {strides = array<i32>} : memref<20x512xi32, #tpu.memory_space<vmem>>, vector<16xi32>,
      %shift_right_logical3A_585 = arith.constant 2 : i32
      %shift_right_logical3A_586 = vector.broadcast %shift_right_logical3A_585 : i32 to vector<16xi32>
      %shift_right_logical3A_587 = arith.shrui %get3A_584, %shift_right_logical3A_586 : vector<16xi32>
      %swap3A_588 = arith.index_cast %add3A_550 : i32 to index
      %swap3A_589 = arith.constant 32 : index
      %swap3A_590 = tpu.vector_load %arg6[%swap3A_588, %swap3A_589] {strides = array<i32>} : memref<20x512xi32, #tpu.memory_space<vmem>>, vector<16xi32>,
      tpu.vector_store %arg6[%swap3A_588, %swap3A_589], %shift_right_logical3A_587 {strides = array<i32>} : memref<20x512xi32, #tpu.memory_space<vmem>>, vector<16xi32>,
      %and3A_591 = arith.constant 3 : i32
      %and3A_592 = vector.broadcast %and3A_591 : i32 to vector<16xi32>
      %and3A_593 = arith.andi %get3A_584, %and3A_592 : vector<16xi32>
      %shift_left3A_594 = arith.constant 5 : i32
      %shift_left3A_595 = vector.broadcast %shift_left3A_594 : i32 to vector<16xi32>
      %shift_left3A_596 = arith.shli %and3A_593, %shift_left3A_595 : vector<16xi32>
      %swap3A_597 = arith.index_cast %add3A_550 : i32 to index
      %swap3A_598 = arith.constant 32 : index
      %swap3A_599 = tpu.vector_load %arg7[%swap3A_597, %swap3A_598] {strides = array<i32>} : memref<20x512xi32, #tpu.memory_space<vmem>>, vector<16xi32>,
      tpu.vector_store %arg7[%swap3A_597, %swap3A_598], %shift_left3A_596 {strides = array<i32>} : memref<20x512xi32, #tpu.memory_space<vmem>>, vector<16xi32>,
      %get3A_600 = arith.index_cast %add3A_550 : i32 to index
      %get3A_601 = arith.constant 48 : index
      %get3A_602 = tpu.vector_load %arg5[%get3A_600, %get3A_601] {strides = array<i32>} : memref<20x512xi32, #tpu.memory_space<vmem>>, vector<16xi32>,
      %shift_right_logical3A_603 = arith.constant 2 : i32
      %shift_right_logical3A_604 = vector.broadcast %shift_right_logical3A_603 : i32 to vector<16xi32>
      %shift_right_logical3A_605 = arith.shrui %get3A_602, %shift_right_logical3A_604 : vector<16xi32>
      %swap3A_606 = arith.index_cast %add3A_550 : i32 to index
      %swap3A_607 = arith.constant 48 : index
      %swap3A_608 = tpu.vector_load %arg6[%swap3A_606, %swap3A_607] {strides = array<i32>} : memref<20x512xi32, #tpu.memory_space<vmem>>, vector<16xi32>,
      tpu.vector_store %arg6[%swap3A_606, %swap3A_607], %shift_right_logical3A_605 {strides = array<i32>} : memref<20x512xi32, #tpu.memory_space<vmem>>, vector<16xi32>,
      %and3A_609 = arith.constant 3 : i32
      %and3A_610 = vector.broadcast %and3A_609 : i32 to vector<16xi32>
      %and3A_611 = arith.andi %get3A_602, %and3A_610 : vector<16xi32>
      %shift_left3A_612 = arith.constant 5 : i32
      %shift_left3A_613 = vector.broadcast %shift_left3A_612 : i32 to vector<16xi32>
      %shift_left3A_614 = arith.shli %and3A_611, %shift_left3A_613 : vector<16xi32>
      %swap3A_615 = arith.index_cast %add3A_550 : i32 to index
      %swap3A_616 = arith.constant 48 : index
      %swap3A_617 = tpu.vector_load %arg7[%swap3A_615, %swap3A_616] {strides = array<i32>} : memref<20x512xi32, #tpu.memory_space<vmem>>, vector<16xi32>,
      tpu.vector_store %arg7[%swap3A_615, %swap3A_616], %shift_left3A_614 {strides = array<i32>} : memref<20x512xi32, #tpu.memory_space<vmem>>, vector<16xi32>,
      %get3A_618 = arith.index_cast %add3A_550 : i32 to index
      %get3A_619 = arith.constant 64 : index
      %get3A_620 = tpu.vector_load %arg5[%get3A_618, %get3A_619] {strides = array<i32>} : memref<20x512xi32, #tpu.memory_space<vmem>>, vector<16xi32>,
      %shift_right_logical3A_621 = arith.constant 2 : i32
      %shift_right_logical3A_622 = vector.broadcast %shift_right_logical3A_621 : i32 to vector<16xi32>
      %shift_right_logical3A_623 = arith.shrui %get3A_620, %shift_right_logical3A_622 : vector<16xi32>
      %swap3A_624 = arith.index_cast %add3A_550 : i32 to index
      %swap3A_625 = arith.constant 64 : index
      %swap3A_626 = tpu.vector_load %arg6[%swap3A_624, %swap3A_625] {strides = array<i32>} : memref<20x512xi32, #tpu.memory_space<vmem>>, vector<16xi32>,
      tpu.vector_store %arg6[%swap3A_624, %swap3A_625], %shift_right_logical3A_623 {strides = array<i32>} : memref<20x512xi32, #tpu.memory_space<vmem>>, vector<16xi32>,
      %and3A_627 = arith.constant 3 : i32
      %and3A_628 = vector.broadcast %and3A_627 : i32 to vector<16xi32>
      %and3A_629 = arith.andi %get3A_620, %and3A_628 : vector<16xi32>
      %shift_left3A_630 = arith.constant 5 : i32
      %shift_left3A_631 = vector.broadcast %shift_left3A_630 : i32 to vector<16xi32>
      %shift_left3A_632 = arith.shli %and3A_629, %shift_left3A_631 : vector<16xi32>
      %swap3A_633 = arith.index_cast %add3A_550 : i32 to index
      %swap3A_634 = arith.constant 64 : index
      %swap3A_635 = tpu.vector_load %arg7[%swap3A_633, %swap3A_634] {strides = array<i32>} : memref<20x512xi32, #tpu.memory_space<vmem>>, vector<16xi32>,
      tpu.vector_store %arg7[%swap3A_633, %swap3A_634], %shift_left3A_632 {strides = array<i32>} : memref<20x512xi32, #tpu.memory_space<vmem>>, vector<16xi32>,
      %get3A_636 = arith.index_cast %add3A_550 : i32 to index
      %get3A_637 = arith.constant 80 : index
      %get3A_638 = tpu.vector_load %arg5[%get3A_636, %get3A_637] {strides = array<i32>} : memref<20x512xi32, #tpu.memory_space<vmem>>, vector<16xi32>,
      %shift_right_logical3A_639 = arith.constant 2 : i32
      %shift_right_logical3A_640 = vector.broadcast %shift_right_logical3A_639 : i32 to vector<16xi32>
      %shift_right_logical3A_641 = arith.shrui %get3A_638, %shift_right_logical3A_640 : vector<16xi32>
      %swap3A_642 = arith.index_cast %add3A_550 : i32 to index
      %swap3A_643 = arith.constant 80 : index
      %swap3A_644 = tpu.vector_load %arg6[%swap3A_642, %swap3A_643] {strides = array<i32>} : memref<20x512xi32, #tpu.memory_space<vmem>>, vector<16xi32>,
      tpu.vector_store %arg6[%swap3A_642, %swap3A_643], %shift_right_logical3A_641 {strides = array<i32>} : memref<20x512xi32, #tpu.memory_space<vmem>>, vector<16xi32>,
      %and3A_645 = arith.constant 3 : i32
      %and3A_646 = vector.broadcast %and3A_645 : i32 to vector<16xi32>
      %and3A_647 = arith.andi %get3A_638, %and3A_646 : vector<16xi32>
      %shift_left3A_648 = arith.constant 5 : i32
      %shift_left3A_649 = vector.broadcast %shift_left3A_648 : i32 to vector<16xi32>
      %shift_left3A_650 = arith.shli %and3A_647, %shift_left3A_649 : vector<16xi32>
      %swap3A_651 = arith.index_cast %add3A_550 : i32 to index
      %swap3A_652 = arith.constant 80 : index
      %swap3A_653 = tpu.vector_load %arg7[%swap3A_651, %swap3A_652] {strides = array<i32>} : memref<20x512xi32, #tpu.memory_space<vmem>>, vector<16xi32>,
      tpu.vector_store %arg7[%swap3A_651, %swap3A_652], %shift_left3A_650 {strides = array<i32>} : memref<20x512xi32, #tpu.memory_space<vmem>>, vector<16xi32>,
      %get3A_654 = arith.index_cast %add3A_550 : i32 to index
      %get3A_655 = arith.constant 96 : index
      %get3A_656 = tpu.vector_load %arg5[%get3A_654, %get3A_655] {strides = array<i32>} : memref<20x512xi32, #tpu.memory_space<vmem>>, vector<16xi32>,
      %shift_right_logical3A_657 = arith.constant 2 : i32
      %shift_right_logical3A_658 = vector.broadcast %shift_right_logical3A_657 : i32 to vector<16xi32>
      %shift_right_logical3A_659 = arith.shrui %get3A_656, %shift_right_logical3A_658 : vector<16xi32>
      %swap3A_660 = arith.index_cast %add3A_550 : i32 to index
      %swap3A_661 = arith.constant 96 : index
      %swap3A_662 = tpu.vector_load %arg6[%swap3A_660, %swap3A_661] {strides = array<i32>} : memref<20x512xi32, #tpu.memory_space<vmem>>, vector<16xi32>,
      tpu.vector_store %arg6[%swap3A_660, %swap3A_661], %shift_right_logical3A_659 {strides = array<i32>} : memref<20x512xi32, #tpu.memory_space<vmem>>, vector<16xi32>,
      %and3A_663 = arith.constant 3 : i32
      %and3A_664 = vector.broadcast %and3A_663 : i32 to vector<16xi32>
      %and3A_665 = arith.andi %get3A_656, %and3A_664 : vector<16xi32>
      %shift_left3A_666 = arith.constant 5 : i32
      %shift_left3A_667 = vector.broadcast %shift_left3A_666 : i32 to vector<16xi32>
      %shift_left3A_668 = arith.shli %and3A_665, %shift_left3A_667 : vector<16xi32>
      %swap3A_669 = arith.index_cast %add3A_550 : i32 to index
      %swap3A_670 = arith.constant 96 : index
      %swap3A_671 = tpu.vector_load %arg7[%swap3A_669, %swap3A_670] {strides = array<i32>} : memref<20x512xi32, #tpu.memory_space<vmem>>, vector<16xi32>,
      tpu.vector_store %arg7[%swap3A_669, %swap3A_670], %shift_left3A_668 {strides = array<i32>} : memref<20x512xi32, #tpu.memory_space<vmem>>, vector<16xi32>,
      %get3A_672 = arith.index_cast %add3A_550 : i32 to index
      %get3A_673 = arith.constant 112 : index
      %get3A_674 = tpu.vector_load %arg5[%get3A_672, %get3A_673] {strides = array<i32>} : memref<20x512xi32, #tpu.memory_space<vmem>>, vector<16xi32>,
      %shift_right_logical3A_675 = arith.constant 2 : i32
      %shift_right_logical3A_676 = vector.broadcast %shift_right_logical3A_675 : i32 to vector<16xi32>
      %shift_right_logical3A_677 = arith.shrui %get3A_674, %shift_right_logical3A_676 : vector<16xi32>
      %swap3A_678 = arith.index_cast %add3A_550 : i32 to index
      %swap3A_679 = arith.constant 112 : index
      %swap3A_680 = tpu.vector_load %arg6[%swap3A_678, %swap3A_679] {strides = array<i32>} : memref<20x512xi32, #tpu.memory_space<vmem>>, vector<16xi32>,
      tpu.vector_store %arg6[%swap3A_678, %swap3A_679], %shift_right_logical3A_677 {strides = array<i32>} : memref<20x512xi32, #tpu.memory_space<vmem>>, vector<16xi32>,
      %and3A_681 = arith.constant 3 : i32
      %and3A_682 = vector.broadcast %and3A_681 : i32 to vector<16xi32>
      %and3A_683 = arith.andi %get3A_674, %and3A_682 : vector<16xi32>
      %shift_left3A_684 = arith.constant 5 : i32
      %shift_left3A_685 = vector.broadcast %shift_left3A_684 : i32 to vector<16xi32>
      %shift_left3A_686 = arith.shli %and3A_683, %shift_left3A_685 : vector<16xi32>
      %swap3A_687 = arith.index_cast %add3A_550 : i32 to index
      %swap3A_688 = arith.constant 112 : index
      %swap3A_689 = tpu.vector_load %arg7[%swap3A_687, %swap3A_688] {strides = array<i32>} : memref<20x512xi32, #tpu.memory_space<vmem>>, vector<16xi32>,
      tpu.vector_store %arg7[%swap3A_687, %swap3A_688], %shift_left3A_686 {strides = array<i32>} : memref<20x512xi32, #tpu.memory_space<vmem>>, vector<16xi32>,
      %get3A_690 = arith.index_cast %add3A_550 : i32 to index
      %get3A_691 = arith.constant 128 : index
      %get3A_692 = tpu.vector_load %arg5[%get3A_690, %get3A_691] {strides = array<i32>} : memref<20x512xi32, #tpu.memory_space<vmem>>, vector<16xi32>,
      %shift_right_logical3A_693 = arith.constant 2 : i32
      %shift_right_logical3A_694 = vector.broadcast %shift_right_logical3A_693 : i32 to vector<16xi32>
      %shift_right_logical3A_695 = arith.shrui %get3A_692, %shift_right_logical3A_694 : vector<16xi32>
      %swap3A_696 = arith.index_cast %add3A_550 : i32 to index
      %swap3A_697 = arith.constant 128 : index
      %swap3A_698 = tpu.vector_load %arg6[%swap3A_696, %swap3A_697] {strides = array<i32>} : memref<20x512xi32, #tpu.memory_space<vmem>>, vector<16xi32>,
      tpu.vector_store %arg6[%swap3A_696, %swap3A_697], %shift_right_logical3A_695 {strides = array<i32>} : memref<20x512xi32, #tpu.memory_space<vmem>>, vector<16xi32>,
      %and3A_699 = arith.constant 3 : i32
      %and3A_700 = vector.broadcast %and3A_699 : i32 to vector<16xi32>
      %and3A_701 = arith.andi %get3A_692, %and3A_700 : vector<16xi32>
      %shift_left3A_702 = arith.constant 5 : i32
      %shift_left3A_703 = vector.broadcast %shift_left3A_702 : i32 to vector<16xi32>
      %shift_left3A_704 = arith.shli %and3A_701, %shift_left3A_703 : vector<16xi32>
      %swap3A_705 = arith.index_cast %add3A_550 : i32 to index
      %swap3A_706 = arith.constant 128 : index
      %swap3A_707 = tpu.vector_load %arg7[%swap3A_705, %swap3A_706] {strides = array<i32>} : memref<20x512xi32, #tpu.memory_space<vmem>>, vector<16xi32>,
      tpu.vector_store %arg7[%swap3A_705, %swap3A_706], %shift_left3A_704 {strides = array<i32>} : memref<20x512xi32, #tpu.memory_space<vmem>>, vector<16xi32>,
      %get3A_708 = arith.index_cast %add3A_550 : i32 to index
      %get3A_709 = arith.constant 144 : index
      %get3A_710 = tpu.vector_load %arg5[%get3A_708, %get3A_709] {strides = array<i32>} : memref<20x512xi32, #tpu.memory_space<vmem>>, vector<16xi32>,
      %shift_right_logical3A_711 = arith.constant 2 : i32
      %shift_right_logical3A_712 = vector.broadcast %shift_right_logical3A_711 : i32 to vector<16xi32>
      %shift_right_logical3A_713 = arith.shrui %get3A_710, %shift_right_logical3A_712 : vector<16xi32>
      %swap3A_714 = arith.index_cast %add3A_550 : i32 to index
      %swap3A_715 = arith.constant 144 : index
      %swap3A_716 = tpu.vector_load %arg6[%swap3A_714, %swap3A_715] {strides = array<i32>} : memref<20x512xi32, #tpu.memory_space<vmem>>, vector<16xi32>,
      tpu.vector_store %arg6[%swap3A_714, %swap3A_715], %shift_right_logical3A_713 {strides = array<i32>} : memref<20x512xi32, #tpu.memory_space<vmem>>, vector<16xi32>,
      %and3A_717 = arith.constant 3 : i32
      %and3A_718 = vector.broadcast %and3A_717 : i32 to vector<16xi32>
      %and3A_719 = arith.andi %get3A_710, %and3A_718 : vector<16xi32>
      %shift_left3A_720 = arith.constant 5 : i32
      %shift_left3A_721 = vector.broadcast %shift_left3A_720 : i32 to vector<16xi32>
      %shift_left3A_722 = arith.shli %and3A_719, %shift_left3A_721 : vector<16xi32>
      %swap3A_723 = arith.index_cast %add3A_550 : i32 to index
      %swap3A_724 = arith.constant 144 : index
      %swap3A_725 = tpu.vector_load %arg7[%swap3A_723, %swap3A_724] {strides = array<i32>} : memref<20x512xi32, #tpu.memory_space<vmem>>, vector<16xi32>,
      tpu.vector_store %arg7[%swap3A_723, %swap3A_724], %shift_left3A_722 {strides = array<i32>} : memref<20x512xi32, #tpu.memory_space<vmem>>, vector<16xi32>,
      %get3A_726 = arith.index_cast %add3A_550 : i32 to index
      %get3A_727 = arith.constant 160 : index
      %get3A_728 = tpu.vector_load %arg5[%get3A_726, %get3A_727] {strides = array<i32>} : memref<20x512xi32, #tpu.memory_space<vmem>>, vector<16xi32>,
      %shift_right_logical3A_729 = arith.constant 2 : i32
      %shift_right_logical3A_730 = vector.broadcast %shift_right_logical3A_729 : i32 to vector<16xi32>
      %shift_right_logical3A_731 = arith.shrui %get3A_728, %shift_right_logical3A_730 : vector<16xi32>
      %swap3A_732 = arith.index_cast %add3A_550 : i32 to index
      %swap3A_733 = arith.constant 160 : index
      %swap3A_734 = tpu.vector_load %arg6[%swap3A_732, %swap3A_733] {strides = array<i32>} : memref<20x512xi32, #tpu.memory_space<vmem>>, vector<16xi32>,
      tpu.vector_store %arg6[%swap3A_732, %swap3A_733], %shift_right_logical3A_731 {strides = array<i32>} : memref<20x512xi32, #tpu.memory_space<vmem>>, vector<16xi32>,
      %and3A_735 = arith.constant 3 : i32
      %and3A_736 = vector.broadcast %and3A_735 : i32 to vector<16xi32>
      %and3A_737 = arith.andi %get3A_728, %and3A_736 : vector<16xi32>
      %shift_left3A_738 = arith.constant 5 : i32
      %shift_left3A_739 = vector.broadcast %shift_left3A_738 : i32 to vector<16xi32>
      %shift_left3A_740 = arith.shli %and3A_737, %shift_left3A_739 : vector<16xi32>
      %swap3A_741 = arith.index_cast %add3A_550 : i32 to index
      %swap3A_742 = arith.constant 160 : index
      %swap3A_743 = tpu.vector_load %arg7[%swap3A_741, %swap3A_742] {strides = array<i32>} : memref<20x512xi32, #tpu.memory_space<vmem>>, vector<16xi32>,
      tpu.vector_store %arg7[%swap3A_741, %swap3A_742], %shift_left3A_740 {strides = array<i32>} : memref<20x512xi32, #tpu.memory_space<vmem>>, vector<16xi32>,
      %get3A_744 = arith.index_cast %add3A_550 : i32 to index
      %get3A_745 = arith.constant 176 : index
      %get3A_746 = tpu.vector_load %arg5[%get3A_744, %get3A_745] {strides = array<i32>} : memref<20x512xi32, #tpu.memory_space<vmem>>, vector<16xi32>,
      %shift_right_logical3A_747 = arith.constant 2 : i32
      %shift_right_logical3A_748 = vector.broadcast %shift_right_logical3A_747 : i32 to vector<16xi32>
      %shift_right_logical3A_749 = arith.shrui %get3A_746, %shift_right_logical3A_748 : vector<16xi32>
      %swap3A_750 = arith.index_cast %add3A_550 : i32 to index
      %swap3A_751 = arith.constant 176 : index
      %swap3A_752 = tpu.vector_load %arg6[%swap3A_750, %swap3A_751] {strides = array<i32>} : memref<20x512xi32, #tpu.memory_space<vmem>>, vector<16xi32>,
      tpu.vector_store %arg6[%swap3A_750, %swap3A_751], %shift_right_logical3A_749 {strides = array<i32>} : memref<20x512xi32, #tpu.memory_space<vmem>>, vector<16xi32>,
      %and3A_753 = arith.constant 3 : i32
      %and3A_754 = vector.broadcast %and3A_753 : i32 to vector<16xi32>
      %and3A_755 = arith.andi %get3A_746, %and3A_754 : vector<16xi32>
      %shift_left3A_756 = arith.constant 5 : i32
      %shift_left3A_757 = vector.broadcast %shift_left3A_756 : i32 to vector<16xi32>
      %shift_left3A_758 = arith.shli %and3A_755, %shift_left3A_757 : vector<16xi32>
      %swap3A_759 = arith.index_cast %add3A_550 : i32 to index
      %swap3A_760 = arith.constant 176 : index
      %swap3A_761 = tpu.vector_load %arg7[%swap3A_759, %swap3A_760] {strides = array<i32>} : memref<20x512xi32, #tpu.memory_space<vmem>>, vector<16xi32>,
      tpu.vector_store %arg7[%swap3A_759, %swap3A_760], %shift_left3A_758 {strides = array<i32>} : memref<20x512xi32, #tpu.memory_space<vmem>>, vector<16xi32>,
      %get3A_762 = arith.index_cast %add3A_550 : i32 to index
      %get3A_763 = arith.constant 192 : index
      %get3A_764 = tpu.vector_load %arg5[%get3A_762, %get3A_763] {strides = array<i32>} : memref<20x512xi32, #tpu.memory_space<vmem>>, vector<16xi32>,
      %shift_right_logical3A_765 = arith.constant 2 : i32
      %shift_right_logical3A_766 = vector.broadcast %shift_right_logical3A_765 : i32 to vector<16xi32>
      %shift_right_logical3A_767 = arith.shrui %get3A_764, %shift_right_logical3A_766 : vector<16xi32>
      %swap3A_768 = arith.index_cast %add3A_550 : i32 to index
      %swap3A_769 = arith.constant 192 : index
      %swap3A_770 = tpu.vector_load %arg6[%swap3A_768, %swap3A_769] {strides = array<i32>} : memref<20x512xi32, #tpu.memory_space<vmem>>, vector<16xi32>,
      tpu.vector_store %arg6[%swap3A_768, %swap3A_769], %shift_right_logical3A_767 {strides = array<i32>} : memref<20x512xi32, #tpu.memory_space<vmem>>, vector<16xi32>,
      %and3A_771 = arith.constant 3 : i32
      %and3A_772 = vector.broadcast %and3A_771 : i32 to vector<16xi32>
      %and3A_773 = arith.andi %get3A_764, %and3A_772 : vector<16xi32>
      %shift_left3A_774 = arith.constant 5 : i32
      %shift_left3A_775 = vector.broadcast %shift_left3A_774 : i32 to vector<16xi32>
      %shift_left3A_776 = arith.shli %and3A_773, %shift_left3A_775 : vector<16xi32>
      %swap3A_777 = arith.index_cast %add3A_550 : i32 to index
      %swap3A_778 = arith.constant 192 : index
      %swap3A_779 = tpu.vector_load %arg7[%swap3A_777, %swap3A_778] {strides = array<i32>} : memref<20x512xi32, #tpu.memory_space<vmem>>, vector<16xi32>,
      tpu.vector_store %arg7[%swap3A_777, %swap3A_778], %shift_left3A_776 {strides = array<i32>} : memref<20x512xi32, #tpu.memory_space<vmem>>, vector<16xi32>,
      %get3A_780 = arith.index_cast %add3A_550 : i32 to index
      %get3A_781 = arith.constant 208 : index
      %get3A_782 = tpu.vector_load %arg5[%get3A_780, %get3A_781] {strides = array<i32>} : memref<20x512xi32, #tpu.memory_space<vmem>>, vector<16xi32>,
      %shift_right_logical3A_783 = arith.constant 2 : i32
      %shift_right_logical3A_784 = vector.broadcast %shift_right_logical3A_783 : i32 to vector<16xi32>
      %shift_right_logical3A_785 = arith.shrui %get3A_782, %shift_right_logical3A_784 : vector<16xi32>
      %swap3A_786 = arith.index_cast %add3A_550 : i32 to index
      %swap3A_787 = arith.constant 208 : index
      %swap3A_788 = tpu.vector_load %arg6[%swap3A_786, %swap3A_787] {strides = array<i32>} : memref<20x512xi32, #tpu.memory_space<vmem>>, vector<16xi32>,
      tpu.vector_store %arg6[%swap3A_786, %swap3A_787], %shift_right_logical3A_785 {strides = array<i32>} : memref<20x512xi32, #tpu.memory_space<vmem>>, vector<16xi32>,
      %and3A_789 = arith.constant 3 : i32
      %and3A_790 = vector.broadcast %and3A_789 : i32 to vector<16xi32>
      %and3A_791 = arith.andi %get3A_782, %and3A_790 : vector<16xi32>
      %shift_left3A_792 = arith.constant 5 : i32
      %shift_left3A_793 = vector.broadcast %shift_left3A_792 : i32 to vector<16xi32>
      %shift_left3A_794 = arith.shli %and3A_791, %shift_left3A_793 : vector<16xi32>
      %swap3A_795 = arith.index_cast %add3A_550 : i32 to index
      %swap3A_796 = arith.constant 208 : index
      %swap3A_797 = tpu.vector_load %arg7[%swap3A_795, %swap3A_796] {strides = array<i32>} : memref<20x512xi32, #tpu.memory_space<vmem>>, vector<16xi32>,
      tpu.vector_store %arg7[%swap3A_795, %swap3A_796], %shift_left3A_794 {strides = array<i32>} : memref<20x512xi32, #tpu.memory_space<vmem>>, vector<16xi32>,
      %get3A_798 = arith.index_cast %add3A_550 : i32 to index
      %get3A_799 = arith.constant 224 : index
      %get3A_800 = tpu.vector_load %arg5[%get3A_798, %get3A_799] {strides = array<i32>} : memref<20x512xi32, #tpu.memory_space<vmem>>, vector<16xi32>,
      %shift_right_logical3A_801 = arith.constant 2 : i32
      %shift_right_logical3A_802 = vector.broadcast %shift_right_logical3A_801 : i32 to vector<16xi32>
      %shift_right_logical3A_803 = arith.shrui %get3A_800, %shift_right_logical3A_802 : vector<16xi32>
      %swap3A_804 = arith.index_cast %add3A_550 : i32 to index
      %swap3A_805 = arith.constant 224 : index
      %swap3A_806 = tpu.vector_load %arg6[%swap3A_804, %swap3A_805] {strides = array<i32>} : memref<20x512xi32, #tpu.memory_space<vmem>>, vector<16xi32>,
      tpu.vector_store %arg6[%swap3A_804, %swap3A_805], %shift_right_logical3A_803 {strides = array<i32>} : memref<20x512xi32, #tpu.memory_space<vmem>>, vector<16xi32>,
      %and3A_807 = arith.constant 3 : i32
      %and3A_808 = vector.broadcast %and3A_807 : i32 to vector<16xi32>
      %and3A_809 = arith.andi %get3A_800, %and3A_808 : vector<16xi32>
      %shift_left3A_810 = arith.constant 5 : i32
      %shift_left3A_811 = vector.broadcast %shift_left3A_810 : i32 to vector<16xi32>
      %shift_left3A_812 = arith.shli %and3A_809, %shift_left3A_811 : vector<16xi32>
      %swap3A_813 = arith.index_cast %add3A_550 : i32 to index
      %swap3A_814 = arith.constant 224 : index
      %swap3A_815 = tpu.vector_load %arg7[%swap3A_813, %swap3A_814] {strides = array<i32>} : memref<20x512xi32, #tpu.memory_space<vmem>>, vector<16xi32>,
      tpu.vector_store %arg7[%swap3A_813, %swap3A_814], %shift_left3A_812 {strides = array<i32>} : memref<20x512xi32, #tpu.memory_space<vmem>>, vector<16xi32>,
      %get3A_816 = arith.index_cast %add3A_550 : i32 to index
      %get3A_817 = arith.constant 240 : index
      %get3A_818 = tpu.vector_load %arg5[%get3A_816, %get3A_817] {strides = array<i32>} : memref<20x512xi32, #tpu.memory_space<vmem>>, vector<16xi32>,
      %shift_right_logical3A_819 = arith.constant 2 : i32
      %shift_right_logical3A_820 = vector.broadcast %shift_right_logical3A_819 : i32 to vector<16xi32>
      %shift_right_logical3A_821 = arith.shrui %get3A_818, %shift_right_logical3A_820 : vector<16xi32>
      %swap3A_822 = arith.index_cast %add3A_550 : i32 to index
      %swap3A_823 = arith.constant 240 : index
      %swap3A_824 = tpu.vector_load %arg6[%swap3A_822, %swap3A_823] {strides = array<i32>} : memref<20x512xi32, #tpu.memory_space<vmem>>, vector<16xi32>,
      tpu.vector_store %arg6[%swap3A_822, %swap3A_823], %shift_right_logical3A_821 {strides = array<i32>} : memref<20x512xi32, #tpu.memory_space<vmem>>, vector<16xi32>,
      %and3A_825 = arith.constant 3 : i32
      %and3A_826 = vector.broadcast %and3A_825 : i32 to vector<16xi32>
      %and3A_827 = arith.andi %get3A_818, %and3A_826 : vector<16xi32>
      %shift_left3A_828 = arith.constant 5 : i32
      %shift_left3A_829 = vector.broadcast %shift_left3A_828 : i32 to vector<16xi32>
      %shift_left3A_830 = arith.shli %and3A_827, %shift_left3A_829 : vector<16xi32>
      %swap3A_831 = arith.index_cast %add3A_550 : i32 to index
      %swap3A_832 = arith.constant 240 : index
      %swap3A_833 = tpu.vector_load %arg7[%swap3A_831, %swap3A_832] {strides = array<i32>} : memref<20x512xi32, #tpu.memory_space<vmem>>, vector<16xi32>,
      tpu.vector_store %arg7[%swap3A_831, %swap3A_832], %shift_left3A_830 {strides = array<i32>} : memref<20x512xi32, #tpu.memory_space<vmem>>, vector<16xi32>,
      %get3A_834 = arith.index_cast %add3A_550 : i32 to index
      %get3A_835 = arith.constant 256 : index
      %get3A_836 = tpu.vector_load %arg5[%get3A_834, %get3A_835] {strides = array<i32>} : memref<20x512xi32, #tpu.memory_space<vmem>>, vector<16xi32>,
      %shift_right_logical3A_837 = arith.constant 2 : i32
      %shift_right_logical3A_838 = vector.broadcast %shift_right_logical3A_837 : i32 to vector<16xi32>
      %shift_right_logical3A_839 = arith.shrui %get3A_836, %shift_right_logical3A_838 : vector<16xi32>
      %swap3A_840 = arith.index_cast %add3A_550 : i32 to index
      %swap3A_841 = arith.constant 256 : index
      %swap3A_842 = tpu.vector_load %arg6[%swap3A_840, %swap3A_841] {strides = array<i32>} : memref<20x512xi32, #tpu.memory_space<vmem>>, vector<16xi32>,
      tpu.vector_store %arg6[%swap3A_840, %swap3A_841], %shift_right_logical3A_839 {strides = array<i32>} : memref<20x512xi32, #tpu.memory_space<vmem>>, vector<16xi32>,
      %and3A_843 = arith.constant 3 : i32
      %and3A_844 = vector.broadcast %and3A_843 : i32 to vector<16xi32>
      %and3A_845 = arith.andi %get3A_836, %and3A_844 : vector<16xi32>
      %shift_left3A_846 = arith.constant 5 : i32
      %shift_left3A_847 = vector.broadcast %shift_left3A_846 : i32 to vector<16xi32>
      %shift_left3A_848 = arith.shli %and3A_845, %shift_left3A_847 : vector<16xi32>
      %swap3A_849 = arith.index_cast %add3A_550 : i32 to index
      %swap3A_850 = arith.constant 256 : index
      %swap3A_851 = tpu.vector_load %arg7[%swap3A_849, %swap3A_850] {strides = array<i32>} : memref<20x512xi32, #tpu.memory_space<vmem>>, vector<16xi32>,
      tpu.vector_store %arg7[%swap3A_849, %swap3A_850], %shift_left3A_848 {strides = array<i32>} : memref<20x512xi32, #tpu.memory_space<vmem>>, vector<16xi32>,
      %get3A_852 = arith.index_cast %add3A_550 : i32 to index
      %get3A_853 = arith.constant 272 : index
      %get3A_854 = tpu.vector_load %arg5[%get3A_852, %get3A_853] {strides = array<i32>} : memref<20x512xi32, #tpu.memory_space<vmem>>, vector<16xi32>,
      %shift_right_logical3A_855 = arith.constant 2 : i32
      %shift_right_logical3A_856 = vector.broadcast %shift_right_logical3A_855 : i32 to vector<16xi32>
      %shift_right_logical3A_857 = arith.shrui %get3A_854, %shift_right_logical3A_856 : vector<16xi32>
      %swap3A_858 = arith.index_cast %add3A_550 : i32 to index
      %swap3A_859 = arith.constant 272 : index
      %swap3A_860 = tpu.vector_load %arg6[%swap3A_858, %swap3A_859] {strides = array<i32>} : memref<20x512xi32, #tpu.memory_space<vmem>>, vector<16xi32>,
      tpu.vector_store %arg6[%swap3A_858, %swap3A_859], %shift_right_logical3A_857 {strides = array<i32>} : memref<20x512xi32, #tpu.memory_space<vmem>>, vector<16xi32>,
      %and3A_861 = arith.constant 3 : i32
      %and3A_862 = vector.broadcast %and3A_861 : i32 to vector<16xi32>
      %and3A_863 = arith.andi %get3A_854, %and3A_862 : vector<16xi32>
      %shift_left3A_864 = arith.constant 5 : i32
      %shift_left3A_865 = vector.broadcast %shift_left3A_864 : i32 to vector<16xi32>
      %shift_left3A_866 = arith.shli %and3A_863, %shift_left3A_865 : vector<16xi32>
      %swap3A_867 = arith.index_cast %add3A_550 : i32 to index
      %swap3A_868 = arith.constant 272 : index
      %swap3A_869 = tpu.vector_load %arg7[%swap3A_867, %swap3A_868] {strides = array<i32>} : memref<20x512xi32, #tpu.memory_space<vmem>>, vector<16xi32>,
      tpu.vector_store %arg7[%swap3A_867, %swap3A_868], %shift_left3A_866 {strides = array<i32>} : memref<20x512xi32, #tpu.memory_space<vmem>>, vector<16xi32>,
      %get3A_870 = arith.index_cast %add3A_550 : i32 to index
      %get3A_871 = arith.constant 288 : index
      %get3A_872 = tpu.vector_load %arg5[%get3A_870, %get3A_871] {strides = array<i32>} : memref<20x512xi32, #tpu.memory_space<vmem>>, vector<16xi32>,
      %shift_right_logical3A_873 = arith.constant 2 : i32
      %shift_right_logical3A_874 = vector.broadcast %shift_right_logical3A_873 : i32 to vector<16xi32>
      %shift_right_logical3A_875 = arith.shrui %get3A_872, %shift_right_logical3A_874 : vector<16xi32>
      %swap3A_876 = arith.index_cast %add3A_550 : i32 to index
      %swap3A_877 = arith.constant 288 : index
      %swap3A_878 = tpu.vector_load %arg6[%swap3A_876, %swap3A_877] {strides = array<i32>} : memref<20x512xi32, #tpu.memory_space<vmem>>, vector<16xi32>,
      tpu.vector_store %arg6[%swap3A_876, %swap3A_877], %shift_right_logical3A_875 {strides = array<i32>} : memref<20x512xi32, #tpu.memory_space<vmem>>, vector<16xi32>,
      %and3A_879 = arith.constant 3 : i32
      %and3A_880 = vector.broadcast %and3A_879 : i32 to vector<16xi32>
      %and3A_881 = arith.andi %get3A_872, %and3A_880 : vector<16xi32>
      %shift_left3A_882 = arith.constant 5 : i32
      %shift_left3A_883 = vector.broadcast %shift_left3A_882 : i32 to vector<16xi32>
      %shift_left3A_884 = arith.shli %and3A_881, %shift_left3A_883 : vector<16xi32>
      %swap3A_885 = arith.index_cast %add3A_550 : i32 to index
      %swap3A_886 = arith.constant 288 : index
      %swap3A_887 = tpu.vector_load %arg7[%swap3A_885, %swap3A_886] {strides = array<i32>} : memref<20x512xi32, #tpu.memory_space<vmem>>, vector<16xi32>,
      tpu.vector_store %arg7[%swap3A_885, %swap3A_886], %shift_left3A_884 {strides = array<i32>} : memref<20x512xi32, #tpu.memory_space<vmem>>, vector<16xi32>,
      %get3A_888 = arith.index_cast %add3A_550 : i32 to index
      %get3A_889 = arith.constant 304 : index
      %get3A_890 = tpu.vector_load %arg5[%get3A_888, %get3A_889] {strides = array<i32>} : memref<20x512xi32, #tpu.memory_space<vmem>>, vector<16xi32>,
      %shift_right_logical3A_891 = arith.constant 2 : i32
      %shift_right_logical3A_892 = vector.broadcast %shift_right_logical3A_891 : i32 to vector<16xi32>
      %shift_right_logical3A_893 = arith.shrui %get3A_890, %shift_right_logical3A_892 : vector<16xi32>
      %swap3A_894 = arith.index_cast %add3A_550 : i32 to index
      %swap3A_895 = arith.constant 304 : index
      %swap3A_896 = tpu.vector_load %arg6[%swap3A_894, %swap3A_895] {strides = array<i32>} : memref<20x512xi32, #tpu.memory_space<vmem>>, vector<16xi32>,
      tpu.vector_store %arg6[%swap3A_894, %swap3A_895], %shift_right_logical3A_893 {strides = array<i32>} : memref<20x512xi32, #tpu.memory_space<vmem>>, vector<16xi32>,
      %and3A_897 = arith.constant 3 : i32
      %and3A_898 = vector.broadcast %and3A_897 : i32 to vector<16xi32>
      %and3A_899 = arith.andi %get3A_890, %and3A_898 : vector<16xi32>
      %shift_left3A_900 = arith.constant 5 : i32
      %shift_left3A_901 = vector.broadcast %shift_left3A_900 : i32 to vector<16xi32>
      %shift_left3A_902 = arith.shli %and3A_899, %shift_left3A_901 : vector<16xi32>
      %swap3A_903 = arith.index_cast %add3A_550 : i32 to index
      %swap3A_904 = arith.constant 304 : index
      %swap3A_905 = tpu.vector_load %arg7[%swap3A_903, %swap3A_904] {strides = array<i32>} : memref<20x512xi32, #tpu.memory_space<vmem>>, vector<16xi32>,
      tpu.vector_store %arg7[%swap3A_903, %swap3A_904], %shift_left3A_902 {strides = array<i32>} : memref<20x512xi32, #tpu.memory_space<vmem>>, vector<16xi32>,
      %get3A_906 = arith.index_cast %add3A_550 : i32 to index
      %get3A_907 = arith.constant 320 : index
      %get3A_908 = tpu.vector_load %arg5[%get3A_906, %get3A_907] {strides = array<i32>} : memref<20x512xi32, #tpu.memory_space<vmem>>, vector<16xi32>,
      %shift_right_logical3A_909 = arith.constant 2 : i32
      %shift_right_logical3A_910 = vector.broadcast %shift_right_logical3A_909 : i32 to vector<16xi32>
      %shift_right_logical3A_911 = arith.shrui %get3A_908, %shift_right_logical3A_910 : vector<16xi32>
      %swap3A_912 = arith.index_cast %add3A_550 : i32 to index
      %swap3A_913 = arith.constant 320 : index
      %swap3A_914 = tpu.vector_load %arg6[%swap3A_912, %swap3A_913] {strides = array<i32>} : memref<20x512xi32, #tpu.memory_space<vmem>>, vector<16xi32>,
      tpu.vector_store %arg6[%swap3A_912, %swap3A_913], %shift_right_logical3A_911 {strides = array<i32>} : memref<20x512xi32, #tpu.memory_space<vmem>>, vector<16xi32>,
      %and3A_915 = arith.constant 3 : i32
      %and3A_916 = vector.broadcast %and3A_915 : i32 to vector<16xi32>
      %and3A_917 = arith.andi %get3A_908, %and3A_916 : vector<16xi32>
      %shift_left3A_918 = arith.constant 5 : i32
      %shift_left3A_919 = vector.broadcast %shift_left3A_918 : i32 to vector<16xi32>
      %shift_left3A_920 = arith.shli %and3A_917, %shift_left3A_919 : vector<16xi32>
      %swap3A_921 = arith.index_cast %add3A_550 : i32 to index
      %swap3A_922 = arith.constant 320 : index
      %swap3A_923 = tpu.vector_load %arg7[%swap3A_921, %swap3A_922] {strides = array<i32>} : memref<20x512xi32, #tpu.memory_space<vmem>>, vector<16xi32>,
      tpu.vector_store %arg7[%swap3A_921, %swap3A_922], %shift_left3A_920 {strides = array<i32>} : memref<20x512xi32, #tpu.memory_space<vmem>>, vector<16xi32>,
      %get3A_924 = arith.index_cast %add3A_550 : i32 to index
      %get3A_925 = arith.constant 336 : index
      %get3A_926 = tpu.vector_load %arg5[%get3A_924, %get3A_925] {strides = array<i32>} : memref<20x512xi32, #tpu.memory_space<vmem>>, vector<16xi32>,
      %shift_right_logical3A_927 = arith.constant 2 : i32
      %shift_right_logical3A_928 = vector.broadcast %shift_right_logical3A_927 : i32 to vector<16xi32>
      %shift_right_logical3A_929 = arith.shrui %get3A_926, %shift_right_logical3A_928 : vector<16xi32>
      %swap3A_930 = arith.index_cast %add3A_550 : i32 to index
      %swap3A_931 = arith.constant 336 : index
      %swap3A_932 = tpu.vector_load %arg6[%swap3A_930, %swap3A_931] {strides = array<i32>} : memref<20x512xi32, #tpu.memory_space<vmem>>, vector<16xi32>,
      tpu.vector_store %arg6[%swap3A_930, %swap3A_931], %shift_right_logical3A_929 {strides = array<i32>} : memref<20x512xi32, #tpu.memory_space<vmem>>, vector<16xi32>,
      %and3A_933 = arith.constant 3 : i32
      %and3A_934 = vector.broadcast %and3A_933 : i32 to vector<16xi32>
      %and3A_935 = arith.andi %get3A_926, %and3A_934 : vector<16xi32>
      %shift_left3A_936 = arith.constant 5 : i32
      %shift_left3A_937 = vector.broadcast %shift_left3A_936 : i32 to vector<16xi32>
      %shift_left3A_938 = arith.shli %and3A_935, %shift_left3A_937 : vector<16xi32>
      %swap3A_939 = arith.index_cast %add3A_550 : i32 to index
      %swap3A_940 = arith.constant 336 : index
      %swap3A_941 = tpu.vector_load %arg7[%swap3A_939, %swap3A_940] {strides = array<i32>} : memref<20x512xi32, #tpu.memory_space<vmem>>, vector<16xi32>,
      tpu.vector_store %arg7[%swap3A_939, %swap3A_940], %shift_left3A_938 {strides = array<i32>} : memref<20x512xi32, #tpu.memory_space<vmem>>, vector<16xi32>,
      %get3A_942 = arith.index_cast %add3A_550 : i32 to index
      %get3A_943 = arith.constant 352 : index
      %get3A_944 = tpu.vector_load %arg5[%get3A_942, %get3A_943] {strides = array<i32>} : memref<20x512xi32, #tpu.memory_space<vmem>>, vector<16xi32>,
      %shift_right_logical3A_945 = arith.constant 2 : i32
      %shift_right_logical3A_946 = vector.broadcast %shift_right_logical3A_945 : i32 to vector<16xi32>
      %shift_right_logical3A_947 = arith.shrui %get3A_944, %shift_right_logical3A_946 : vector<16xi32>
      %swap3A_948 = arith.index_cast %add3A_550 : i32 to index
      %swap3A_949 = arith.constant 352 : index
      %swap3A_950 = tpu.vector_load %arg6[%swap3A_948, %swap3A_949] {strides = array<i32>} : memref<20x512xi32, #tpu.memory_space<vmem>>, vector<16xi32>,
      tpu.vector_store %arg6[%swap3A_948, %swap3A_949], %shift_right_logical3A_947 {strides = array<i32>} : memref<20x512xi32, #tpu.memory_space<vmem>>, vector<16xi32>,
      %and3A_951 = arith.constant 3 : i32
      %and3A_952 = vector.broadcast %and3A_951 : i32 to vector<16xi32>
      %and3A_953 = arith.andi %get3A_944, %and3A_952 : vector<16xi32>
      %shift_left3A_954 = arith.constant 5 : i32
      %shift_left3A_955 = vector.broadcast %shift_left3A_954 : i32 to vector<16xi32>
      %shift_left3A_956 = arith.shli %and3A_953, %shift_left3A_955 : vector<16xi32>
      %swap3A_957 = arith.index_cast %add3A_550 : i32 to index
      %swap3A_958 = arith.constant 352 : index
      %swap3A_959 = tpu.vector_load %arg7[%swap3A_957, %swap3A_958] {strides = array<i32>} : memref<20x512xi32, #tpu.memory_space<vmem>>, vector<16xi32>,
      tpu.vector_store %arg7[%swap3A_957, %swap3A_958], %shift_left3A_956 {strides = array<i32>} : memref<20x512xi32, #tpu.memory_space<vmem>>, vector<16xi32>,
      %get3A_960 = arith.index_cast %add3A_550 : i32 to index
      %get3A_961 = arith.constant 368 : index
      %get3A_962 = tpu.vector_load %arg5[%get3A_960, %get3A_961] {strides = array<i32>} : memref<20x512xi32, #tpu.memory_space<vmem>>, vector<16xi32>,
      %shift_right_logical3A_963 = arith.constant 2 : i32
      %shift_right_logical3A_964 = vector.broadcast %shift_right_logical3A_963 : i32 to vector<16xi32>
      %shift_right_logical3A_965 = arith.shrui %get3A_962, %shift_right_logical3A_964 : vector<16xi32>
      %swap3A_966 = arith.index_cast %add3A_550 : i32 to index
      %swap3A_967 = arith.constant 368 : index
      %swap3A_968 = tpu.vector_load %arg6[%swap3A_966, %swap3A_967] {strides = array<i32>} : memref<20x512xi32, #tpu.memory_space<vmem>>, vector<16xi32>,
      tpu.vector_store %arg6[%swap3A_966, %swap3A_967], %shift_right_logical3A_965 {strides = array<i32>} : memref<20x512xi32, #tpu.memory_space<vmem>>, vector<16xi32>,
      %and3A_969 = arith.constant 3 : i32
      %and3A_970 = vector.broadcast %and3A_969 : i32 to vector<16xi32>
      %and3A_971 = arith.andi %get3A_962, %and3A_970 : vector<16xi32>
      %shift_left3A_972 = arith.constant 5 : i32
      %shift_left3A_973 = vector.broadcast %shift_left3A_972 : i32 to vector<16xi32>
      %shift_left3A_974 = arith.shli %and3A_971, %shift_left3A_973 : vector<16xi32>
      %swap3A_975 = arith.index_cast %add3A_550 : i32 to index
      %swap3A_976 = arith.constant 368 : index
      %swap3A_977 = tpu.vector_load %arg7[%swap3A_975, %swap3A_976] {strides = array<i32>} : memref<20x512xi32, #tpu.memory_space<vmem>>, vector<16xi32>,
      tpu.vector_store %arg7[%swap3A_975, %swap3A_976], %shift_left3A_974 {strides = array<i32>} : memref<20x512xi32, #tpu.memory_space<vmem>>, vector<16xi32>,
      %get3A_978 = arith.index_cast %add3A_550 : i32 to index
      %get3A_979 = arith.constant 384 : index
      %get3A_980 = tpu.vector_load %arg5[%get3A_978, %get3A_979] {strides = array<i32>} : memref<20x512xi32, #tpu.memory_space<vmem>>, vector<16xi32>,
      %shift_right_logical3A_981 = arith.constant 2 : i32
      %shift_right_logical3A_982 = vector.broadcast %shift_right_logical3A_981 : i32 to vector<16xi32>
      %shift_right_logical3A_983 = arith.shrui %get3A_980, %shift_right_logical3A_982 : vector<16xi32>
      %swap3A_984 = arith.index_cast %add3A_550 : i32 to index
      %swap3A_985 = arith.constant 384 : index
      %swap3A_986 = tpu.vector_load %arg6[%swap3A_984, %swap3A_985] {strides = array<i32>} : memref<20x512xi32, #tpu.memory_space<vmem>>, vector<16xi32>,
      tpu.vector_store %arg6[%swap3A_984, %swap3A_985], %shift_right_logical3A_983 {strides = array<i32>} : memref<20x512xi32, #tpu.memory_space<vmem>>, vector<16xi32>,
      %and3A_987 = arith.constant 3 : i32
      %and3A_988 = vector.broadcast %and3A_987 : i32 to vector<16xi32>
      %and3A_989 = arith.andi %get3A_980, %and3A_988 : vector<16xi32>
      %shift_left3A_990 = arith.constant 5 : i32
      %shift_left3A_991 = vector.broadcast %shift_left3A_990 : i32 to vector<16xi32>
      %shift_left3A_992 = arith.shli %and3A_989, %shift_left3A_991 : vector<16xi32>
      %swap3A_993 = arith.index_cast %add3A_550 : i32 to index
      %swap3A_994 = arith.constant 384 : index
      %swap3A_995 = tpu.vector_load %arg7[%swap3A_993, %swap3A_994] {strides = array<i32>} : memref<20x512xi32, #tpu.memory_space<vmem>>, vector<16xi32>,
      tpu.vector_store %arg7[%swap3A_993, %swap3A_994], %shift_left3A_992 {strides = array<i32>} : memref<20x512xi32, #tpu.memory_space<vmem>>, vector<16xi32>,
      %get3A_996 = arith.index_cast %add3A_550 : i32 to index
      %get3A_997 = arith.constant 400 : index
      %get3A_998 = tpu.vector_load %arg5[%get3A_996, %get3A_997] {strides = array<i32>} : memref<20x512xi32, #tpu.memory_space<vmem>>, vector<16xi32>,
      %shift_right_logical3A_999 = arith.constant 2 : i32
      %shift_right_logical3A_1000 = vector.broadcast %shift_right_logical3A_999 : i32 to vector<16xi32>
      %shift_right_logical3A_1001 = arith.shrui %get3A_998, %shift_right_logical3A_1000 : vector<16xi32>
      %swap3A_1002 = arith.index_cast %add3A_550 : i32 to index
      %swap3A_1003 = arith.constant 400 : index
      %swap3A_1004 = tpu.vector_load %arg6[%swap3A_1002, %swap3A_1003] {strides = array<i32>} : memref<20x512xi32, #tpu.memory_space<vmem>>, vector<16xi32>,
      tpu.vector_store %arg6[%swap3A_1002, %swap3A_1003], %shift_right_logical3A_1001 {strides = array<i32>} : memref<20x512xi32, #tpu.memory_space<vmem>>, vector<16xi32>,
      %and3A_1005 = arith.constant 3 : i32
      %and3A_1006 = vector.broadcast %and3A_1005 : i32 to vector<16xi32>
      %and3A_1007 = arith.andi %get3A_998, %and3A_1006 : vector<16xi32>
      %shift_left3A_1008 = arith.constant 5 : i32
      %shift_left3A_1009 = vector.broadcast %shift_left3A_1008 : i32 to vector<16xi32>
      %shift_left3A_1010 = arith.shli %and3A_1007, %shift_left3A_1009 : vector<16xi32>
      %swap3A_1011 = arith.index_cast %add3A_550 : i32 to index
      %swap3A_1012 = arith.constant 400 : index
      %swap3A_1013 = tpu.vector_load %arg7[%swap3A_1011, %swap3A_1012] {strides = array<i32>} : memref<20x512xi32, #tpu.memory_space<vmem>>, vector<16xi32>,
      tpu.vector_store %arg7[%swap3A_1011, %swap3A_1012], %shift_left3A_1010 {strides = array<i32>} : memref<20x512xi32, #tpu.memory_space<vmem>>, vector<16xi32>,
      %get3A_1014 = arith.index_cast %add3A_550 : i32 to index
      %get3A_1015 = arith.constant 416 : index
      %get3A_1016 = tpu.vector_load %arg5[%get3A_1014, %get3A_1015] {strides = array<i32>} : memref<20x512xi32, #tpu.memory_space<vmem>>, vector<16xi32>,
      %shift_right_logical3A_1017 = arith.constant 2 : i32
      %shift_right_logical3A_1018 = vector.broadcast %shift_right_logical3A_1017 : i32 to vector<16xi32>
      %shift_right_logical3A_1019 = arith.shrui %get3A_1016, %shift_right_logical3A_1018 : vector<16xi32>
      %swap3A_1020 = arith.index_cast %add3A_550 : i32 to index
      %swap3A_1021 = arith.constant 416 : index
      %swap3A_1022 = tpu.vector_load %arg6[%swap3A_1020, %swap3A_1021] {strides = array<i32>} : memref<20x512xi32, #tpu.memory_space<vmem>>, vector<16xi32>,
      tpu.vector_store %arg6[%swap3A_1020, %swap3A_1021], %shift_right_logical3A_1019 {strides = array<i32>} : memref<20x512xi32, #tpu.memory_space<vmem>>, vector<16xi32>,
      %and3A_1023 = arith.constant 3 : i32
      %and3A_1024 = vector.broadcast %and3A_1023 : i32 to vector<16xi32>
      %and3A_1025 = arith.andi %get3A_1016, %and3A_1024 : vector<16xi32>
      %shift_left3A_1026 = arith.constant 5 : i32
      %shift_left3A_1027 = vector.broadcast %shift_left3A_1026 : i32 to vector<16xi32>
      %shift_left3A_1028 = arith.shli %and3A_1025, %shift_left3A_1027 : vector<16xi32>
      %swap3A_1029 = arith.index_cast %add3A_550 : i32 to index
      %swap3A_1030 = arith.constant 416 : index
      %swap3A_1031 = tpu.vector_load %arg7[%swap3A_1029, %swap3A_1030] {strides = array<i32>} : memref<20x512xi32, #tpu.memory_space<vmem>>, vector<16xi32>,
      tpu.vector_store %arg7[%swap3A_1029, %swap3A_1030], %shift_left3A_1028 {strides = array<i32>} : memref<20x512xi32, #tpu.memory_space<vmem>>, vector<16xi32>,
      %get3A_1032 = arith.index_cast %add3A_550 : i32 to index
      %get3A_1033 = arith.constant 432 : index
      %get3A_1034 = tpu.vector_load %arg5[%get3A_1032, %get3A_1033] {strides = array<i32>} : memref<20x512xi32, #tpu.memory_space<vmem>>, vector<16xi32>,
      %shift_right_logical3A_1035 = arith.constant 2 : i32
      %shift_right_logical3A_1036 = vector.broadcast %shift_right_logical3A_1035 : i32 to vector<16xi32>
      %shift_right_logical3A_1037 = arith.shrui %get3A_1034, %shift_right_logical3A_1036 : vector<16xi32>
      %swap3A_1038 = arith.index_cast %add3A_550 : i32 to index
      %swap3A_1039 = arith.constant 432 : index
      %swap3A_1040 = tpu.vector_load %arg6[%swap3A_1038, %swap3A_1039] {strides = array<i32>} : memref<20x512xi32, #tpu.memory_space<vmem>>, vector<16xi32>,
      tpu.vector_store %arg6[%swap3A_1038, %swap3A_1039], %shift_right_logical3A_1037 {strides = array<i32>} : memref<20x512xi32, #tpu.memory_space<vmem>>, vector<16xi32>,
      %and3A_1041 = arith.constant 3 : i32
      %and3A_1042 = vector.broadcast %and3A_1041 : i32 to vector<16xi32>
      %and3A_1043 = arith.andi %get3A_1034, %and3A_1042 : vector<16xi32>
      %shift_left3A_1044 = arith.constant 5 : i32
      %shift_left3A_1045 = vector.broadcast %shift_left3A_1044 : i32 to vector<16xi32>
      %shift_left3A_1046 = arith.shli %and3A_1043, %shift_left3A_1045 : vector<16xi32>
      %swap3A_1047 = arith.index_cast %add3A_550 : i32 to index
      %swap3A_1048 = arith.constant 432 : index
      %swap3A_1049 = tpu.vector_load %arg7[%swap3A_1047, %swap3A_1048] {strides = array<i32>} : memref<20x512xi32, #tpu.memory_space<vmem>>, vector<16xi32>,
      tpu.vector_store %arg7[%swap3A_1047, %swap3A_1048], %shift_left3A_1046 {strides = array<i32>} : memref<20x512xi32, #tpu.memory_space<vmem>>, vector<16xi32>,
      %get3A_1050 = arith.index_cast %add3A_550 : i32 to index
      %get3A_1051 = arith.constant 448 : index
      %get3A_1052 = tpu.vector_load %arg5[%get3A_1050, %get3A_1051] {strides = array<i32>} : memref<20x512xi32, #tpu.memory_space<vmem>>, vector<16xi32>,
      %shift_right_logical3A_1053 = arith.constant 2 : i32
      %shift_right_logical3A_1054 = vector.broadcast %shift_right_logical3A_1053 : i32 to vector<16xi32>
      %shift_right_logical3A_1055 = arith.shrui %get3A_1052, %shift_right_logical3A_1054 : vector<16xi32>
      %swap3A_1056 = arith.index_cast %add3A_550 : i32 to index
      %swap3A_1057 = arith.constant 448 : index
      %swap3A_1058 = tpu.vector_load %arg6[%swap3A_1056, %swap3A_1057] {strides = array<i32>} : memref<20x512xi32, #tpu.memory_space<vmem>>, vector<16xi32>,
      tpu.vector_store %arg6[%swap3A_1056, %swap3A_1057], %shift_right_logical3A_1055 {strides = array<i32>} : memref<20x512xi32, #tpu.memory_space<vmem>>, vector<16xi32>,
      %and3A_1059 = arith.constant 3 : i32
      %and3A_1060 = vector.broadcast %and3A_1059 : i32 to vector<16xi32>
      %and3A_1061 = arith.andi %get3A_1052, %and3A_1060 : vector<16xi32>
      %shift_left3A_1062 = arith.constant 5 : i32
      %shift_left3A_1063 = vector.broadcast %shift_left3A_1062 : i32 to vector<16xi32>
      %shift_left3A_1064 = arith.shli %and3A_1061, %shift_left3A_1063 : vector<16xi32>
      %swap3A_1065 = arith.index_cast %add3A_550 : i32 to index
      %swap3A_1066 = arith.constant 448 : index
      %swap3A_1067 = tpu.vector_load %arg7[%swap3A_1065, %swap3A_1066] {strides = array<i32>} : memref<20x512xi32, #tpu.memory_space<vmem>>, vector<16xi32>,
      tpu.vector_store %arg7[%swap3A_1065, %swap3A_1066], %shift_left3A_1064 {strides = array<i32>} : memref<20x512xi32, #tpu.memory_space<vmem>>, vector<16xi32>,
      %get3A_1068 = arith.index_cast %add3A_550 : i32 to index
      %get3A_1069 = arith.constant 464 : index
      %get3A_1070 = tpu.vector_load %arg5[%get3A_1068, %get3A_1069] {strides = array<i32>} : memref<20x512xi32, #tpu.memory_space<vmem>>, vector<16xi32>,
      %shift_right_logical3A_1071 = arith.constant 2 : i32
      %shift_right_logical3A_1072 = vector.broadcast %shift_right_logical3A_1071 : i32 to vector<16xi32>
      %shift_right_logical3A_1073 = arith.shrui %get3A_1070, %shift_right_logical3A_1072 : vector<16xi32>
      %swap3A_1074 = arith.index_cast %add3A_550 : i32 to index
      %swap3A_1075 = arith.constant 464 : index
      %swap3A_1076 = tpu.vector_load %arg6[%swap3A_1074, %swap3A_1075] {strides = array<i32>} : memref<20x512xi32, #tpu.memory_space<vmem>>, vector<16xi32>,
      tpu.vector_store %arg6[%swap3A_1074, %swap3A_1075], %shift_right_logical3A_1073 {strides = array<i32>} : memref<20x512xi32, #tpu.memory_space<vmem>>, vector<16xi32>,
      %and3A_1077 = arith.constant 3 : i32
      %and3A_1078 = vector.broadcast %and3A_1077 : i32 to vector<16xi32>
      %and3A_1079 = arith.andi %get3A_1070, %and3A_1078 : vector<16xi32>
      %shift_left3A_1080 = arith.constant 5 : i32
      %shift_left3A_1081 = vector.broadcast %shift_left3A_1080 : i32 to vector<16xi32>
      %shift_left3A_1082 = arith.shli %and3A_1079, %shift_left3A_1081 : vector<16xi32>
      %swap3A_1083 = arith.index_cast %add3A_550 : i32 to index
      %swap3A_1084 = arith.constant 464 : index
      %swap3A_1085 = tpu.vector_load %arg7[%swap3A_1083, %swap3A_1084] {strides = array<i32>} : memref<20x512xi32, #tpu.memory_space<vmem>>, vector<16xi32>,
      tpu.vector_store %arg7[%swap3A_1083, %swap3A_1084], %shift_left3A_1082 {strides = array<i32>} : memref<20x512xi32, #tpu.memory_space<vmem>>, vector<16xi32>,
      %get3A_1086 = arith.index_cast %add3A_550 : i32 to index
      %get3A_1087 = arith.constant 480 : index
      %get3A_1088 = tpu.vector_load %arg5[%get3A_1086, %get3A_1087] {strides = array<i32>} : memref<20x512xi32, #tpu.memory_space<vmem>>, vector<16xi32>,
      %shift_right_logical3A_1089 = arith.constant 2 : i32
      %shift_right_logical3A_1090 = vector.broadcast %shift_right_logical3A_1089 : i32 to vector<16xi32>
      %shift_right_logical3A_1091 = arith.shrui %get3A_1088, %shift_right_logical3A_1090 : vector<16xi32>
      %swap3A_1092 = arith.index_cast %add3A_550 : i32 to index
      %swap3A_1093 = arith.constant 480 : index
      %swap3A_1094 = tpu.vector_load %arg6[%swap3A_1092, %swap3A_1093] {strides = array<i32>} : memref<20x512xi32, #tpu.memory_space<vmem>>, vector<16xi32>,
      tpu.vector_store %arg6[%swap3A_1092, %swap3A_1093], %shift_right_logical3A_1091 {strides = array<i32>} : memref<20x512xi32, #tpu.memory_space<vmem>>, vector<16xi32>,
      %and3A_1095 = arith.constant 3 : i32
      %and3A_1096 = vector.broadcast %and3A_1095 : i32 to vector<16xi32>
      %and3A_1097 = arith.andi %get3A_1088, %and3A_1096 : vector<16xi32>
      %shift_left3A_1098 = arith.constant 5 : i32
      %shift_left3A_1099 = vector.broadcast %shift_left3A_1098 : i32 to vector<16xi32>
      %shift_left3A_1100 = arith.shli %and3A_1097, %shift_left3A_1099 : vector<16xi32>
      %swap3A_1101 = arith.index_cast %add3A_550 : i32 to index
      %swap3A_1102 = arith.constant 480 : index
      %swap3A_1103 = tpu.vector_load %arg7[%swap3A_1101, %swap3A_1102] {strides = array<i32>} : memref<20x512xi32, #tpu.memory_space<vmem>>, vector<16xi32>,
      tpu.vector_store %arg7[%swap3A_1101, %swap3A_1102], %shift_left3A_1100 {strides = array<i32>} : memref<20x512xi32, #tpu.memory_space<vmem>>, vector<16xi32>,
      %get3A_1104 = arith.index_cast %add3A_550 : i32 to index
      %get3A_1105 = arith.constant 496 : index
      %get3A_1106 = tpu.vector_load %arg5[%get3A_1104, %get3A_1105] {strides = array<i32>} : memref<20x512xi32, #tpu.memory_space<vmem>>, vector<16xi32>,
      %shift_right_logical3A_1107 = arith.constant 2 : i32
      %shift_right_logical3A_1108 = vector.broadcast %shift_right_logical3A_1107 : i32 to vector<16xi32>
      %shift_right_logical3A_1109 = arith.shrui %get3A_1106, %shift_right_logical3A_1108 : vector<16xi32>
      %swap3A_1110 = arith.index_cast %add3A_550 : i32 to index
      %swap3A_1111 = arith.constant 496 : index
      %swap3A_1112 = tpu.vector_load %arg6[%swap3A_1110, %swap3A_1111] {strides = array<i32>} : memref<20x512xi32, #tpu.memory_space<vmem>>, vector<16xi32>,
      tpu.vector_store %arg6[%swap3A_1110, %swap3A_1111], %shift_right_logical3A_1109 {strides = array<i32>} : memref<20x512xi32, #tpu.memory_space<vmem>>, vector<16xi32>,
      %and3A_1113 = arith.constant 3 : i32
      %and3A_1114 = vector.broadcast %and3A_1113 : i32 to vector<16xi32>
      %and3A_1115 = arith.andi %get3A_1106, %and3A_1114 : vector<16xi32>
      %shift_left3A_1116 = arith.constant 5 : i32
      %shift_left3A_1117 = vector.broadcast %shift_left3A_1116 : i32 to vector<16xi32>
      %shift_left3A_1118 = arith.shli %and3A_1115, %shift_left3A_1117 : vector<16xi32>
      %swap3A_1119 = arith.index_cast %add3A_550 : i32 to index
      %swap3A_1120 = arith.constant 496 : index
      %swap3A_1121 = tpu.vector_load %arg7[%swap3A_1119, %swap3A_1120] {strides = array<i32>} : memref<20x512xi32, #tpu.memory_space<vmem>>, vector<16xi32>,
      tpu.vector_store %arg7[%swap3A_1119, %swap3A_1120], %shift_left3A_1118 {strides = array<i32>} : memref<20x512xi32, #tpu.memory_space<vmem>>, vector<16xi32>,
    }
    %scan3A_484 = arith.constant 20 : i32
    %iota3A = tpu.iota {dimensions = array<i32: 0>} : vector<16xi32>
    %add3A_485 = arith.constant 0 : i32
    %add3A_486 = vector.broadcast %add3A_485 : i32 to vector<16xi32>
    %add3A_487 = arith.addi %add3A_486, %iota3A : vector<16xi32>
    %add3A_488 = arith.constant 16 : i32
    %add3A_489 = vector.broadcast %add3A_488 : i32 to vector<16xi32>
    %add3A_490 = arith.addi %add3A_489, %iota3A : vector<16xi32>
    %add3A_491 = arith.constant 32 : i32
    %add3A_492 = vector.broadcast %add3A_491 : i32 to vector<16xi32>
    %add3A_493 = arith.addi %add3A_492, %iota3A : vector<16xi32>
    %add3A_494 = arith.constant 48 : i32
    %add3A_495 = vector.broadcast %add3A_494 : i32 to vector<16xi32>
    %add3A_496 = arith.addi %add3A_495, %iota3A : vector<16xi32>
    %add3A_497 = arith.constant 64 : i32
    %add3A_498 = vector.broadcast %add3A_497 : i32 to vector<16xi32>
    %add3A_499 = arith.addi %add3A_498, %iota3A : vector<16xi32>
    %add3A_500 = arith.constant 80 : i32
    %add3A_501 = vector.broadcast %add3A_500 : i32 to vector<16xi32>
    %add3A_502 = arith.addi %add3A_501, %iota3A : vector<16xi32>
    %add3A_503 = arith.constant 96 : i32
    %add3A_504 = vector.broadcast %add3A_503 : i32 to vector<16xi32>
    %add3A_505 = arith.addi %add3A_504, %iota3A : vector<16xi32>
    %add3A_506 = arith.constant 112 : i32
    %add3A_507 = vector.broadcast %add3A_506 : i32 to vector<16xi32>
    %add3A_508 = arith.addi %add3A_507, %iota3A : vector<16xi32>
    %dma_start3A_509 = arith.constant 0 : i32
    %dma_start3A_510 = arith.constant 0 : i32
    %dma_start3A_511 = tpu.memref_slice %arg6[%dma_start3A_509, %dma_start3A_510] : memref<20x512xi32, #tpu.memory_space<vmem>> -> memref<1x128xi32, #tpu.memory_space<vmem>>
    %dma_start3A_512 = tpu.memref_squeeze %dma_start3A_511 : memref<1x128xi32, #tpu.memory_space<vmem>> -> memref<128xi32, #tpu.memory_space<vmem>>
    %dma_start3A_513 = arith.constant 0 : i32
    %dma_start3A_514 = arith.constant 0 : i32
    %dma_start3A_515 = tpu.memref_slice %arg3[%dma_start3A_513, %dma_start3A_514] : memref<250000x128xf32, #tpu.memory_space<hbm>> -> memref<250000x128xf32, #tpu.memory_space<hbm>>
    tpu.enqueue_indirect_dma source(%dma_start3A_515 : memref<250000x128xf32, #tpu.memory_space<hbm>>) target(%arg8 : memref<128x128xf32, #tpu.memory_space<vmem>>) offsets(%dma_start3A_512 : memref<128xi32, #tpu.memory_space<vmem>>) semaphore(%arg13 : memref<!tpu.dma_semaphore, #tpu.memory_space<semaphore_mem>>)
    %dma_start3A_516 = arith.constant 0 : i32
    %dma_start3A_517 = arith.constant 128 : i32
    %dma_start3A_518 = tpu.memref_slice %arg6[%dma_start3A_516, %dma_start3A_517] : memref<20x512xi32, #tpu.memory_space<vmem>> -> memref<1x128xi32, #tpu.memory_space<vmem>>
    %dma_start3A_519 = tpu.memref_squeeze %dma_start3A_518 : memref<1x128xi32, #tpu.memory_space<vmem>> -> memref<128xi32, #tpu.memory_space<vmem>>
    %dma_start3A_520 = arith.constant 0 : i32
    %dma_start3A_521 = arith.constant 0 : i32
    %dma_start3A_522 = tpu.memref_slice %arg3[%dma_start3A_520, %dma_start3A_521] : memref<250000x128xf32, #tpu.memory_space<hbm>> -> memref<250000x128xf32, #tpu.memory_space<hbm>>
    tpu.enqueue_indirect_dma source(%dma_start3A_522 : memref<250000x128xf32, #tpu.memory_space<hbm>>) target(%arg9 : memref<128x128xf32, #tpu.memory_space<vmem>>) offsets(%dma_start3A_519 : memref<128xi32, #tpu.memory_space<vmem>>) semaphore(%arg14 : memref<!tpu.dma_semaphore, #tpu.memory_space<semaphore_mem>>)
    %scan3A_523 = arith.constant 0 : i32
    %scan3A_524 = arith.constant 20 : i32
    %scan3A_525 = arith.addi %scan3A_523, %scan3A_524 : i32
    %scan3A_526 = arith.constant 1 : i32
    scf.for %scan3A_546 = %scan3A_523 to %scan3A_525 step %scan3A_526  : i32 {
      %mul3A_547 = arith.constant 1 : i32
      %mul3A_548 = arith.muli %scan3A_546, %mul3A_547 : i32
      %add3A_549 = arith.constant 0 : i32
      %add3A_550 = arith.addi %add3A_549, %mul3A_548 : i32
      %dma_wait3A_551 = arith.constant 0 : i32
      %dma_wait3A_552 = arith.constant 0 : i32
      %dma_wait3A_553 = tpu.memref_slice %arg3[%dma_wait3A_551, %dma_wait3A_552] : memref<250000x128xf32, #tpu.memory_space<hbm>> -> memref<128x128xf32, #tpu.memory_space<hbm>>
      %dma_wait3A_554 = arith.constant 0 : i32
      %dma_wait3A_555 = arith.constant 0 : i32
      %dma_wait3A_556 = tpu.memref_slice %arg3[%dma_wait3A_554, %dma_wait3A_555] : memref<250000x128xf32, #tpu.memory_space<hbm>> -> memref<128x128xf32, #tpu.memory_space<hbm>>
      tpu.wait_dma2 semaphore(%arg13 : memref<!tpu.dma_semaphore, #tpu.memory_space<semaphore_mem>>) src(%dma_wait3A_556 : memref<128x128xf32, #tpu.memory_space<hbm>>) dst(%arg8 : memref<128x128xf32, #tpu.memory_space<vmem>>)
      %gt3A = arith.constant 0 : i32
      %gt3A_557 = arith.cmpi sgt, %add3A_550, %gt3A : i32
      %convert_element_type3A = arith.extui %gt3A_557 : i1 to i32
      %cond3A = arith.constant 0 : i32
      %cond3A_558 = arith.cmpi ne, %convert_element_type3A, %cond3A : i32
      scf.if %cond3A_558 {
        %dma_wait3A_772 = arith.constant 0 : i32
        %dma_wait3A_773 = arith.constant 0 : i32
        %dma_wait3A_774 = arith.constant 0 : i32
        %dma_wait3A_775 = tpu.memref_slice %arg4[%dma_wait3A_772, %dma_wait3A_773, %dma_wait3A_774] : memref<20x32x16384xf32, #tpu.memory_space<hbm>> -> memref<1x32x128xf32, #tpu.memory_space<hbm>>
        %dma_wait3A_776 = tpu.memref_squeeze %dma_wait3A_775 : memref<1x32x128xf32, #tpu.memory_space<hbm>> -> memref<32x128xf32, #tpu.memory_space<hbm>>
        %dma_wait3A_777 = arith.constant 0 : i32
        %dma_wait3A_778 = arith.constant 0 : i32
        %dma_wait3A_779 = tpu.memref_slice %arg4[%dma_wait3A_772, %dma_wait3A_777, %dma_wait3A_778] : memref<20x32x16384xf32, #tpu.memory_space<hbm>> -> memref<1x32x128xf32, #tpu.memory_space<hbm>>
        %dma_wait3A_780 = tpu.memref_squeeze %dma_wait3A_779 : memref<1x32x128xf32, #tpu.memory_space<hbm>> -> memref<32x128xf32, #tpu.memory_space<hbm>>
        tpu.wait_dma2 semaphore(%arg15 : memref<!tpu.dma_semaphore, #tpu.memory_space<semaphore_mem>>) src(%arg10 : memref<32x128xf32, #tpu.memory_space<vmem>>) dst(%dma_wait3A_780 : memref<32x128xf32, #tpu.memory_space<hbm>>)
      } else {
      }
      %get3A = arith.index_cast %add3A_550 : i32 to index
      %get3A_559 = arith.constant 0 : index
      %get3A_560 = tpu.vector_load %arg7[%get3A, %get3A_559] {strides = array<i32>} : memref<20x512xi32, #tpu.memory_space<vmem>>, vector<16xi32>,
      %get3A_561 = arith.index_cast %add3A_550 : i32 to index
      %get3A_562 = arith.constant 16 : index
      %get3A_563 = tpu.vector_load %arg7[%get3A_561, %get3A_562] {strides = array<i32>} : memref<20x512xi32, #tpu.memory_space<vmem>>, vector<16xi32>,
      %get3A_564 = arith.index_cast %add3A_550 : i32 to index
      %get3A_565 = arith.constant 32 : index
      %get3A_566 = tpu.vector_load %arg7[%get3A_564, %get3A_565] {strides = array<i32>} : memref<20x512xi32, #tpu.memory_space<vmem>>, vector<16xi32>,
      %get3A_567 = arith.index_cast %add3A_550 : i32 to index
      %get3A_568 = arith.constant 48 : index
      %get3A_569 = tpu.vector_load %arg7[%get3A_567, %get3A_568] {strides = array<i32>} : memref<20x512xi32, #tpu.memory_space<vmem>>, vector<16xi32>,
      %get3A_570 = arith.index_cast %add3A_550 : i32 to index
      %get3A_571 = arith.constant 64 : index
      %get3A_572 = tpu.vector_load %arg7[%get3A_570, %get3A_571] {strides = array<i32>} : memref<20x512xi32, #tpu.memory_space<vmem>>, vector<16xi32>,
      %get3A_573 = arith.index_cast %add3A_550 : i32 to index
      %get3A_574 = arith.constant 80 : index
      %get3A_575 = tpu.vector_load %arg7[%get3A_573, %get3A_574] {strides = array<i32>} : memref<20x512xi32, #tpu.memory_space<vmem>>, vector<16xi32>,
      %get3A_576 = arith.index_cast %add3A_550 : i32 to index
      %get3A_577 = arith.constant 96 : index
      %get3A_578 = tpu.vector_load %arg7[%get3A_576, %get3A_577] {strides = array<i32>} : memref<20x512xi32, #tpu.memory_space<vmem>>, vector<16xi32>,
      %get3A_579 = arith.index_cast %add3A_550 : i32 to index
      %get3A_580 = arith.constant 112 : index
      %get3A_581 = tpu.vector_load %arg7[%get3A_579, %get3A_580] {strides = array<i32>} : memref<20x512xi32, #tpu.memory_space<vmem>>, vector<16xi32>,
      %scan3A_582 = arith.constant 0 : i32
      %scan3A_583 = arith.constant 32 : i32
      %scan3A_584 = arith.addi %scan3A_582, %scan3A_583 : i32
      %scan3A_585 = arith.constant 1 : i32
      scf.for %scan3A_772 = %scan3A_582 to %scan3A_584 step %scan3A_585  : i32 {
        %mul3A_773 = arith.constant 1 : i32
        %mul3A_774 = arith.muli %scan3A_772, %mul3A_773 : i32
        %add3A_775 = arith.constant 0 : i32
        %add3A_776 = arith.addi %add3A_775, %mul3A_774 : i32
        %add3A_777 = vector.broadcast %add3A_776 : i32 to vector<16xi32>
        %add3A_778 = arith.addi %get3A_560, %add3A_777 : vector<16xi32>
        %gather3A = tpu.vector_load_idx %arg8[%add3A_487, %add3A_778] : memref<128x128xf32, #tpu.memory_space<vmem>>[vector<16xi32>, vector<16xi32>], vector<16xf32>,
        %mul3A_779 = arith.constant 5.65685415 : f32
        %mul3A_780 = vector.broadcast %mul3A_779 : f32 to vector<16xf32>
        %mul3A_781 = arith.mulf %gather3A, %mul3A_780 : vector<16xf32>
        %swap3A = arith.index_cast %add3A_776 : i32 to index
        %swap3A_782 = arith.constant 0 : index
        %swap3A_783 = tpu.vector_load %arg10[%swap3A, %swap3A_782] {strides = array<i32>} : memref<32x128xf32, #tpu.memory_space<vmem>>, vector<16xf32>,
        tpu.vector_store %arg10[%swap3A, %swap3A_782], %mul3A_781 {strides = array<i32>} : memref<32x128xf32, #tpu.memory_space<vmem>>, vector<16xf32>,
        %add3A_784 = vector.broadcast %add3A_776 : i32 to vector<16xi32>
        %add3A_785 = arith.addi %get3A_563, %add3A_784 : vector<16xi32>
        %gather3A_786 = tpu.vector_load_idx %arg8[%add3A_490, %add3A_785] : memref<128x128xf32, #tpu.memory_space<vmem>>[vector<16xi32>, vector<16xi32>], vector<16xf32>,
        %mul3A_787 = arith.constant 5.65685415 : f32
        %mul3A_788 = vector.broadcast %mul3A_787 : f32 to vector<16xf32>
        %mul3A_789 = arith.mulf %gather3A_786, %mul3A_788 : vector<16xf32>
        %swap3A_790 = arith.index_cast %add3A_776 : i32 to index
        %swap3A_791 = arith.constant 16 : index
        %swap3A_792 = tpu.vector_load %arg10[%swap3A_790, %swap3A_791] {strides = array<i32>} : memref<32x128xf32, #tpu.memory_space<vmem>>, vector<16xf32>,
        tpu.vector_store %arg10[%swap3A_790, %swap3A_791], %mul3A_789 {strides = array<i32>} : memref<32x128xf32, #tpu.memory_space<vmem>>, vector<16xf32>,
        %add3A_793 = vector.broadcast %add3A_776 : i32 to vector<16xi32>
        %add3A_794 = arith.addi %get3A_566, %add3A_793 : vector<16xi32>
        %gather3A_795 = tpu.vector_load_idx %arg8[%add3A_493, %add3A_794] : memref<128x128xf32, #tpu.memory_space<vmem>>[vector<16xi32>, vector<16xi32>], vector<16xf32>,
        %mul3A_796 = arith.constant 5.65685415 : f32
        %mul3A_797 = vector.broadcast %mul3A_796 : f32 to vector<16xf32>
        %mul3A_798 = arith.mulf %gather3A_795, %mul3A_797 : vector<16xf32>
        %swap3A_799 = arith.index_cast %add3A_776 : i32 to index
        %swap3A_800 = arith.constant 32 : index
        %swap3A_801 = tpu.vector_load %arg10[%swap3A_799, %swap3A_800] {strides = array<i32>} : memref<32x128xf32, #tpu.memory_space<vmem>>, vector<16xf32>,
        tpu.vector_store %arg10[%swap3A_799, %swap3A_800], %mul3A_798 {strides = array<i32>} : memref<32x128xf32, #tpu.memory_space<vmem>>, vector<16xf32>,
        %add3A_802 = vector.broadcast %add3A_776 : i32 to vector<16xi32>
        %add3A_803 = arith.addi %get3A_569, %add3A_802 : vector<16xi32>
        %gather3A_804 = tpu.vector_load_idx %arg8[%add3A_496, %add3A_803] : memref<128x128xf32, #tpu.memory_space<vmem>>[vector<16xi32>, vector<16xi32>], vector<16xf32>,
        %mul3A_805 = arith.constant 5.65685415 : f32
        %mul3A_806 = vector.broadcast %mul3A_805 : f32 to vector<16xf32>
        %mul3A_807 = arith.mulf %gather3A_804, %mul3A_806 : vector<16xf32>
        %swap3A_808 = arith.index_cast %add3A_776 : i32 to index
        %swap3A_809 = arith.constant 48 : index
        %swap3A_810 = tpu.vector_load %arg10[%swap3A_808, %swap3A_809] {strides = array<i32>} : memref<32x128xf32, #tpu.memory_space<vmem>>, vector<16xf32>,
        tpu.vector_store %arg10[%swap3A_808, %swap3A_809], %mul3A_807 {strides = array<i32>} : memref<32x128xf32, #tpu.memory_space<vmem>>, vector<16xf32>,
        %add3A_811 = vector.broadcast %add3A_776 : i32 to vector<16xi32>
        %add3A_812 = arith.addi %get3A_572, %add3A_811 : vector<16xi32>
        %gather3A_813 = tpu.vector_load_idx %arg8[%add3A_499, %add3A_812] : memref<128x128xf32, #tpu.memory_space<vmem>>[vector<16xi32>, vector<16xi32>], vector<16xf32>,
        %mul3A_814 = arith.constant 5.65685415 : f32
        %mul3A_815 = vector.broadcast %mul3A_814 : f32 to vector<16xf32>
        %mul3A_816 = arith.mulf %gather3A_813, %mul3A_815 : vector<16xf32>
        %swap3A_817 = arith.index_cast %add3A_776 : i32 to index
        %swap3A_818 = arith.constant 64 : index
        %swap3A_819 = tpu.vector_load %arg10[%swap3A_817, %swap3A_818] {strides = array<i32>} : memref<32x128xf32, #tpu.memory_space<vmem>>, vector<16xf32>,
        tpu.vector_store %arg10[%swap3A_817, %swap3A_818], %mul3A_816 {strides = array<i32>} : memref<32x128xf32, #tpu.memory_space<vmem>>, vector<16xf32>,
        %add3A_820 = vector.broadcast %add3A_776 : i32 to vector<16xi32>
        %add3A_821 = arith.addi %get3A_575, %add3A_820 : vector<16xi32>
        %gather3A_822 = tpu.vector_load_idx %arg8[%add3A_502, %add3A_821] : memref<128x128xf32, #tpu.memory_space<vmem>>[vector<16xi32>, vector<16xi32>], vector<16xf32>,
        %mul3A_823 = arith.constant 5.65685415 : f32
        %mul3A_824 = vector.broadcast %mul3A_823 : f32 to vector<16xf32>
        %mul3A_825 = arith.mulf %gather3A_822, %mul3A_824 : vector<16xf32>
        %swap3A_826 = arith.index_cast %add3A_776 : i32 to index
        %swap3A_827 = arith.constant 80 : index
        %swap3A_828 = tpu.vector_load %arg10[%swap3A_826, %swap3A_827] {strides = array<i32>} : memref<32x128xf32, #tpu.memory_space<vmem>>, vector<16xf32>,
        tpu.vector_store %arg10[%swap3A_826, %swap3A_827], %mul3A_825 {strides = array<i32>} : memref<32x128xf32, #tpu.memory_space<vmem>>, vector<16xf32>,
        %add3A_829 = vector.broadcast %add3A_776 : i32 to vector<16xi32>
        %add3A_830 = arith.addi %get3A_578, %add3A_829 : vector<16xi32>
        %gather3A_831 = tpu.vector_load_idx %arg8[%add3A_505, %add3A_830] : memref<128x128xf32, #tpu.memory_space<vmem>>[vector<16xi32>, vector<16xi32>], vector<16xf32>,
        %mul3A_832 = arith.constant 5.65685415 : f32
        %mul3A_833 = vector.broadcast %mul3A_832 : f32 to vector<16xf32>
        %mul3A_834 = arith.mulf %gather3A_831, %mul3A_833 : vector<16xf32>
        %swap3A_835 = arith.index_cast %add3A_776 : i32 to index
        %swap3A_836 = arith.constant 96 : index
        %swap3A_837 = tpu.vector_load %arg10[%swap3A_835, %swap3A_836] {strides = array<i32>} : memref<32x128xf32, #tpu.memory_space<vmem>>, vector<16xf32>,
        tpu.vector_store %arg10[%swap3A_835, %swap3A_836], %mul3A_834 {strides = array<i32>} : memref<32x128xf32, #tpu.memory_space<vmem>>, vector<16xf32>,
        %add3A_838 = vector.broadcast %add3A_776 : i32 to vector<16xi32>
        %add3A_839 = arith.addi %get3A_581, %add3A_838 : vector<16xi32>
        %gather3A_840 = tpu.vector_load_idx %arg8[%add3A_508, %add3A_839] : memref<128x128xf32, #tpu.memory_space<vmem>>[vector<16xi32>, vector<16xi32>], vector<16xf32>,
        %mul3A_841 = arith.constant 5.65685415 : f32
        %mul3A_842 = vector.broadcast %mul3A_841 : f32 to vector<16xf32>
        %mul3A_843 = arith.mulf %gather3A_840, %mul3A_842 : vector<16xf32>
        %swap3A_844 = arith.index_cast %add3A_776 : i32 to index
        %swap3A_845 = arith.constant 112 : index
        %swap3A_846 = tpu.vector_load %arg10[%swap3A_844, %swap3A_845] {strides = array<i32>} : memref<32x128xf32, #tpu.memory_space<vmem>>, vector<16xf32>,
        tpu.vector_store %arg10[%swap3A_844, %swap3A_845], %mul3A_843 {strides = array<i32>} : memref<32x128xf32, #tpu.memory_space<vmem>>, vector<16xf32>,
      }
      %scan3A_586 = arith.constant 32 : i32
      %dma_start3A_587 = arith.constant 256 : i32
      %dma_start3A_588 = tpu.memref_slice %arg6[%add3A_550, %dma_start3A_587] : memref<20x512xi32, #tpu.memory_space<vmem>> -> memref<1x128xi32, #tpu.memory_space<vmem>>
      %dma_start3A_589 = tpu.memref_squeeze %dma_start3A_588 : memref<1x128xi32, #tpu.memory_space<vmem>> -> memref<128xi32, #tpu.memory_space<vmem>>
      %dma_start3A_590 = arith.constant 0 : i32
      %dma_start3A_591 = arith.constant 0 : i32
      %dma_start3A_592 = tpu.memref_slice %arg3[%dma_start3A_590, %dma_start3A_591] : memref<250000x128xf32, #tpu.memory_space<hbm>> -> memref<250000x128xf32, #tpu.memory_space<hbm>>
      tpu.enqueue_indirect_dma source(%dma_start3A_592 : memref<250000x128xf32, #tpu.memory_space<hbm>>) target(%arg8 : memref<128x128xf32, #tpu.memory_space<vmem>>) offsets(%dma_start3A_589 : memref<128xi32, #tpu.memory_space<vmem>>) semaphore(%arg13 : memref<!tpu.dma_semaphore, #tpu.memory_space<semaphore_mem>>)
      %add3A_593 = arith.constant 0 : i32
      %add3A_594 = arith.addi %mul3A_2, %add3A_593 : i32
      %dma_start3A_595 = arith.constant 0 : i32
      %dma_start3A_596 = tpu.memref_slice %arg4[%add3A_550, %dma_start3A_595, %add3A_594] : memref<20x32x16384xf32, #tpu.memory_space<hbm>> -> memref<1x32x128xf32, #tpu.memory_space<hbm>>
      %dma_start3A_597 = tpu.memref_squeeze %dma_start3A_596 : memref<1x32x128xf32, #tpu.memory_space<hbm>> -> memref<32x128xf32, #tpu.memory_space<hbm>>
      %dma_start3A_598 = arith.constant 0 : i32
      %dma_start3A_599 = tpu.memref_slice %arg4[%add3A_550, %dma_start3A_598, %add3A_594] : memref<20x32x16384xf32, #tpu.memory_space<hbm>> -> memref<1x32x128xf32, #tpu.memory_space<hbm>>
      %dma_start3A_600 = tpu.memref_squeeze %dma_start3A_599 : memref<1x32x128xf32, #tpu.memory_space<hbm>> -> memref<32x128xf32, #tpu.memory_space<hbm>>
      tpu.enqueue_dma source(%arg10 : memref<32x128xf32, #tpu.memory_space<vmem>>) target(%dma_start3A_600 : memref<32x128xf32, #tpu.memory_space<hbm>>) target_semaphore(%arg15 : memref<!tpu.dma_semaphore, #tpu.memory_space<semaphore_mem>>)
      %dma_wait3A_601 = arith.constant 0 : i32
      %dma_wait3A_602 = arith.constant 0 : i32
      %dma_wait3A_603 = tpu.memref_slice %arg3[%dma_wait3A_601, %dma_wait3A_602] : memref<250000x128xf32, #tpu.memory_space<hbm>> -> memref<128x128xf32, #tpu.memory_space<hbm>>
      %dma_wait3A_604 = arith.constant 0 : i32
      %dma_wait3A_605 = arith.constant 0 : i32
      %dma_wait3A_606 = tpu.memref_slice %arg3[%dma_wait3A_604, %dma_wait3A_605] : memref<250000x128xf32, #tpu.memory_space<hbm>> -> memref<128x128xf32, #tpu.memory_space<hbm>>
      tpu.wait_dma2 semaphore(%arg14 : memref<!tpu.dma_semaphore, #tpu.memory_space<semaphore_mem>>) src(%dma_wait3A_606 : memref<128x128xf32, #tpu.memory_space<hbm>>) dst(%arg9 : memref<128x128xf32, #tpu.memory_space<vmem>>)
      %gt3A_607 = arith.constant 0 : i32
      %gt3A_608 = arith.cmpi sgt, %add3A_550, %gt3A_607 : i32
      %convert_element_type3A_609 = arith.extui %gt3A_608 : i1 to i32
      %cond3A_610 = arith.constant 0 : i32
      %cond3A_611 = arith.cmpi ne, %convert_element_type3A_609, %cond3A_610 : i32
      scf.if %cond3A_611 {
        %dma_wait3A_772 = arith.constant 0 : i32
        %dma_wait3A_773 = arith.constant 0 : i32
        %dma_wait3A_774 = arith.constant 0 : i32
        %dma_wait3A_775 = tpu.memref_slice %arg4[%dma_wait3A_772, %dma_wait3A_773, %dma_wait3A_774] : memref<20x32x16384xf32, #tpu.memory_space<hbm>> -> memref<1x32x128xf32, #tpu.memory_space<hbm>>
        %dma_wait3A_776 = tpu.memref_squeeze %dma_wait3A_775 : memref<1x32x128xf32, #tpu.memory_space<hbm>> -> memref<32x128xf32, #tpu.memory_space<hbm>>
        %dma_wait3A_777 = arith.constant 0 : i32
        %dma_wait3A_778 = arith.constant 0 : i32
        %dma_wait3A_779 = tpu.memref_slice %arg4[%dma_wait3A_772, %dma_wait3A_777, %dma_wait3A_778] : memref<20x32x16384xf32, #tpu.memory_space<hbm>> -> memref<1x32x128xf32, #tpu.memory_space<hbm>>
        %dma_wait3A_780 = tpu.memref_squeeze %dma_wait3A_779 : memref<1x32x128xf32, #tpu.memory_space<hbm>> -> memref<32x128xf32, #tpu.memory_space<hbm>>
        tpu.wait_dma2 semaphore(%arg16 : memref<!tpu.dma_semaphore, #tpu.memory_space<semaphore_mem>>) src(%arg11 : memref<32x128xf32, #tpu.memory_space<vmem>>) dst(%dma_wait3A_780 : memref<32x128xf32, #tpu.memory_space<hbm>>)
      } else {
      }
      %get3A_612 = arith.index_cast %add3A_550 : i32 to index
      %get3A_613 = arith.constant 128 : index
      %get3A_614 = tpu.vector_load %arg7[%get3A_612, %get3A_613] {strides = array<i32>} : memref<20x512xi32, #tpu.memory_space<vmem>>, vector<16xi32>,
      %get3A_615 = arith.index_cast %add3A_550 : i32 to index
      %get3A_616 = arith.constant 144 : index
      %get3A_617 = tpu.vector_load %arg7[%get3A_615, %get3A_616] {strides = array<i32>} : memref<20x512xi32, #tpu.memory_space<vmem>>, vector<16xi32>,
      %get3A_618 = arith.index_cast %add3A_550 : i32 to index
      %get3A_619 = arith.constant 160 : index
      %get3A_620 = tpu.vector_load %arg7[%get3A_618, %get3A_619] {strides = array<i32>} : memref<20x512xi32, #tpu.memory_space<vmem>>, vector<16xi32>,
      %get3A_621 = arith.index_cast %add3A_550 : i32 to index
      %get3A_622 = arith.constant 176 : index
      %get3A_623 = tpu.vector_load %arg7[%get3A_621, %get3A_622] {strides = array<i32>} : memref<20x512xi32, #tpu.memory_space<vmem>>, vector<16xi32>,
      %get3A_624 = arith.index_cast %add3A_550 : i32 to index
      %get3A_625 = arith.constant 192 : index
      %get3A_626 = tpu.vector_load %arg7[%get3A_624, %get3A_625] {strides = array<i32>} : memref<20x512xi32, #tpu.memory_space<vmem>>, vector<16xi32>,
      %get3A_627 = arith.index_cast %add3A_550 : i32 to index
      %get3A_628 = arith.constant 208 : index
      %get3A_629 = tpu.vector_load %arg7[%get3A_627, %get3A_628] {strides = array<i32>} : memref<20x512xi32, #tpu.memory_space<vmem>>, vector<16xi32>,
      %get3A_630 = arith.index_cast %add3A_550 : i32 to index
      %get3A_631 = arith.constant 224 : index
      %get3A_632 = tpu.vector_load %arg7[%get3A_630, %get3A_631] {strides = array<i32>} : memref<20x512xi32, #tpu.memory_space<vmem>>, vector<16xi32>,
      %get3A_633 = arith.index_cast %add3A_550 : i32 to index
      %get3A_634 = arith.constant 240 : index
      %get3A_635 = tpu.vector_load %arg7[%get3A_633, %get3A_634] {strides = array<i32>} : memref<20x512xi32, #tpu.memory_space<vmem>>, vector<16xi32>,
      %scan3A_636 = arith.constant 0 : i32
      %scan3A_637 = arith.constant 32 : i32
      %scan3A_638 = arith.addi %scan3A_636, %scan3A_637 : i32
      %scan3A_639 = arith.constant 1 : i32
      scf.for %scan3A_772 = %scan3A_636 to %scan3A_638 step %scan3A_639  : i32 {
        %mul3A_773 = arith.constant 1 : i32
        %mul3A_774 = arith.muli %scan3A_772, %mul3A_773 : i32
        %add3A_775 = arith.constant 0 : i32
        %add3A_776 = arith.addi %add3A_775, %mul3A_774 : i32
        %add3A_777 = vector.broadcast %add3A_776 : i32 to vector<16xi32>
        %add3A_778 = arith.addi %get3A_614, %add3A_777 : vector<16xi32>
        %gather3A = tpu.vector_load_idx %arg9[%add3A_487, %add3A_778] : memref<128x128xf32, #tpu.memory_space<vmem>>[vector<16xi32>, vector<16xi32>], vector<16xf32>,
        %mul3A_779 = arith.constant 5.65685415 : f32
        %mul3A_780 = vector.broadcast %mul3A_779 : f32 to vector<16xf32>
        %mul3A_781 = arith.mulf %gather3A, %mul3A_780 : vector<16xf32>
        %swap3A = arith.index_cast %add3A_776 : i32 to index
        %swap3A_782 = arith.constant 0 : index
        %swap3A_783 = tpu.vector_load %arg11[%swap3A, %swap3A_782] {strides = array<i32>} : memref<32x128xf32, #tpu.memory_space<vmem>>, vector<16xf32>,
        tpu.vector_store %arg11[%swap3A, %swap3A_782], %mul3A_781 {strides = array<i32>} : memref<32x128xf32, #tpu.memory_space<vmem>>, vector<16xf32>,
        %add3A_784 = vector.broadcast %add3A_776 : i32 to vector<16xi32>
        %add3A_785 = arith.addi %get3A_617, %add3A_784 : vector<16xi32>
        %gather3A_786 = tpu.vector_load_idx %arg9[%add3A_490, %add3A_785] : memref<128x128xf32, #tpu.memory_space<vmem>>[vector<16xi32>, vector<16xi32>], vector<16xf32>,
        %mul3A_787 = arith.constant 5.65685415 : f32
        %mul3A_788 = vector.broadcast %mul3A_787 : f32 to vector<16xf32>
        %mul3A_789 = arith.mulf %gather3A_786, %mul3A_788 : vector<16xf32>
        %swap3A_790 = arith.index_cast %add3A_776 : i32 to index
        %swap3A_791 = arith.constant 16 : index
        %swap3A_792 = tpu.vector_load %arg11[%swap3A_790, %swap3A_791] {strides = array<i32>} : memref<32x128xf32, #tpu.memory_space<vmem>>, vector<16xf32>,
        tpu.vector_store %arg11[%swap3A_790, %swap3A_791], %mul3A_789 {strides = array<i32>} : memref<32x128xf32, #tpu.memory_space<vmem>>, vector<16xf32>,
        %add3A_793 = vector.broadcast %add3A_776 : i32 to vector<16xi32>
        %add3A_794 = arith.addi %get3A_620, %add3A_793 : vector<16xi32>
        %gather3A_795 = tpu.vector_load_idx %arg9[%add3A_493, %add3A_794] : memref<128x128xf32, #tpu.memory_space<vmem>>[vector<16xi32>, vector<16xi32>], vector<16xf32>,
        %mul3A_796 = arith.constant 5.65685415 : f32
        %mul3A_797 = vector.broadcast %mul3A_796 : f32 to vector<16xf32>
        %mul3A_798 = arith.mulf %gather3A_795, %mul3A_797 : vector<16xf32>
        %swap3A_799 = arith.index_cast %add3A_776 : i32 to index
        %swap3A_800 = arith.constant 32 : index
        %swap3A_801 = tpu.vector_load %arg11[%swap3A_799, %swap3A_800] {strides = array<i32>} : memref<32x128xf32, #tpu.memory_space<vmem>>, vector<16xf32>,
        tpu.vector_store %arg11[%swap3A_799, %swap3A_800], %mul3A_798 {strides = array<i32>} : memref<32x128xf32, #tpu.memory_space<vmem>>, vector<16xf32>,
        %add3A_802 = vector.broadcast %add3A_776 : i32 to vector<16xi32>
        %add3A_803 = arith.addi %get3A_623, %add3A_802 : vector<16xi32>
        %gather3A_804 = tpu.vector_load_idx %arg9[%add3A_496, %add3A_803] : memref<128x128xf32, #tpu.memory_space<vmem>>[vector<16xi32>, vector<16xi32>], vector<16xf32>,
        %mul3A_805 = arith.constant 5.65685415 : f32
        %mul3A_806 = vector.broadcast %mul3A_805 : f32 to vector<16xf32>
        %mul3A_807 = arith.mulf %gather3A_804, %mul3A_806 : vector<16xf32>
        %swap3A_808 = arith.index_cast %add3A_776 : i32 to index
        %swap3A_809 = arith.constant 48 : index
        %swap3A_810 = tpu.vector_load %arg11[%swap3A_808, %swap3A_809] {strides = array<i32>} : memref<32x128xf32, #tpu.memory_space<vmem>>, vector<16xf32>,
        tpu.vector_store %arg11[%swap3A_808, %swap3A_809], %mul3A_807 {strides = array<i32>} : memref<32x128xf32, #tpu.memory_space<vmem>>, vector<16xf32>,
        %add3A_811 = vector.broadcast %add3A_776 : i32 to vector<16xi32>
        %add3A_812 = arith.addi %get3A_626, %add3A_811 : vector<16xi32>
        %gather3A_813 = tpu.vector_load_idx %arg9[%add3A_499, %add3A_812] : memref<128x128xf32, #tpu.memory_space<vmem>>[vector<16xi32>, vector<16xi32>], vector<16xf32>,
        %mul3A_814 = arith.constant 5.65685415 : f32
        %mul3A_815 = vector.broadcast %mul3A_814 : f32 to vector<16xf32>
        %mul3A_816 = arith.mulf %gather3A_813, %mul3A_815 : vector<16xf32>
        %swap3A_817 = arith.index_cast %add3A_776 : i32 to index
        %swap3A_818 = arith.constant 64 : index
        %swap3A_819 = tpu.vector_load %arg11[%swap3A_817, %swap3A_818] {strides = array<i32>} : memref<32x128xf32, #tpu.memory_space<vmem>>, vector<16xf32>,
        tpu.vector_store %arg11[%swap3A_817, %swap3A_818], %mul3A_816 {strides = array<i32>} : memref<32x128xf32, #tpu.memory_space<vmem>>, vector<16xf32>,
        %add3A_820 = vector.broadcast %add3A_776 : i32 to vector<16xi32>
        %add3A_821 = arith.addi %get3A_629, %add3A_820 : vector<16xi32>
        %gather3A_822 = tpu.vector_load_idx %arg9[%add3A_502, %add3A_821] : memref<128x128xf32, #tpu.memory_space<vmem>>[vector<16xi32>, vector<16xi32>], vector<16xf32>,
        %mul3A_823 = arith.constant 5.65685415 : f32
        %mul3A_824 = vector.broadcast %mul3A_823 : f32 to vector<16xf32>
        %mul3A_825 = arith.mulf %gather3A_822, %mul3A_824 : vector<16xf32>
        %swap3A_826 = arith.index_cast %add3A_776 : i32 to index
        %swap3A_827 = arith.constant 80 : index
        %swap3A_828 = tpu.vector_load %arg11[%swap3A_826, %swap3A_827] {strides = array<i32>} : memref<32x128xf32, #tpu.memory_space<vmem>>, vector<16xf32>,
        tpu.vector_store %arg11[%swap3A_826, %swap3A_827], %mul3A_825 {strides = array<i32>} : memref<32x128xf32, #tpu.memory_space<vmem>>, vector<16xf32>,
        %add3A_829 = vector.broadcast %add3A_776 : i32 to vector<16xi32>
        %add3A_830 = arith.addi %get3A_632, %add3A_829 : vector<16xi32>
        %gather3A_831 = tpu.vector_load_idx %arg9[%add3A_505, %add3A_830] : memref<128x128xf32, #tpu.memory_space<vmem>>[vector<16xi32>, vector<16xi32>], vector<16xf32>,
        %mul3A_832 = arith.constant 5.65685415 : f32
        %mul3A_833 = vector.broadcast %mul3A_832 : f32 to vector<16xf32>
        %mul3A_834 = arith.mulf %gather3A_831, %mul3A_833 : vector<16xf32>
        %swap3A_835 = arith.index_cast %add3A_776 : i32 to index
        %swap3A_836 = arith.constant 96 : index
        %swap3A_837 = tpu.vector_load %arg11[%swap3A_835, %swap3A_836] {strides = array<i32>} : memref<32x128xf32, #tpu.memory_space<vmem>>, vector<16xf32>,
        tpu.vector_store %arg11[%swap3A_835, %swap3A_836], %mul3A_834 {strides = array<i32>} : memref<32x128xf32, #tpu.memory_space<vmem>>, vector<16xf32>,
        %add3A_838 = vector.broadcast %add3A_776 : i32 to vector<16xi32>
        %add3A_839 = arith.addi %get3A_635, %add3A_838 : vector<16xi32>
        %gather3A_840 = tpu.vector_load_idx %arg9[%add3A_508, %add3A_839] : memref<128x128xf32, #tpu.memory_space<vmem>>[vector<16xi32>, vector<16xi32>], vector<16xf32>,
        %mul3A_841 = arith.constant 5.65685415 : f32
        %mul3A_842 = vector.broadcast %mul3A_841 : f32 to vector<16xf32>
        %mul3A_843 = arith.mulf %gather3A_840, %mul3A_842 : vector<16xf32>
        %swap3A_844 = arith.index_cast %add3A_776 : i32 to index
        %swap3A_845 = arith.constant 112 : index
        %swap3A_846 = tpu.vector_load %arg11[%swap3A_844, %swap3A_845] {strides = array<i32>} : memref<32x128xf32, #tpu.memory_space<vmem>>, vector<16xf32>,
        tpu.vector_store %arg11[%swap3A_844, %swap3A_845], %mul3A_843 {strides = array<i32>} : memref<32x128xf32, #tpu.memory_space<vmem>>, vector<16xf32>,
      }
      %scan3A_640 = arith.constant 32 : i32
      %dma_start3A_641 = arith.constant 384 : i32
      %dma_start3A_642 = tpu.memref_slice %arg6[%add3A_550, %dma_start3A_641] : memref<20x512xi32, #tpu.memory_space<vmem>> -> memref<1x128xi32, #tpu.memory_space<vmem>>
      %dma_start3A_643 = tpu.memref_squeeze %dma_start3A_642 : memref<1x128xi32, #tpu.memory_space<vmem>> -> memref<128xi32, #tpu.memory_space<vmem>>
      %dma_start3A_644 = arith.constant 0 : i32
      %dma_start3A_645 = arith.constant 0 : i32
      %dma_start3A_646 = tpu.memref_slice %arg3[%dma_start3A_644, %dma_start3A_645] : memref<250000x128xf32, #tpu.memory_space<hbm>> -> memref<250000x128xf32, #tpu.memory_space<hbm>>
      tpu.enqueue_indirect_dma source(%dma_start3A_646 : memref<250000x128xf32, #tpu.memory_space<hbm>>) target(%arg9 : memref<128x128xf32, #tpu.memory_space<vmem>>) offsets(%dma_start3A_643 : memref<128xi32, #tpu.memory_space<vmem>>) semaphore(%arg14 : memref<!tpu.dma_semaphore, #tpu.memory_space<semaphore_mem>>)
      %add3A_647 = arith.constant 128 : i32
      %add3A_648 = arith.addi %mul3A_2, %add3A_647 : i32
      %dma_start3A_649 = arith.constant 0 : i32
      %dma_start3A_650 = tpu.memref_slice %arg4[%add3A_550, %dma_start3A_649, %add3A_648] : memref<20x32x16384xf32, #tpu.memory_space<hbm>> -> memref<1x32x128xf32, #tpu.memory_space<hbm>>
      %dma_start3A_651 = tpu.memref_squeeze %dma_start3A_650 : memref<1x32x128xf32, #tpu.memory_space<hbm>> -> memref<32x128xf32, #tpu.memory_space<hbm>>
      %dma_start3A_652 = arith.constant 0 : i32
      %dma_start3A_653 = tpu.memref_slice %arg4[%add3A_550, %dma_start3A_652, %add3A_648] : memref<20x32x16384xf32, #tpu.memory_space<hbm>> -> memref<1x32x128xf32, #tpu.memory_space<hbm>>
      %dma_start3A_654 = tpu.memref_squeeze %dma_start3A_653 : memref<1x32x128xf32, #tpu.memory_space<hbm>> -> memref<32x128xf32, #tpu.memory_space<hbm>>
      tpu.enqueue_dma source(%arg11 : memref<32x128xf32, #tpu.memory_space<vmem>>) target(%dma_start3A_654 : memref<32x128xf32, #tpu.memory_space<hbm>>) target_semaphore(%arg16 : memref<!tpu.dma_semaphore, #tpu.memory_space<semaphore_mem>>)
      %dma_wait3A_655 = arith.constant 0 : i32
      %dma_wait3A_656 = arith.constant 0 : i32
      %dma_wait3A_657 = tpu.memref_slice %arg3[%dma_wait3A_655, %dma_wait3A_656] : memref<250000x128xf32, #tpu.memory_space<hbm>> -> memref<128x128xf32, #tpu.memory_space<hbm>>
      %dma_wait3A_658 = arith.constant 0 : i32
      %dma_wait3A_659 = arith.constant 0 : i32
      %dma_wait3A_660 = tpu.memref_slice %arg3[%dma_wait3A_658, %dma_wait3A_659] : memref<250000x128xf32, #tpu.memory_space<hbm>> -> memref<128x128xf32, #tpu.memory_space<hbm>>
      tpu.wait_dma2 semaphore(%arg13 : memref<!tpu.dma_semaphore, #tpu.memory_space<semaphore_mem>>) src(%dma_wait3A_660 : memref<128x128xf32, #tpu.memory_space<hbm>>) dst(%arg8 : memref<128x128xf32, #tpu.memory_space<vmem>>)
      %dma_wait3A_661 = arith.constant 0 : i32
      %dma_wait3A_662 = arith.constant 0 : i32
      %dma_wait3A_663 = arith.constant 0 : i32
      %dma_wait3A_664 = tpu.memref_slice %arg4[%dma_wait3A_661, %dma_wait3A_662, %dma_wait3A_663] : memref<20x32x16384xf32, #tpu.memory_space<hbm>> -> memref<1x32x128xf32, #tpu.memory_space<hbm>>
      %dma_wait3A_665 = tpu.memref_squeeze %dma_wait3A_664 : memref<1x32x128xf32, #tpu.memory_space<hbm>> -> memref<32x128xf32, #tpu.memory_space<hbm>>
      %dma_wait3A_666 = arith.constant 0 : i32
      %dma_wait3A_667 = arith.constant 0 : i32
      %dma_wait3A_668 = tpu.memref_slice %arg4[%dma_wait3A_661, %dma_wait3A_666, %dma_wait3A_667] : memref<20x32x16384xf32, #tpu.memory_space<hbm>> -> memref<1x32x128xf32, #tpu.memory_space<hbm>>
      %dma_wait3A_669 = tpu.memref_squeeze %dma_wait3A_668 : memref<1x32x128xf32, #tpu.memory_space<hbm>> -> memref<32x128xf32, #tpu.memory_space<hbm>>
      tpu.wait_dma2 semaphore(%arg15 : memref<!tpu.dma_semaphore, #tpu.memory_space<semaphore_mem>>) src(%arg10 : memref<32x128xf32, #tpu.memory_space<vmem>>) dst(%dma_wait3A_669 : memref<32x128xf32, #tpu.memory_space<hbm>>)
      %get3A_670 = arith.index_cast %add3A_550 : i32 to index
      %get3A_671 = arith.constant 256 : index
      %get3A_672 = tpu.vector_load %arg7[%get3A_670, %get3A_671] {strides = array<i32>} : memref<20x512xi32, #tpu.memory_space<vmem>>, vector<16xi32>,
      %get3A_673 = arith.index_cast %add3A_550 : i32 to index
      %get3A_674 = arith.constant 272 : index
      %get3A_675 = tpu.vector_load %arg7[%get3A_673, %get3A_674] {strides = array<i32>} : memref<20x512xi32, #tpu.memory_space<vmem>>, vector<16xi32>,
      %get3A_676 = arith.index_cast %add3A_550 : i32 to index
      %get3A_677 = arith.constant 288 : index
      %get3A_678 = tpu.vector_load %arg7[%get3A_676, %get3A_677] {strides = array<i32>} : memref<20x512xi32, #tpu.memory_space<vmem>>, vector<16xi32>,
      %get3A_679 = arith.index_cast %add3A_550 : i32 to index
      %get3A_680 = arith.constant 304 : index
      %get3A_681 = tpu.vector_load %arg7[%get3A_679, %get3A_680] {strides = array<i32>} : memref<20x512xi32, #tpu.memory_space<vmem>>, vector<16xi32>,
      %get3A_682 = arith.index_cast %add3A_550 : i32 to index
      %get3A_683 = arith.constant 320 : index
      %get3A_684 = tpu.vector_load %arg7[%get3A_682, %get3A_683] {strides = array<i32>} : memref<20x512xi32, #tpu.memory_space<vmem>>, vector<16xi32>,
      %get3A_685 = arith.index_cast %add3A_550 : i32 to index
      %get3A_686 = arith.constant 336 : index
      %get3A_687 = tpu.vector_load %arg7[%get3A_685, %get3A_686] {strides = array<i32>} : memref<20x512xi32, #tpu.memory_space<vmem>>, vector<16xi32>,
      %get3A_688 = arith.index_cast %add3A_550 : i32 to index
      %get3A_689 = arith.constant 352 : index
      %get3A_690 = tpu.vector_load %arg7[%get3A_688, %get3A_689] {strides = array<i32>} : memref<20x512xi32, #tpu.memory_space<vmem>>, vector<16xi32>,
      %get3A_691 = arith.index_cast %add3A_550 : i32 to index
      %get3A_692 = arith.constant 368 : index
      %get3A_693 = tpu.vector_load %arg7[%get3A_691, %get3A_692] {strides = array<i32>} : memref<20x512xi32, #tpu.memory_space<vmem>>, vector<16xi32>,
      %scan3A_694 = arith.constant 0 : i32
      %scan3A_695 = arith.constant 32 : i32
      %scan3A_696 = arith.addi %scan3A_694, %scan3A_695 : i32
      %scan3A_697 = arith.constant 1 : i32
      scf.for %scan3A_772 = %scan3A_694 to %scan3A_696 step %scan3A_697  : i32 {
        %mul3A_773 = arith.constant 1 : i32
        %mul3A_774 = arith.muli %scan3A_772, %mul3A_773 : i32
        %add3A_775 = arith.constant 0 : i32
        %add3A_776 = arith.addi %add3A_775, %mul3A_774 : i32
        %add3A_777 = vector.broadcast %add3A_776 : i32 to vector<16xi32>
        %add3A_778 = arith.addi %get3A_672, %add3A_777 : vector<16xi32>
        %gather3A = tpu.vector_load_idx %arg8[%add3A_487, %add3A_778] : memref<128x128xf32, #tpu.memory_space<vmem>>[vector<16xi32>, vector<16xi32>], vector<16xf32>,
        %mul3A_779 = arith.constant 5.65685415 : f32
        %mul3A_780 = vector.broadcast %mul3A_779 : f32 to vector<16xf32>
        %mul3A_781 = arith.mulf %gather3A, %mul3A_780 : vector<16xf32>
        %swap3A = arith.index_cast %add3A_776 : i32 to index
        %swap3A_782 = arith.constant 0 : index
        %swap3A_783 = tpu.vector_load %arg10[%swap3A, %swap3A_782] {strides = array<i32>} : memref<32x128xf32, #tpu.memory_space<vmem>>, vector<16xf32>,
        tpu.vector_store %arg10[%swap3A, %swap3A_782], %mul3A_781 {strides = array<i32>} : memref<32x128xf32, #tpu.memory_space<vmem>>, vector<16xf32>,
        %add3A_784 = vector.broadcast %add3A_776 : i32 to vector<16xi32>
        %add3A_785 = arith.addi %get3A_675, %add3A_784 : vector<16xi32>
        %gather3A_786 = tpu.vector_load_idx %arg8[%add3A_490, %add3A_785] : memref<128x128xf32, #tpu.memory_space<vmem>>[vector<16xi32>, vector<16xi32>], vector<16xf32>,
        %mul3A_787 = arith.constant 5.65685415 : f32
        %mul3A_788 = vector.broadcast %mul3A_787 : f32 to vector<16xf32>
        %mul3A_789 = arith.mulf %gather3A_786, %mul3A_788 : vector<16xf32>
        %swap3A_790 = arith.index_cast %add3A_776 : i32 to index
        %swap3A_791 = arith.constant 16 : index
        %swap3A_792 = tpu.vector_load %arg10[%swap3A_790, %swap3A_791] {strides = array<i32>} : memref<32x128xf32, #tpu.memory_space<vmem>>, vector<16xf32>,
        tpu.vector_store %arg10[%swap3A_790, %swap3A_791], %mul3A_789 {strides = array<i32>} : memref<32x128xf32, #tpu.memory_space<vmem>>, vector<16xf32>,
        %add3A_793 = vector.broadcast %add3A_776 : i32 to vector<16xi32>
        %add3A_794 = arith.addi %get3A_678, %add3A_793 : vector<16xi32>
        %gather3A_795 = tpu.vector_load_idx %arg8[%add3A_493, %add3A_794] : memref<128x128xf32, #tpu.memory_space<vmem>>[vector<16xi32>, vector<16xi32>], vector<16xf32>,
        %mul3A_796 = arith.constant 5.65685415 : f32
        %mul3A_797 = vector.broadcast %mul3A_796 : f32 to vector<16xf32>
        %mul3A_798 = arith.mulf %gather3A_795, %mul3A_797 : vector<16xf32>
        %swap3A_799 = arith.index_cast %add3A_776 : i32 to index
        %swap3A_800 = arith.constant 32 : index
        %swap3A_801 = tpu.vector_load %arg10[%swap3A_799, %swap3A_800] {strides = array<i32>} : memref<32x128xf32, #tpu.memory_space<vmem>>, vector<16xf32>,
        tpu.vector_store %arg10[%swap3A_799, %swap3A_800], %mul3A_798 {strides = array<i32>} : memref<32x128xf32, #tpu.memory_space<vmem>>, vector<16xf32>,
        %add3A_802 = vector.broadcast %add3A_776 : i32 to vector<16xi32>
        %add3A_803 = arith.addi %get3A_681, %add3A_802 : vector<16xi32>
        %gather3A_804 = tpu.vector_load_idx %arg8[%add3A_496, %add3A_803] : memref<128x128xf32, #tpu.memory_space<vmem>>[vector<16xi32>, vector<16xi32>], vector<16xf32>,
        %mul3A_805 = arith.constant 5.65685415 : f32
        %mul3A_806 = vector.broadcast %mul3A_805 : f32 to vector<16xf32>
        %mul3A_807 = arith.mulf %gather3A_804, %mul3A_806 : vector<16xf32>
        %swap3A_808 = arith.index_cast %add3A_776 : i32 to index
        %swap3A_809 = arith.constant 48 : index
        %swap3A_810 = tpu.vector_load %arg10[%swap3A_808, %swap3A_809] {strides = array<i32>} : memref<32x128xf32, #tpu.memory_space<vmem>>, vector<16xf32>,
        tpu.vector_store %arg10[%swap3A_808, %swap3A_809], %mul3A_807 {strides = array<i32>} : memref<32x128xf32, #tpu.memory_space<vmem>>, vector<16xf32>,
        %add3A_811 = vector.broadcast %add3A_776 : i32 to vector<16xi32>
        %add3A_812 = arith.addi %get3A_684, %add3A_811 : vector<16xi32>
        %gather3A_813 = tpu.vector_load_idx %arg8[%add3A_499, %add3A_812] : memref<128x128xf32, #tpu.memory_space<vmem>>[vector<16xi32>, vector<16xi32>], vector<16xf32>,
        %mul3A_814 = arith.constant 5.65685415 : f32
        %mul3A_815 = vector.broadcast %mul3A_814 : f32 to vector<16xf32>
        %mul3A_816 = arith.mulf %gather3A_813, %mul3A_815 : vector<16xf32>
        %swap3A_817 = arith.index_cast %add3A_776 : i32 to index
        %swap3A_818 = arith.constant 64 : index
        %swap3A_819 = tpu.vector_load %arg10[%swap3A_817, %swap3A_818] {strides = array<i32>} : memref<32x128xf32, #tpu.memory_space<vmem>>, vector<16xf32>,
        tpu.vector_store %arg10[%swap3A_817, %swap3A_818], %mul3A_816 {strides = array<i32>} : memref<32x128xf32, #tpu.memory_space<vmem>>, vector<16xf32>,
        %add3A_820 = vector.broadcast %add3A_776 : i32 to vector<16xi32>
        %add3A_821 = arith.addi %get3A_687, %add3A_820 : vector<16xi32>
        %gather3A_822 = tpu.vector_load_idx %arg8[%add3A_502, %add3A_821] : memref<128x128xf32, #tpu.memory_space<vmem>>[vector<16xi32>, vector<16xi32>], vector<16xf32>,
        %mul3A_823 = arith.constant 5.65685415 : f32
        %mul3A_824 = vector.broadcast %mul3A_823 : f32 to vector<16xf32>
        %mul3A_825 = arith.mulf %gather3A_822, %mul3A_824 : vector<16xf32>
        %swap3A_826 = arith.index_cast %add3A_776 : i32 to index
        %swap3A_827 = arith.constant 80 : index
        %swap3A_828 = tpu.vector_load %arg10[%swap3A_826, %swap3A_827] {strides = array<i32>} : memref<32x128xf32, #tpu.memory_space<vmem>>, vector<16xf32>,
        tpu.vector_store %arg10[%swap3A_826, %swap3A_827], %mul3A_825 {strides = array<i32>} : memref<32x128xf32, #tpu.memory_space<vmem>>, vector<16xf32>,
        %add3A_829 = vector.broadcast %add3A_776 : i32 to vector<16xi32>
        %add3A_830 = arith.addi %get3A_690, %add3A_829 : vector<16xi32>
        %gather3A_831 = tpu.vector_load_idx %arg8[%add3A_505, %add3A_830] : memref<128x128xf32, #tpu.memory_space<vmem>>[vector<16xi32>, vector<16xi32>], vector<16xf32>,
        %mul3A_832 = arith.constant 5.65685415 : f32
        %mul3A_833 = vector.broadcast %mul3A_832 : f32 to vector<16xf32>
        %mul3A_834 = arith.mulf %gather3A_831, %mul3A_833 : vector<16xf32>
        %swap3A_835 = arith.index_cast %add3A_776 : i32 to index
        %swap3A_836 = arith.constant 96 : index
        %swap3A_837 = tpu.vector_load %arg10[%swap3A_835, %swap3A_836] {strides = array<i32>} : memref<32x128xf32, #tpu.memory_space<vmem>>, vector<16xf32>,
        tpu.vector_store %arg10[%swap3A_835, %swap3A_836], %mul3A_834 {strides = array<i32>} : memref<32x128xf32, #tpu.memory_space<vmem>>, vector<16xf32>,
        %add3A_838 = vector.broadcast %add3A_776 : i32 to vector<16xi32>
        %add3A_839 = arith.addi %get3A_693, %add3A_838 : vector<16xi32>
        %gather3A_840 = tpu.vector_load_idx %arg8[%add3A_508, %add3A_839] : memref<128x128xf32, #tpu.memory_space<vmem>>[vector<16xi32>, vector<16xi32>], vector<16xf32>,
        %mul3A_841 = arith.constant 5.65685415 : f32
        %mul3A_842 = vector.broadcast %mul3A_841 : f32 to vector<16xf32>
        %mul3A_843 = arith.mulf %gather3A_840, %mul3A_842 : vector<16xf32>
        %swap3A_844 = arith.index_cast %add3A_776 : i32 to index
        %swap3A_845 = arith.constant 112 : index
        %swap3A_846 = tpu.vector_load %arg10[%swap3A_844, %swap3A_845] {strides = array<i32>} : memref<32x128xf32, #tpu.memory_space<vmem>>, vector<16xf32>,
        tpu.vector_store %arg10[%swap3A_844, %swap3A_845], %mul3A_843 {strides = array<i32>} : memref<32x128xf32, #tpu.memory_space<vmem>>, vector<16xf32>,
      }
      %scan3A_698 = arith.constant 32 : i32
      %add3A_699 = arith.constant 1 : i32
      %add3A_700 = arith.addi %add3A_550, %add3A_699 : i32
      %lt3A = arith.constant 20 : i32
      %lt3A_701 = arith.cmpi slt, %add3A_700, %lt3A : i32
      %convert_element_type3A_702 = arith.extui %lt3A_701 : i1 to i32
      %cond3A_703 = arith.constant 0 : i32
      %cond3A_704 = arith.cmpi ne, %convert_element_type3A_702, %cond3A_703 : i32
      scf.if %cond3A_704 {
        %add3A_772 = arith.constant 1 : i32
        %add3A_773 = arith.addi %add3A_550, %add3A_772 : i32
        %dma_start3A_774 = arith.constant 0 : i32
        %dma_start3A_775 = tpu.memref_slice %arg6[%add3A_773, %dma_start3A_774] : memref<20x512xi32, #tpu.memory_space<vmem>> -> memref<1x128xi32, #tpu.memory_space<vmem>>
        %dma_start3A_776 = tpu.memref_squeeze %dma_start3A_775 : memref<1x128xi32, #tpu.memory_space<vmem>> -> memref<128xi32, #tpu.memory_space<vmem>>
        %dma_start3A_777 = arith.constant 0 : i32
        %dma_start3A_778 = arith.constant 0 : i32
        %dma_start3A_779 = tpu.memref_slice %arg3[%dma_start3A_777, %dma_start3A_778] : memref<250000x128xf32, #tpu.memory_space<hbm>> -> memref<250000x128xf32, #tpu.memory_space<hbm>>
        tpu.enqueue_indirect_dma source(%dma_start3A_779 : memref<250000x128xf32, #tpu.memory_space<hbm>>) target(%arg8 : memref<128x128xf32, #tpu.memory_space<vmem>>) offsets(%dma_start3A_776 : memref<128xi32, #tpu.memory_space<vmem>>) semaphore(%arg13 : memref<!tpu.dma_semaphore, #tpu.memory_space<semaphore_mem>>)
      } else {
      }
      %add3A_705 = arith.constant 256 : i32
      %add3A_706 = arith.addi %mul3A_2, %add3A_705 : i32
      %dma_start3A_707 = arith.constant 0 : i32
      %dma_start3A_708 = tpu.memref_slice %arg4[%add3A_550, %dma_start3A_707, %add3A_706] : memref<20x32x16384xf32, #tpu.memory_space<hbm>> -> memref<1x32x128xf32, #tpu.memory_space<hbm>>
      %dma_start3A_709 = tpu.memref_squeeze %dma_start3A_708 : memref<1x32x128xf32, #tpu.memory_space<hbm>> -> memref<32x128xf32, #tpu.memory_space<hbm>>
      %dma_start3A_710 = arith.constant 0 : i32
      %dma_start3A_711 = tpu.memref_slice %arg4[%add3A_550, %dma_start3A_710, %add3A_706] : memref<20x32x16384xf32, #tpu.memory_space<hbm>> -> memref<1x32x128xf32, #tpu.memory_space<hbm>>
      %dma_start3A_712 = tpu.memref_squeeze %dma_start3A_711 : memref<1x32x128xf32, #tpu.memory_space<hbm>> -> memref<32x128xf32, #tpu.memory_space<hbm>>
      tpu.enqueue_dma source(%arg10 : memref<32x128xf32, #tpu.memory_space<vmem>>) target(%dma_start3A_712 : memref<32x128xf32, #tpu.memory_space<hbm>>) target_semaphore(%arg15 : memref<!tpu.dma_semaphore, #tpu.memory_space<semaphore_mem>>)
      %dma_wait3A_713 = arith.constant 0 : i32
      %dma_wait3A_714 = arith.constant 0 : i32
      %dma_wait3A_715 = tpu.memref_slice %arg3[%dma_wait3A_713, %dma_wait3A_714] : memref<250000x128xf32, #tpu.memory_space<hbm>> -> memref<128x128xf32, #tpu.memory_space<hbm>>
      %dma_wait3A_716 = arith.constant 0 : i32
      %dma_wait3A_717 = arith.constant 0 : i32
      %dma_wait3A_718 = tpu.memref_slice %arg3[%dma_wait3A_716, %dma_wait3A_717] : memref<250000x128xf32, #tpu.memory_space<hbm>> -> memref<128x128xf32, #tpu.memory_space<hbm>>
      tpu.wait_dma2 semaphore(%arg14 : memref<!tpu.dma_semaphore, #tpu.memory_space<semaphore_mem>>) src(%dma_wait3A_718 : memref<128x128xf32, #tpu.memory_space<hbm>>) dst(%arg9 : memref<128x128xf32, #tpu.memory_space<vmem>>)
      %dma_wait3A_719 = arith.constant 0 : i32
      %dma_wait3A_720 = arith.constant 0 : i32
      %dma_wait3A_721 = arith.constant 0 : i32
      %dma_wait3A_722 = tpu.memref_slice %arg4[%dma_wait3A_719, %dma_wait3A_720, %dma_wait3A_721] : memref<20x32x16384xf32, #tpu.memory_space<hbm>> -> memref<1x32x128xf32, #tpu.memory_space<hbm>>
      %dma_wait3A_723 = tpu.memref_squeeze %dma_wait3A_722 : memref<1x32x128xf32, #tpu.memory_space<hbm>> -> memref<32x128xf32, #tpu.memory_space<hbm>>
      %dma_wait3A_724 = arith.constant 0 : i32
      %dma_wait3A_725 = arith.constant 0 : i32
      %dma_wait3A_726 = tpu.memref_slice %arg4[%dma_wait3A_719, %dma_wait3A_724, %dma_wait3A_725] : memref<20x32x16384xf32, #tpu.memory_space<hbm>> -> memref<1x32x128xf32, #tpu.memory_space<hbm>>
      %dma_wait3A_727 = tpu.memref_squeeze %dma_wait3A_726 : memref<1x32x128xf32, #tpu.memory_space<hbm>> -> memref<32x128xf32, #tpu.memory_space<hbm>>
      tpu.wait_dma2 semaphore(%arg16 : memref<!tpu.dma_semaphore, #tpu.memory_space<semaphore_mem>>) src(%arg11 : memref<32x128xf32, #tpu.memory_space<vmem>>) dst(%dma_wait3A_727 : memref<32x128xf32, #tpu.memory_space<hbm>>)
      %get3A_728 = arith.index_cast %add3A_550 : i32 to index
      %get3A_729 = arith.constant 384 : index
      %get3A_730 = tpu.vector_load %arg7[%get3A_728, %get3A_729] {strides = array<i32>} : memref<20x512xi32, #tpu.memory_space<vmem>>, vector<16xi32>,
      %get3A_731 = arith.index_cast %add3A_550 : i32 to index
      %get3A_732 = arith.constant 400 : index
      %get3A_733 = tpu.vector_load %arg7[%get3A_731, %get3A_732] {strides = array<i32>} : memref<20x512xi32, #tpu.memory_space<vmem>>, vector<16xi32>,
      %get3A_734 = arith.index_cast %add3A_550 : i32 to index
      %get3A_735 = arith.constant 416 : index
      %get3A_736 = tpu.vector_load %arg7[%get3A_734, %get3A_735] {strides = array<i32>} : memref<20x512xi32, #tpu.memory_space<vmem>>, vector<16xi32>,
      %get3A_737 = arith.index_cast %add3A_550 : i32 to index
      %get3A_738 = arith.constant 432 : index
      %get3A_739 = tpu.vector_load %arg7[%get3A_737, %get3A_738] {strides = array<i32>} : memref<20x512xi32, #tpu.memory_space<vmem>>, vector<16xi32>,
      %get3A_740 = arith.index_cast %add3A_550 : i32 to index
      %get3A_741 = arith.constant 448 : index
      %get3A_742 = tpu.vector_load %arg7[%get3A_740, %get3A_741] {strides = array<i32>} : memref<20x512xi32, #tpu.memory_space<vmem>>, vector<16xi32>,
      %get3A_743 = arith.index_cast %add3A_550 : i32 to index
      %get3A_744 = arith.constant 464 : index
      %get3A_745 = tpu.vector_load %arg7[%get3A_743, %get3A_744] {strides = array<i32>} : memref<20x512xi32, #tpu.memory_space<vmem>>, vector<16xi32>,
      %get3A_746 = arith.index_cast %add3A_550 : i32 to index
      %get3A_747 = arith.constant 480 : index
      %get3A_748 = tpu.vector_load %arg7[%get3A_746, %get3A_747] {strides = array<i32>} : memref<20x512xi32, #tpu.memory_space<vmem>>, vector<16xi32>,
      %get3A_749 = arith.index_cast %add3A_550 : i32 to index
      %get3A_750 = arith.constant 496 : index
      %get3A_751 = tpu.vector_load %arg7[%get3A_749, %get3A_750] {strides = array<i32>} : memref<20x512xi32, #tpu.memory_space<vmem>>, vector<16xi32>,
      %scan3A_752 = arith.constant 0 : i32
      %scan3A_753 = arith.constant 32 : i32
      %scan3A_754 = arith.addi %scan3A_752, %scan3A_753 : i32
      %scan3A_755 = arith.constant 1 : i32
      scf.for %scan3A_772 = %scan3A_752 to %scan3A_754 step %scan3A_755  : i32 {
        %mul3A_773 = arith.constant 1 : i32
        %mul3A_774 = arith.muli %scan3A_772, %mul3A_773 : i32
        %add3A_775 = arith.constant 0 : i32
        %add3A_776 = arith.addi %add3A_775, %mul3A_774 : i32
        %add3A_777 = vector.broadcast %add3A_776 : i32 to vector<16xi32>
        %add3A_778 = arith.addi %get3A_730, %add3A_777 : vector<16xi32>
        %gather3A = tpu.vector_load_idx %arg9[%add3A_487, %add3A_778] : memref<128x128xf32, #tpu.memory_space<vmem>>[vector<16xi32>, vector<16xi32>], vector<16xf32>,
        %mul3A_779 = arith.constant 5.65685415 : f32
        %mul3A_780 = vector.broadcast %mul3A_779 : f32 to vector<16xf32>
        %mul3A_781 = arith.mulf %gather3A, %mul3A_780 : vector<16xf32>
        %swap3A = arith.index_cast %add3A_776 : i32 to index
        %swap3A_782 = arith.constant 0 : index
        %swap3A_783 = tpu.vector_load %arg11[%swap3A, %swap3A_782] {strides = array<i32>} : memref<32x128xf32, #tpu.memory_space<vmem>>, vector<16xf32>,
        tpu.vector_store %arg11[%swap3A, %swap3A_782], %mul3A_781 {strides = array<i32>} : memref<32x128xf32, #tpu.memory_space<vmem>>, vector<16xf32>,
        %add3A_784 = vector.broadcast %add3A_776 : i32 to vector<16xi32>
        %add3A_785 = arith.addi %get3A_733, %add3A_784 : vector<16xi32>
        %gather3A_786 = tpu.vector_load_idx %arg9[%add3A_490, %add3A_785] : memref<128x128xf32, #tpu.memory_space<vmem>>[vector<16xi32>, vector<16xi32>], vector<16xf32>,
        %mul3A_787 = arith.constant 5.65685415 : f32
        %mul3A_788 = vector.broadcast %mul3A_787 : f32 to vector<16xf32>
        %mul3A_789 = arith.mulf %gather3A_786, %mul3A_788 : vector<16xf32>
        %swap3A_790 = arith.index_cast %add3A_776 : i32 to index
        %swap3A_791 = arith.constant 16 : index
        %swap3A_792 = tpu.vector_load %arg11[%swap3A_790, %swap3A_791] {strides = array<i32>} : memref<32x128xf32, #tpu.memory_space<vmem>>, vector<16xf32>,
        tpu.vector_store %arg11[%swap3A_790, %swap3A_791], %mul3A_789 {strides = array<i32>} : memref<32x128xf32, #tpu.memory_space<vmem>>, vector<16xf32>,
        %add3A_793 = vector.broadcast %add3A_776 : i32 to vector<16xi32>
        %add3A_794 = arith.addi %get3A_736, %add3A_793 : vector<16xi32>
        %gather3A_795 = tpu.vector_load_idx %arg9[%add3A_493, %add3A_794] : memref<128x128xf32, #tpu.memory_space<vmem>>[vector<16xi32>, vector<16xi32>], vector<16xf32>,
        %mul3A_796 = arith.constant 5.65685415 : f32
        %mul3A_797 = vector.broadcast %mul3A_796 : f32 to vector<16xf32>
        %mul3A_798 = arith.mulf %gather3A_795, %mul3A_797 : vector<16xf32>
        %swap3A_799 = arith.index_cast %add3A_776 : i32 to index
        %swap3A_800 = arith.constant 32 : index
        %swap3A_801 = tpu.vector_load %arg11[%swap3A_799, %swap3A_800] {strides = array<i32>} : memref<32x128xf32, #tpu.memory_space<vmem>>, vector<16xf32>,
        tpu.vector_store %arg11[%swap3A_799, %swap3A_800], %mul3A_798 {strides = array<i32>} : memref<32x128xf32, #tpu.memory_space<vmem>>, vector<16xf32>,
        %add3A_802 = vector.broadcast %add3A_776 : i32 to vector<16xi32>
        %add3A_803 = arith.addi %get3A_739, %add3A_802 : vector<16xi32>
        %gather3A_804 = tpu.vector_load_idx %arg9[%add3A_496, %add3A_803] : memref<128x128xf32, #tpu.memory_space<vmem>>[vector<16xi32>, vector<16xi32>], vector<16xf32>,
        %mul3A_805 = arith.constant 5.65685415 : f32
        %mul3A_806 = vector.broadcast %mul3A_805 : f32 to vector<16xf32>
        %mul3A_807 = arith.mulf %gather3A_804, %mul3A_806 : vector<16xf32>
        %swap3A_808 = arith.index_cast %add3A_776 : i32 to index
        %swap3A_809 = arith.constant 48 : index
        %swap3A_810 = tpu.vector_load %arg11[%swap3A_808, %swap3A_809] {strides = array<i32>} : memref<32x128xf32, #tpu.memory_space<vmem>>, vector<16xf32>,
        tpu.vector_store %arg11[%swap3A_808, %swap3A_809], %mul3A_807 {strides = array<i32>} : memref<32x128xf32, #tpu.memory_space<vmem>>, vector<16xf32>,
        %add3A_811 = vector.broadcast %add3A_776 : i32 to vector<16xi32>
        %add3A_812 = arith.addi %get3A_742, %add3A_811 : vector<16xi32>
        %gather3A_813 = tpu.vector_load_idx %arg9[%add3A_499, %add3A_812] : memref<128x128xf32, #tpu.memory_space<vmem>>[vector<16xi32>, vector<16xi32>], vector<16xf32>,
        %mul3A_814 = arith.constant 5.65685415 : f32
        %mul3A_815 = vector.broadcast %mul3A_814 : f32 to vector<16xf32>
        %mul3A_816 = arith.mulf %gather3A_813, %mul3A_815 : vector<16xf32>
        %swap3A_817 = arith.index_cast %add3A_776 : i32 to index
        %swap3A_818 = arith.constant 64 : index
        %swap3A_819 = tpu.vector_load %arg11[%swap3A_817, %swap3A_818] {strides = array<i32>} : memref<32x128xf32, #tpu.memory_space<vmem>>, vector<16xf32>,
        tpu.vector_store %arg11[%swap3A_817, %swap3A_818], %mul3A_816 {strides = array<i32>} : memref<32x128xf32, #tpu.memory_space<vmem>>, vector<16xf32>,
        %add3A_820 = vector.broadcast %add3A_776 : i32 to vector<16xi32>
        %add3A_821 = arith.addi %get3A_745, %add3A_820 : vector<16xi32>
        %gather3A_822 = tpu.vector_load_idx %arg9[%add3A_502, %add3A_821] : memref<128x128xf32, #tpu.memory_space<vmem>>[vector<16xi32>, vector<16xi32>], vector<16xf32>,
        %mul3A_823 = arith.constant 5.65685415 : f32
        %mul3A_824 = vector.broadcast %mul3A_823 : f32 to vector<16xf32>
        %mul3A_825 = arith.mulf %gather3A_822, %mul3A_824 : vector<16xf32>
        %swap3A_826 = arith.index_cast %add3A_776 : i32 to index
        %swap3A_827 = arith.constant 80 : index
        %swap3A_828 = tpu.vector_load %arg11[%swap3A_826, %swap3A_827] {strides = array<i32>} : memref<32x128xf32, #tpu.memory_space<vmem>>, vector<16xf32>,
        tpu.vector_store %arg11[%swap3A_826, %swap3A_827], %mul3A_825 {strides = array<i32>} : memref<32x128xf32, #tpu.memory_space<vmem>>, vector<16xf32>,
        %add3A_829 = vector.broadcast %add3A_776 : i32 to vector<16xi32>
        %add3A_830 = arith.addi %get3A_748, %add3A_829 : vector<16xi32>
        %gather3A_831 = tpu.vector_load_idx %arg9[%add3A_505, %add3A_830] : memref<128x128xf32, #tpu.memory_space<vmem>>[vector<16xi32>, vector<16xi32>], vector<16xf32>,
        %mul3A_832 = arith.constant 5.65685415 : f32
        %mul3A_833 = vector.broadcast %mul3A_832 : f32 to vector<16xf32>
        %mul3A_834 = arith.mulf %gather3A_831, %mul3A_833 : vector<16xf32>
        %swap3A_835 = arith.index_cast %add3A_776 : i32 to index
        %swap3A_836 = arith.constant 96 : index
        %swap3A_837 = tpu.vector_load %arg11[%swap3A_835, %swap3A_836] {strides = array<i32>} : memref<32x128xf32, #tpu.memory_space<vmem>>, vector<16xf32>,
        tpu.vector_store %arg11[%swap3A_835, %swap3A_836], %mul3A_834 {strides = array<i32>} : memref<32x128xf32, #tpu.memory_space<vmem>>, vector<16xf32>,
        %add3A_838 = vector.broadcast %add3A_776 : i32 to vector<16xi32>
        %add3A_839 = arith.addi %get3A_751, %add3A_838 : vector<16xi32>
        %gather3A_840 = tpu.vector_load_idx %arg9[%add3A_508, %add3A_839] : memref<128x128xf32, #tpu.memory_space<vmem>>[vector<16xi32>, vector<16xi32>], vector<16xf32>,
        %mul3A_841 = arith.constant 5.65685415 : f32
        %mul3A_842 = vector.broadcast %mul3A_841 : f32 to vector<16xf32>
        %mul3A_843 = arith.mulf %gather3A_840, %mul3A_842 : vector<16xf32>
        %swap3A_844 = arith.index_cast %add3A_776 : i32 to index
        %swap3A_845 = arith.constant 112 : index
        %swap3A_846 = tpu.vector_load %arg11[%swap3A_844, %swap3A_845] {strides = array<i32>} : memref<32x128xf32, #tpu.memory_space<vmem>>, vector<16xf32>,
        tpu.vector_store %arg11[%swap3A_844, %swap3A_845], %mul3A_843 {strides = array<i32>} : memref<32x128xf32, #tpu.memory_space<vmem>>, vector<16xf32>,
      }
      %scan3A_756 = arith.constant 32 : i32
      %add3A_757 = arith.constant 1 : i32
      %add3A_758 = arith.addi %add3A_550, %add3A_757 : i32
      %lt3A_759 = arith.constant 20 : i32
      %lt3A_760 = arith.cmpi slt, %add3A_758, %lt3A_759 : i32
      %convert_element_type3A_761 = arith.extui %lt3A_760 : i1 to i32
      %cond3A_762 = arith.constant 0 : i32
      %cond3A_763 = arith.cmpi ne, %convert_element_type3A_761, %cond3A_762 : i32
      scf.if %cond3A_763 {
        %add3A_772 = arith.constant 1 : i32
        %add3A_773 = arith.addi %add3A_550, %add3A_772 : i32
        %dma_start3A_774 = arith.constant 128 : i32
        %dma_start3A_775 = tpu.memref_slice %arg6[%add3A_773, %dma_start3A_774] : memref<20x512xi32, #tpu.memory_space<vmem>> -> memref<1x128xi32, #tpu.memory_space<vmem>>
        %dma_start3A_776 = tpu.memref_squeeze %dma_start3A_775 : memref<1x128xi32, #tpu.memory_space<vmem>> -> memref<128xi32, #tpu.memory_space<vmem>>
        %dma_start3A_777 = arith.constant 0 : i32
        %dma_start3A_778 = arith.constant 0 : i32
        %dma_start3A_779 = tpu.memref_slice %arg3[%dma_start3A_777, %dma_start3A_778] : memref<250000x128xf32, #tpu.memory_space<hbm>> -> memref<250000x128xf32, #tpu.memory_space<hbm>>
        tpu.enqueue_indirect_dma source(%dma_start3A_779 : memref<250000x128xf32, #tpu.memory_space<hbm>>) target(%arg9 : memref<128x128xf32, #tpu.memory_space<vmem>>) offsets(%dma_start3A_776 : memref<128xi32, #tpu.memory_space<vmem>>) semaphore(%arg14 : memref<!tpu.dma_semaphore, #tpu.memory_space<semaphore_mem>>)
      } else {
      }
      %add3A_764 = arith.constant 384 : i32
      %add3A_765 = arith.addi %mul3A_2, %add3A_764 : i32
      %dma_start3A_766 = arith.constant 0 : i32
      %dma_start3A_767 = tpu.memref_slice %arg4[%add3A_550, %dma_start3A_766, %add3A_765] : memref<20x32x16384xf32, #tpu.memory_space<hbm>> -> memref<1x32x128xf32, #tpu.memory_space<hbm>>
      %dma_start3A_768 = tpu.memref_squeeze %dma_start3A_767 : memref<1x32x128xf32, #tpu.memory_space<hbm>> -> memref<32x128xf32, #tpu.memory_space<hbm>>
      %dma_start3A_769 = arith.constant 0 : i32
      %dma_start3A_770 = tpu.memref_slice %arg4[%add3A_550, %dma_start3A_769, %add3A_765] : memref<20x32x16384xf32, #tpu.memory_space<hbm>> -> memref<1x32x128xf32, #tpu.memory_space<hbm>>
      %dma_start3A_771 = tpu.memref_squeeze %dma_start3A_770 : memref<1x32x128xf32, #tpu.memory_space<hbm>> -> memref<32x128xf32, #tpu.memory_space<hbm>>
      tpu.enqueue_dma source(%arg11 : memref<32x128xf32, #tpu.memory_space<vmem>>) target(%dma_start3A_771 : memref<32x128xf32, #tpu.memory_space<hbm>>) target_semaphore(%arg16 : memref<!tpu.dma_semaphore, #tpu.memory_space<semaphore_mem>>)
    }
    %scan3A_527 = arith.constant 20 : i32
    %dma_wait3A_528 = arith.constant 0 : i32
    %dma_wait3A_529 = arith.constant 0 : i32
    %dma_wait3A_530 = arith.constant 0 : i32
    %dma_wait3A_531 = tpu.memref_slice %arg4[%dma_wait3A_528, %dma_wait3A_529, %dma_wait3A_530] : memref<20x32x16384xf32, #tpu.memory_space<hbm>> -> memref<1x32x128xf32, #tpu.memory_space<hbm>>
    %dma_wait3A_532 = tpu.memref_squeeze %dma_wait3A_531 : memref<1x32x128xf32, #tpu.memory_space<hbm>> -> memref<32x128xf32, #tpu.memory_space<hbm>>
    %dma_wait3A_533 = arith.constant 0 : i32
    %dma_wait3A_534 = arith.constant 0 : i32
    %dma_wait3A_535 = tpu.memref_slice %arg4[%dma_wait3A_528, %dma_wait3A_533, %dma_wait3A_534] : memref<20x32x16384xf32, #tpu.memory_space<hbm>> -> memref<1x32x128xf32, #tpu.memory_space<hbm>>
    %dma_wait3A_536 = tpu.memref_squeeze %dma_wait3A_535 : memref<1x32x128xf32, #tpu.memory_space<hbm>> -> memref<32x128xf32, #tpu.memory_space<hbm>>
    tpu.wait_dma2 semaphore(%arg15 : memref<!tpu.dma_semaphore, #tpu.memory_space<semaphore_mem>>) src(%arg10 : memref<32x128xf32, #tpu.memory_space<vmem>>) dst(%dma_wait3A_536 : memref<32x128xf32, #tpu.memory_space<hbm>>)
    %dma_wait3A_537 = arith.constant 0 : i32
    %dma_wait3A_538 = arith.constant 0 : i32
    %dma_wait3A_539 = arith.constant 0 : i32
    %dma_wait3A_540 = tpu.memref_slice %arg4[%dma_wait3A_537, %dma_wait3A_538, %dma_wait3A_539] : memref<20x32x16384xf32, #tpu.memory_space<hbm>> -> memref<1x32x128xf32, #tpu.memory_space<hbm>>
    %dma_wait3A_541 = tpu.memref_squeeze %dma_wait3A_540 : memref<1x32x128xf32, #tpu.memory_space<hbm>> -> memref<32x128xf32, #tpu.memory_space<hbm>>
    %dma_wait3A_542 = arith.constant 0 : i32
    %dma_wait3A_543 = arith.constant 0 : i32
    %dma_wait3A_544 = tpu.memref_slice %arg4[%dma_wait3A_537, %dma_wait3A_542, %dma_wait3A_543] : memref<20x32x16384xf32, #tpu.memory_space<hbm>> -> memref<1x32x128xf32, #tpu.memory_space<hbm>>
    %dma_wait3A_545 = tpu.memref_squeeze %dma_wait3A_544 : memref<1x32x128xf32, #tpu.memory_space<hbm>> -> memref<32x128xf32, #tpu.memory_space<hbm>>
    tpu.wait_dma2 semaphore(%arg16 : memref<!tpu.dma_semaphore, #tpu.memory_space<semaphore_mem>>) src(%arg11 : memref<32x128xf32, #tpu.memory_space<vmem>>) dst(%dma_wait3A_545 : memref<32x128xf32, #tpu.memory_space<hbm>>)
    return
  }
}

</mosaic_0001>

<sc_bundles>
// kernel: _embed.3.cloned.1.call-start
scs
__scs_entry_jumppad:
0x0: {  	(pc) =	sbr.rel $0x88, $3  }
0x1: {  	(tag) =	ssettag $0x0;
	lr =	simm.s32 $0x1  }
0x2: {  	[smem:$0x3F9F] =	sst lr;
	_ =	strace $0xD0000000  }
0x3: {  	_ = 	snop  }
0x4: {  	_ = 	snop  }
0x5: {  	_ = 	snop  }
0x6: {  	_ = 	snop  }
0x7: {  	_ = 	snop  }
__scs_overlays_trampoline_lowered:
0x8: {  	[smem:$0x3FAE] =	sst s0  }
0x9: {  	[smem:$0x3FAF] =	sst s1  }
0xa: {  	[smem:$0x3FB0] =	sst s2  }
0xb: {  	[smem:$0x3FB1] =	sst s3  }
0xc: {  	[smem:$0x3FB2] =	sst s4  }
0xd: {  	[smem:$0x3FB3] =	sst s5  }
0xe: {  	[smem:$0x3FB4] =	sst s6  }
0xf: {  	[smem:$0x3FB5] =	sst s7  }
0x10: {  	[smem:$0x3FB6] =	sst s8  }
0x11: {  	[smem:$0x3FB7] =	sst s9;
	s0 =	simm.s32 @!p0 $0x0  }
0x12: {  	s1 =	sld [smem:$0x3F9D];
	s0 =	simm.s32 @p0 $0x1  }
0x13: {  	[smem:$0x3FB8] =	sst s0;
	s0 =	simm.s32 @!p1 $0x0  }
0x14: {  	s2 =	sld [smem:$0x3F9C];
	s0 =	simm.s32 @p1 $0x1  }
0x15: {  	[smem:$0x3FB9] =	sst s0;
	s0 =	simm.s32 @!p2 $0x0  }
0x16: {  	s3 =	sld [smem:$0x3FDB];
	s0 =	simm.s32 @p2 $0x1  }
0x17: {  	s4 =	simm.s32 $0x1BF5;
	[smem:$0x3FBB] =	sst s0  }
0x18: {  	s0 =	sld [smem:$0x3F9E];
	_ =	swait.ge [sflag:s4], $0x0  }
0x19: {  	s7 =	sld [smem:$0x3F9F]  }
0x1a: {  	s8 =	sadd.s32 $0xFFFFE003, lr  }
0x1b: {  	s9 =	sadd.s32 $0xFFFFFEF7, lr;
	s5 =	simm.s32 $0xFFFFFFFF;
	p2 =	slt.u32 s8, $0xFFFFF086  }
0x1c: {  	p1 =	slt.u32 s9, $0xF7A;
	s5 =	simm.s32 @!p2 $0x0  }
0x1d: {  	s5 =	simm.s32 @p1 $0x1;
	p0 =	seq.s32 s7, s2  }
0x1e: {  	s7 =	smul.u32 @!p0 $0xF7A, s2;
	p2 =	seq.s32 @!p0 s5, $0x0  }
0x1f: {  	s9 =	smul.u32 $0xF7A, s1;
	s8 =	simm.s32 @!p0 $0x1BF5;
	p2 =	por !p2, p0  }
0x20: {  	[sflag:s8] =	ssyncset.s32 @!p0 $0xFFFFF086;
	s6 =	sadd.s32 @!p0 s3, s7;
	s7 =	simm.s32 @!p0 $0x108  }
0x21: {  	s3 =	sadd.s32 s3, s9;
	s6 =	sadd.s32 @!p0 $0x88, s6;
	s7 =	simm.s32 @p2 $0x1082  }
0x22: {  	[simem:s7], [sflag:s8] =	dma.local @!p0 [hbm:s6], $0xF7A  }
0x23: {  	s9 =	sor.u32 $0xD0000000, s2;
	s6 =	simm.s32 $0x108;
	_ =	swait.ge @!p0 [sflag:s8], $0x0  }
0x24: {  	s3 =	sadd.s32 $0x88, s3;
	s6 =	simm.s32 @!p1 $0x1082;
	[sflag:s4] =	ssyncset.s32 $0xFFFFF086  }
0x25: {  	[simem:s6], [sflag:s4] =	dma.local [hbm:s3], $0xF7A  }
0x26: {  	[smem:$0x3F9F] =	sst s1;
	(tag) =	ssettag s2;
	_ =	strace s9  }
0x27: {  	s1 =	sld [smem:$0x3FAF]  }
0x28: {  	s2 =	sld [smem:$0x3FB0]  }
0x29: {  	s4 =	sld [smem:$0x3FB2]  }
0x2a: {  	p0 =	seq.s32 s5, $0x0;
	s5 =	sld [smem:$0x3FB3]  }
0x2b: {  	s6 =	sld [smem:$0x3FB4]  }
0x2c: {  	s7 =	sld [smem:$0x3FB5]  }
0x2d: {  	s3 =	simm.s32 $0x108;
	s8 =	sld [smem:$0x3FB6]  }
0x2e: {  	s3 =	simm.s32 @!p0 $0x1082;
	s9 =	sld [smem:$0x3FB7]  }
0x2f: {  	lr =	sadd.s32 s0, s3;
	s0 =	sld [smem:$0x3FAE]  }
0x30: {  	s3 =	sld [smem:$0x3FB1]  }
0x31: {  	[smem:$0x3FBA] =	sst s10  }
0x32: {  	s10 =	sld [smem:$0x3FB8];
	_ =	sdelay $0x3  }
0x33: {  	p0 =	seq.s32 s10, $0x1;
	s10 =	sld [smem:$0x3FBA];
	_ =	sdelay $0x3  }
0x34: {  	[smem:$0x3FBA] =	sst s10  }
0x35: {  	s10 =	sld [smem:$0x3FB9];
	_ =	sdelay $0x3  }
0x36: {  	p1 =	seq.s32 s10, $0x1;
	s10 =	sld [smem:$0x3FBA];
	_ =	sdelay $0x3  }
0x37: {  	[smem:$0x3FBA] =	sst s10  }
0x38: {  	s10 =	sld [smem:$0x3FBB]  }
0x39: {  	_ = 	snop;
	(pc) =	sbr.ind lr, $3  }
0x3a: {  	_ = 	snop  }
0x3b: {  	_ = 	snop  }
0x3c: {  	p2 =	seq.s32 s10, $0x1;
	s10 =	sld [smem:$0x3FBA]  }
0x3d: {  	_ =	shalt  }
0x3e: {  	_ =	shalt  }
0x3f: {  	_ =	shalt  }
0x40: {  	_ =	shalt  }
0x41: {  	_ =	shalt  }
0x42: {  	_ =	shalt  }
0x43: {  	_ =	shalt  }
0x44: {  	_ =	shalt  }
0x45: {  	_ =	shalt  }
0x46: {  	_ =	shalt  }
0x47: {  	_ =	shalt  }
0x48: {  	_ =	shalt  }
0x49: {  	_ =	shalt  }
0x4a: {  	_ =	shalt  }
0x4b: {  	_ =	shalt  }
0x4c: {  	_ =	shalt  }
0x4d: {  	_ =	shalt  }
0x4e: {  	_ =	shalt  }
0x4f: {  	_ =	shalt  }
0x50: {  	_ =	shalt  }
0x51: {  	_ =	shalt  }
0x52: {  	_ =	shalt  }
0x53: {  	_ =	shalt  }
0x54: {  	_ =	shalt  }
0x55: {  	_ =	shalt  }
0x56: {  	_ =	shalt  }
0x57: {  	_ =	shalt  }
0x58: {  	_ =	shalt  }
0x59: {  	_ =	shalt  }
0x5a: {  	_ =	shalt  }
0x5b: {  	_ =	shalt  }
0x5c: {  	_ =	shalt  }
0x5d: {  	_ =	shalt  }
0x5e: {  	_ =	shalt  }
0x5f: {  	_ =	shalt  }
0x60: {  	_ =	shalt  }
0x61: {  	_ =	shalt  }
0x62: {  	_ =	shalt  }
0x63: {  	_ =	shalt  }
0x64: {  	_ =	shalt  }
0x65: {  	_ =	shalt  }
0x66: {  	_ =	shalt  }
0x67: {  	_ =	shalt  }
0x68: {  	_ =	shalt  }
0x69: {  	_ =	shalt  }
0x6a: {  	_ =	shalt  }
0x6b: {  	_ =	shalt  }
0x6c: {  	_ =	shalt  }
0x6d: {  	_ =	shalt  }
0x6e: {  	_ =	shalt  }
0x6f: {  	_ =	shalt  }
0x70: {  	_ =	shalt  }
0x71: {  	_ =	shalt  }
0x72: {  	_ =	shalt  }
0x73: {  	_ =	shalt  }
0x74: {  	_ =	shalt  }
0x75: {  	_ =	shalt  }
0x76: {  	_ =	shalt  }
0x77: {  	_ =	shalt  }
0x78: {  	_ =	shalt  }
0x79: {  	_ =	shalt  }
0x7a: {  	_ =	shalt  }
0x7b: {  	_ =	shalt  }
0x7c: {  	_ =	shalt  }
0x7d: {  	_ =	shalt  }
0x7e: {  	_ =	shalt  }
0x7f: {  	_ =	shalt  }
0x80: {  	_ =	shalt  }
0x81: {  	_ =	shalt  }
0x82: {  	_ =	shalt  }
0x83: {  	_ =	shalt  }
0x84: {  	_ =	shalt  }
0x85: {  	_ =	shalt  }
0x86: {  	_ =	shalt  }
0x87: {  	_ =	shalt  }
.Lfunc_end0:
.L_simem_size_0:
called_computation_lowered:
.L_overlay_start_0:
0x88: {  	s2 =	sld [smem:$0x3FD9]  }
0x89: {  	s3 =	sld [smem:$0x3FFE];
	_ =	sdelay $0x1  }
0x8a: {  	s1 =	srdreg.scid  }
0x8b: {  	s0 =	sand.u32 $0x1, s1  }
0x8c: {  	s18 =	sshll.u32 s0, $0xA;
	s2 =	sadd.s32 s3, s2  }
0x8d: {  	s2 =	sadd.s32 s2, s18  }
0x8e: {  	[smem:$0x3FC6] =	sst s2  }
0x8f: {  	_ = 	snop  }
0x90: {  	s2 =	sld [smem:$0x3FC9]  }
0x91: {  	s19 =	sld [smem:$0x3FC8]  }
0x92: {  	s4 =	sld [smem:$0x3FD0];
	(tm) =	ssettm $0x1  }
0x93: {  	s5 =	sld [smem:$0x3FFB];
	_ =	sdelay $0x3  }
0x94: {  	_ =	strace s5  }
0x95: {  	s5 =	sld [smem:$0x3FFC];
	_ =	sdelay $0x3  }
0x96: {  	_ =	strace s5  }
0x97: {  	s5 =	sld [smem:$0x3FFD];
	_ =	sdelay $0x3  }
0x98: {  	_ =	strace s5  }
0x99: {  	_ =	strace $0x8FFFFFFF  }
0x9a: {  	s20 =	sld [smem:$0x3FDB];
	_ =	sdelay $0x1  }
0x9b: {  	s6 =	simm.s32 $_scs_section_size  }
0x9c: {  	s7 =	simm.s32 $_size__tile_overlayer_lowered;
	s8 =	simm.s32 $_tile_overlayer_lowered  }
0x9d: {  	s23 =	simm.s32 $0x1BFF;
	s22 =	sshll.u32 s8, $0x1;
	s5 =	sadd.s32 s6, s20  }
0x9e: {  	s9 =	simm.s32 $0x0;
	s21 =	sshll.u32 s7, $0x1;
	s7 =	sadd.s32 s22, s5  }
0x9f: {  	[timem:s9], [sflag:s23] =	dma.local [hbm:s7], s21  }
0xa0: {  	_ =	swait.ge [sflag:s23], s21  }
0xa1: {  	s6 =	ssub.s32 $0x0, s21;
	[sflag:s23] =	ssyncset.done $0x0  }
0xa2: {  	[sflag:s23] =	ssyncadd.s32 s6;
	_ =	sdelay $0x1  }
0xa3: {  	s24 =	simm.s32 $0x1B8B  }
0xa4: {  	_ =	swait.ge [sflag:s24], $0x1  }
0xa5: {  	[sflag:s24] =	ssyncset.done $0x0  }
0xa6: {  	s25 =	simm.s32 $0x1B8E;
	[sflag:s24] =	ssyncadd.s32 $0xFFFFFFFF  }
0xa7: {  	s26 =	simm.s32 $execute0_lowered;
	[smem:$0x3FD2] =	sst s25  }
0xa8: {  	s6 =	sshll.u32 s26, $0x1;
	_ =	strace $0x80000046;
	[dreg:$0x1] =	wrdreg $0xFFFFFFFF  }
0xa9: {  	s28 =	simm.s32 $_size_execute0_lowered;
	s5 =	sadd.s32 s5, s6;
	[dreg:$0x0] =	wrdreg $0x0  }
0xaa: {  	s6 =	sshll.u32 s28, $0x1;
	[dreg:$0x2] =	wrdreg s5  }
0xab: {  	[dreg:$0x3] =	wrdreg s6  }
0xac: {  	[dreg:$0x4] =	wrdreg $0xC0  }
0xad: {  	_ =	task [dreg:s9], $0x5FFFF  }
0xae: {  	[dreg:$0x1] =	wrdreg $0xFFFFFFFF  }
0xaf: {  	[dreg:$0x0] =	wrdreg $0x60  }
0xb0: {  	[dreg:$0x2] =	wrdreg s2  }
0xb1: {  	[dreg:$0x3] =	wrdreg s19  }
0xb2: {  	[dreg:$0x4] =	wrdreg s4  }
0xb3: {  	[dreg:$0x5] =	wrdreg $0x9  }
0xb4: {  	_ =	task.clear_ibuf [dreg:s9], $0x6FFFF;
	_ =	strace $0x90000046  }
0xb5: {  	s29 =	simm.s32 $0x9;
	_ =	strace $0x80000048  }
0xb6: {  	_ =	swait.ge [sflag:s29], $0x1  }
0xb7: {  	[sflag:s29] =	ssyncadd.s32 $0xFFFFFFFF  }
0xb8: {  	_ =	strace $0x90000048  }
0xb9: {  	_ =	sfence  }
0xba: {  	s30 =	sld [smem:$0x0];
	_ =	sdelay $0x2  }
0xbb: {  	s31 =	sshll.u32 s1, $0xD;
	s1 =	sshrl.u32 s1, $0x2  }
0xbc: {  	s3 =	sand.u32 $0x4000, s31;
	s1 =	sadd.s32 s1, s30  }
0xbd: {  	s0 =	sor.u32 s3, s0;
	s1 =	sshll.u32 s1, $0x11  }
0xbe: {  	s0 =	sor.u32 s1, s0  }
0xbf: {  	s0 =	sadd.s32 $0x8F2B, s0  }
0xc0: {  	[sflag:s0] =	ssyncadd.remote.s32 $0x1  }
0xc1: {  	_ =	sfence.sel $0xFFFF  }
0xc2: {  	[dreg:$0x0] =	wrdreg $0xFFFFFFFF;
	(pc) =	sbr.abs _section_cstart, $3  }
0xc3: {  	[dreg:$0x1] =	wrdreg $0xFFFFFFFF  }
0xc4: {  	_ =	task.clear_ibuf [dreg:s9], $0x2FFFF;
	_ =	strace $0x9FFFFFFF  }
0xc5: {  	(tm) =	ssettm $0x7FFFFFFF  }
tec
execute0_lowered:
.L_overlay_start_1:
0x0: {  	(tag) =	ssettag $0x1  }
0x1: {  	s1 =	srdreg.scid  }
0x2: {  	s5 =	stileid.u32;
	s1 =	sand.u32 $0x1, s1  }
0x3: {  	s0 =	rddreg [dreg:$0x0];
	s5 =	sshll.u32 s5, $0xA;
	s6 =	sshll.u32 s1, $0x9  }
0x4: {  	s2 =	rddreg [dreg:$0x1];
	s5 =	sor.u32 s6, s5  }
0x5: {  	s3 =	rddreg [dreg:$0x2];
	s4 =	simm.s32 $0x0;
	s6 =	sadd.s32 s0, s5  }
0x6: {  	[smem:$0x7FF] =	sst s4;
	s25 =	sadd.s32 $0x10, s6  }
0x7: {  	_ =	strace $0x80000047;
	s26 =	sadd.s32 $0x20, s6;
	[dreg:$0x4] =	wrdreg s25  }
0x8: {  	s29 =	sadd.s32 $0x30, s6;
	[dreg:$0x5] =	wrdreg s26  }
0x9: {  	s1 =	ssub.s32 $0x2, s1;
	s30 =	sadd.s32 $0x40, s6;
	[dreg:$0x6] =	wrdreg s29  }
0xa: {  	s7 =	sshrl.u32 s1, $0x1;
	s31 =	sadd.s32 $0x50, s6;
	[dreg:$0x7] =	wrdreg s30  }
0xb: {  	s24 =	ssub.s32 s1, s7;
	s7 =	sadd.s32 $0x60, s6;
	[dreg:$0x8] =	wrdreg s31  }
0xc: {  	s8 =	sadd.s32 $0x70, s6;
	[dreg:$0x9] =	wrdreg s7  }
0xd: {  	s9 =	sadd.s32 $0x4000, s6;
	[dreg:$0xa] =	wrdreg s8  }
0xe: {  	s10 =	sadd.s32 $0x4010, s6;
	[dreg:$0xb] =	wrdreg s9  }
0xf: {  	s11 =	sadd.s32 $0x4020, s6;
	[dreg:$0xc] =	wrdreg s10  }
0x10: {  	s12 =	sadd.s32 $0x4030, s6;
	[dreg:$0xd] =	wrdreg s11  }
0x11: {  	s13 =	sadd.s32 $0x4040, s6;
	[dreg:$0xe] =	wrdreg s12  }
0x12: {  	s14 =	sadd.s32 $0x4050, s6;
	[dreg:$0xf] =	wrdreg s13  }
0x13: {  	s15 =	sadd.s32 $0x4060, s6;
	[dreg:$0x10] =	wrdreg s14  }
0x14: {  	s16 =	sadd.s32 $0x4070, s6;
	[dreg:$0x11] =	wrdreg s15  }
0x15: {  	s17 =	sadd.s32 $0x8000, s6;
	[dreg:$0x12] =	wrdreg s16  }
0x16: {  	s18 =	sadd.s32 $0x8010, s6;
	[dreg:$0x13] =	wrdreg s17  }
0x17: {  	s19 =	sadd.s32 $0x8020, s6;
	[dreg:$0x14] =	wrdreg s18  }
0x18: {  	s0 =	smax.u32 s24, $0x1;
	[dreg:$0x15] =	wrdreg s19  }
0x19: {  	s20 =	sadd.s32 $0x8030, s6;
	[dreg:$0x16] =	wrdreg s0  }
0x1a: {  	s21 =	sadd.s32 $0x80, s6;
	[dreg:$0x17] =	wrdreg s20  }
0x1b: {  	s22 =	sadd.s32 $0x100, s6;
	[dreg:$0x18] =	wrdreg s21  }
0x1c: {  	s23 =	sadd.s32 $0x180, s6;
	[dreg:$0x19] =	wrdreg s22  }
0x1d: {  	s24 =	sadd.s32 $0x90, s6;
	[dreg:$0x1a] =	wrdreg s23  }
0x1e: {  	s1 =	sadd.s32 $0xB0, s6;
	[dreg:$0x1b] =	wrdreg s24  }
0x1f: {  	s25 =	sadd.s32 $0x110, s6;
	[smem:$0x7CE] =	sst s1  }
0x20: {  	s26 =	sadd.s32 $0x190, s6;
	[dreg:$0x1c] =	wrdreg s25  }
0x21: {  	s29 =	sadd.s32 $0xA0, s6;
	[dreg:$0x1d] =	wrdreg s26  }
0x22: {  	s30 =	sadd.s32 $0x120, s6;
	[dreg:$0x1e] =	wrdreg s29  }
0x23: {  	s31 =	sadd.s32 $0x1A0, s6;
	[dreg:$0x1f] =	wrdreg s30  }
0x24: {  	s7 =	sadd.s32 $0x130, s6;
	[smem:$0x7CD] =	sst s31  }
0x25: {  	s8 =	sadd.s32 $0x1B0, s6;
	[smem:$0x7CF] =	sst s7  }
0x26: {  	s9 =	sadd.s32 $0xC0, s6;
	[smem:$0x7D0] =	sst s8  }
0x27: {  	s10 =	sadd.s32 $0x140, s6;
	[smem:$0x7D1] =	sst s9  }
0x28: {  	s11 =	sadd.s32 $0x1C0, s6;
	[smem:$0x7D2] =	sst s10  }
0x29: {  	s12 =	sadd.s32 $0xD0, s6;
	[smem:$0x7D3] =	sst s11  }
0x2a: {  	s13 =	sadd.s32 $0x150, s6;
	[smem:$0x7D4] =	sst s12  }
0x2b: {  	s14 =	sadd.s32 $0x1D0, s6;
	[smem:$0x7D5] =	sst s13  }
0x2c: {  	s15 =	sadd.s32 $0xE0, s6;
	[smem:$0x7D6] =	sst s14  }
0x2d: {  	s16 =	sadd.s32 $0x160, s6;
	[smem:$0x7D7] =	sst s15  }
0x2e: {  	s17 =	sadd.s32 $0x1E0, s6;
	[smem:$0x7D8] =	sst s16  }
0x2f: {  	s18 =	sadd.s32 $0xF0, s6;
	[smem:$0x7D9] =	sst s17  }
0x30: {  	s19 =	sadd.s32 $0x170, s6;
	[smem:$0x7DA] =	sst s18  }
0x31: {  	s20 =	sadd.s32 $0x1F0, s6;
	[smem:$0x7DB] =	sst s19  }
0x32: {  	s21 =	sadd.s32 $0x4080, s6;
	[smem:$0x7DC] =	sst s20  }
0x33: {  	s22 =	sadd.s32 $0x4100, s6;
	[smem:$0x7DD] =	sst s21  }
0x34: {  	s23 =	sadd.s32 $0x4180, s6;
	[smem:$0x7DE] =	sst s22  }
0x35: {  	s24 =	sadd.s32 $0x4090, s6;
	[smem:$0x7DF] =	sst s23  }
0x36: {  	s1 =	sadd.s32 $0x40B0, s6;
	[smem:$0x7E0] =	sst s24  }
0x37: {  	s25 =	sadd.s32 $0x4110, s6;
	[smem:$0x7E6] =	sst s1  }
0x38: {  	s26 =	sadd.s32 $0x4190, s6;
	[smem:$0x7E1] =	sst s25  }
0x39: {  	s29 =	sadd.s32 $0x40A0, s6;
	[smem:$0x7E2] =	sst s26  }
0x3a: {  	s30 =	sadd.s32 $0x4120, s6;
	[smem:$0x7E3] =	sst s29  }
0x3b: {  	s31 =	sadd.s32 $0x41A0, s6;
	[smem:$0x7E4] =	sst s30  }
0x3c: {  	s7 =	sadd.s32 $0x4130, s6;
	[smem:$0x7E5] =	sst s31  }
0x3d: {  	s8 =	sadd.s32 $0x41B0, s6;
	[smem:$0x7E7] =	sst s7  }
0x3e: {  	s9 =	sadd.s32 $0x40C0, s6;
	[smem:$0x7E8] =	sst s8  }
0x3f: {  	s10 =	sadd.s32 $0x4140, s6;
	[smem:$0x7E9] =	sst s9  }
0x40: {  	s11 =	sadd.s32 $0x41C0, s6;
	[smem:$0x7EA] =	sst s10  }
0x41: {  	s12 =	sadd.s32 $0x40D0, s6;
	[smem:$0x7EB] =	sst s11  }
0x42: {  	s13 =	sadd.s32 $0x4150, s6;
	[smem:$0x7EC] =	sst s12  }
0x43: {  	s14 =	sadd.s32 $0x41D0, s6;
	[smem:$0x7ED] =	sst s13  }
0x44: {  	s15 =	sadd.s32 $0x40E0, s6;
	[smem:$0x7EE] =	sst s14  }
0x45: {  	s16 =	sadd.s32 $0x4160, s6;
	[smem:$0x7EF] =	sst s15  }
0x46: {  	s17 =	sadd.s32 $0x41E0, s6;
	[smem:$0x7F0] =	sst s16  }
0x47: {  	s18 =	sadd.s32 $0x40F0, s6;
	[smem:$0x7F1] =	sst s17  }
0x48: {  	s19 =	sadd.s32 $0x4170, s6;
	[smem:$0x7F2] =	sst s18  }
0x49: {  	s20 =	sadd.s32 $0x41F0, s6;
	[smem:$0x7F3] =	sst s19  }
0x4a: {  	s21 =	sadd.s32 $0x8080, s6;
	[smem:$0x7F4] =	sst s20  }
0x4b: {  	s22 =	sadd.s32 $0x8100, s6;
	[smem:$0x7F5] =	sst s21  }
0x4c: {  	s23 =	sadd.s32 $0x8180, s6;
	[smem:$0x7F6] =	sst s22  }
0x4d: {  	s28 =	sadd.s32 s3, s5;
	s24 =	sadd.s32 $0x8090, s6;
	[smem:$0x7F7] =	sst s23  }
0x4e: {  	[smem:$0x7F8] =	sst s24;
	s25 =	sadd.s32 $0x8110, s6;
	s26 =	sadd.s32 $0x8190, s6  }
0x4f: {  	s29 =	sadd.s32 $0x80A0, s6;
	s30 =	sadd.s32 $0x8120, s6;
	s31 =	sadd.s32 $0x81A0, s6  }
0x50: {  	s9 =	sadd.s32 $0x80B0, s6;
	s10 =	sadd.s32 $0x8130, s6;
	s11 =	sadd.s32 $0x81B0, s6  }
0x51: {  	v0 =	vlaneseq.u32;
	s12 =	simm.s32 $0x400;
	s13 =	simm.s32 $0x80;
	s14 =	simm.s32 $0x1  }
0x52: {  	v0 =	vmul.u32 $0x80, v0;
	s15 =	simm.s32 $0x9000;
	s16 =	simm.s32 $0xD000;
	[smem:$0x7F9] =	sst s25  }
0x53: {  	s17 =	simm.s32 $0x2;
	s18 =	simm.s32 $0x20000;
	[smem:$0x7FA] =	sst s26  }
0x54: {  	v1 =	vor.u32 $0x800, v0;
	s19 =	simm.s32 $0x11000;
	s20 =	simm.s32 $0x3;
	[smem:$0x7FB] =	sst s29  }
0x55: {  	v2 =	vor.u32 $0x1000, v0;
	v3 =	vor.u32 $0x1800, v0;
	v4 =	vor.u32 $0x2000, v0;
	s21 =	simm.s32 $0x12000;
	s22 =	simm.s32 $0x4;
	[smem:$0x7FC] =	sst s30  }
0x56: {  	v5 =	vor.u32 $0x2800, v0;
	v6 =	vor.u32 $0x3000, v0;
	v7 =	vor.u32 $0x3800, v0;
	s23 =	simm.s32 $0x5;
	s24 =	simm.s32 $0x0;
	[smem:$0x7FD] =	sst s31  }
.LBB2_1:
0x57: {  	[tilespmem:s4], [sflag:$0x1] =	stream.linear.gather [hbm4b:s6+s4], $0x80, $0x38;
	[tilespmem:$0x13000] =	vst v63  }
0x58: {  	s0 =	rddreg [dreg:$0x18]  }
0x59: {  	s26 =	rddreg [dreg:$0x19]  }
0x5a: {  	[tilespmem:s12], [sflag:$0x1] =	stream.linear.gather [hbm4b:s0+s4], $0x80, $0x38;
	[tilespmem:$0x13000] =	vst v63  }
0x5b: {  	s1 =	simm.s32 $0x800;
	s30 =	rddreg [dreg:$0x1a]  }
0x5c: {  	[tilespmem:s1], [sflag:$0x1] =	stream.linear.gather [hbm4b:s26+s4], $0x80, $0x38;
	[tilespmem:$0x13000] =	vst v63  }
0x5d: {  	s31 =	simm.s32 $0xC00;
	s7 =	rddreg [dreg:$0x1b]  }
0x5e: {  	[tilespmem:s31], [sflag:$0x1] =	stream.linear.gather [hbm4b:s30+s4], $0x80, $0x38;
	[tilespmem:$0x13000] =	vst v63  }
0x5f: {  	s1 =	rddreg [dreg:$0x4]  }
0x60: {  	[tilespmem:s13], [sflag:$0x1] =	stream.linear.gather [hbm4b:s1+s4], $0x80, $0x38;
	[tilespmem:$0x13000] =	vst v63  }
0x61: {  	s8 =	simm.s32 $0x480;
	s25 =	rddreg [dreg:$0x1c]  }
0x62: {  	[tilespmem:s8], [sflag:$0x1] =	stream.linear.gather [hbm4b:s7+s4], $0x80, $0x38;
	[tilespmem:$0x13000] =	vst v63  }
0x63: {  	s26 =	simm.s32 $0x880;
	s30 =	rddreg [dreg:$0x1d]  }
0x64: {  	[tilespmem:s26], [sflag:$0x1] =	stream.linear.gather [hbm4b:s25+s4], $0x80, $0x38;
	[tilespmem:$0x13000] =	vst v63  }
0x65: {  	s31 =	simm.s32 $0xC80;
	s7 =	rddreg [dreg:$0x5]  }
0x66: {  	[tilespmem:s31], [sflag:$0x1] =	stream.linear.gather [hbm4b:s30+s4], $0x80, $0x38;
	[tilespmem:$0x13000] =	vst v63  }
0x67: {  	s8 =	simm.s32 $0x100;
	s25 =	rddreg [dreg:$0x1e]  }
0x68: {  	[tilespmem:s8], [sflag:$0x1] =	stream.linear.gather [hbm4b:s7+s4], $0x80, $0x38;
	[tilespmem:$0x13000] =	vst v63  }
0x69: {  	s26 =	simm.s32 $0x500;
	s30 =	rddreg [dreg:$0x1f]  }
0x6a: {  	[tilespmem:s26], [sflag:$0x1] =	stream.linear.gather [hbm4b:s25+s4], $0x80, $0x38;
	[tilespmem:$0x13000] =	vst v63  }
0x6b: {  	s31 =	simm.s32 $0x900;
	s7 =	sld [smem:$0x7CD]  }
0x6c: {  	[tilespmem:s31], [sflag:$0x1] =	stream.linear.gather [hbm4b:s30+s4], $0x80, $0x38;
	[tilespmem:$0x13000] =	vst v63  }
0x6d: {  	s8 =	simm.s32 $0xD00;
	s25 =	rddreg [dreg:$0x6]  }
0x6e: {  	[tilespmem:s8], [sflag:$0x1] =	stream.linear.gather [hbm4b:s7+s4], $0x80, $0x38;
	[tilespmem:$0x13000] =	vst v63  }
0x6f: {  	s26 =	simm.s32 $0x180;
	s30 =	sld [smem:$0x7CE]  }
0x70: {  	[tilespmem:s26], [sflag:$0x1] =	stream.linear.gather [hbm4b:s25+s4], $0x80, $0x38;
	[tilespmem:$0x13000] =	vst v63  }
0x71: {  	s31 =	simm.s32 $0x580;
	s7 =	sld [smem:$0x7CF]  }
0x72: {  	[tilespmem:s31], [sflag:$0x1] =	stream.linear.gather [hbm4b:s30+s4], $0x80, $0x38;
	[tilespmem:$0x13000] =	vst v63  }
0x73: {  	s8 =	simm.s32 $0x980;
	s25 =	sld [smem:$0x7D0]  }
0x74: {  	[tilespmem:s8], [sflag:$0x1] =	stream.linear.gather [hbm4b:s7+s4], $0x80, $0x38;
	[tilespmem:$0x13000] =	vst v63  }
0x75: {  	s26 =	simm.s32 $0xD80;
	s30 =	rddreg [dreg:$0x7]  }
0x76: {  	[tilespmem:s26], [sflag:$0x1] =	stream.linear.gather [hbm4b:s25+s4], $0x80, $0x38;
	[tilespmem:$0x13000] =	vst v63  }
0x77: {  	s31 =	simm.s32 $0x200;
	s7 =	sld [smem:$0x7D1]  }
0x78: {  	[tilespmem:s31], [sflag:$0x1] =	stream.linear.gather [hbm4b:s30+s4], $0x80, $0x38;
	[tilespmem:$0x13000] =	vst v63  }
0x79: {  	s8 =	simm.s32 $0x600;
	s25 =	sld [smem:$0x7D2]  }
0x7a: {  	[tilespmem:s8], [sflag:$0x1] =	stream.linear.gather [hbm4b:s7+s4], $0x80, $0x38;
	[tilespmem:$0x13000] =	vst v63  }
0x7b: {  	s26 =	simm.s32 $0xA00;
	s30 =	sld [smem:$0x7D3]  }
0x7c: {  	[tilespmem:s26], [sflag:$0x1] =	stream.linear.gather [hbm4b:s25+s4], $0x80, $0x38;
	[tilespmem:$0x13000] =	vst v63  }
0x7d: {  	s31 =	simm.s32 $0xE00;
	s7 =	rddreg [dreg:$0x8]  }
0x7e: {  	[tilespmem:s31], [sflag:$0x1] =	stream.linear.gather [hbm4b:s30+s4], $0x80, $0x38;
	[tilespmem:$0x13000] =	vst v63  }
0x7f: {  	s8 =	simm.s32 $0x280;
	s25 =	sld [smem:$0x7D4]  }
0x80: {  	[tilespmem:s8], [sflag:$0x1] =	stream.linear.gather [hbm4b:s7+s4], $0x80, $0x38;
	[tilespmem:$0x13000] =	vst v63  }
0x81: {  	s26 =	simm.s32 $0x680;
	s30 =	sld [smem:$0x7D5]  }
0x82: {  	[tilespmem:s26], [sflag:$0x1] =	stream.linear.gather [hbm4b:s25+s4], $0x80, $0x38;
	[tilespmem:$0x13000] =	vst v63  }
0x83: {  	s31 =	simm.s32 $0xA80;
	s7 =	sld [smem:$0x7D6]  }
0x84: {  	[tilespmem:s31], [sflag:$0x1] =	stream.linear.gather [hbm4b:s30+s4], $0x80, $0x38;
	[tilespmem:$0x13000] =	vst v63  }
0x85: {  	s8 =	simm.s32 $0xE80;
	s25 =	rddreg [dreg:$0x9]  }
0x86: {  	[tilespmem:s8], [sflag:$0x1] =	stream.linear.gather [hbm4b:s7+s4], $0x80, $0x38;
	[tilespmem:$0x13000] =	vst v63  }
0x87: {  	s26 =	simm.s32 $0x300;
	s30 =	sld [smem:$0x7D7]  }
0x88: {  	[tilespmem:s26], [sflag:$0x1] =	stream.linear.gather [hbm4b:s25+s4], $0x80, $0x38;
	[tilespmem:$0x13000] =	vst v63  }
0x89: {  	s31 =	simm.s32 $0x700;
	s7 =	sld [smem:$0x7D8]  }
0x8a: {  	[tilespmem:s31], [sflag:$0x1] =	stream.linear.gather [hbm4b:s30+s4], $0x80, $0x38;
	[tilespmem:$0x13000] =	vst v63  }
0x8b: {  	s8 =	simm.s32 $0xB00;
	s25 =	sld [smem:$0x7D9]  }
0x8c: {  	[tilespmem:s8], [sflag:$0x1] =	stream.linear.gather [hbm4b:s7+s4], $0x80, $0x38;
	[tilespmem:$0x13000] =	vst v63  }
0x8d: {  	s26 =	simm.s32 $0xF00;
	s30 =	rddreg [dreg:$0xa]  }
0x8e: {  	[tilespmem:s26], [sflag:$0x1] =	stream.linear.gather [hbm4b:s25+s4], $0x80, $0x38;
	[tilespmem:$0x13000] =	vst v63  }
0x8f: {  	s31 =	simm.s32 $0x380;
	s7 =	sld [smem:$0x7DA]  }
0x90: {  	[tilespmem:s31], [sflag:$0x1] =	stream.linear.gather [hbm4b:s30+s4], $0x80, $0x38;
	[tilespmem:$0x13000] =	vst v63  }
0x91: {  	s8 =	simm.s32 $0x780;
	s25 =	sld [smem:$0x7DB]  }
0x92: {  	[tilespmem:s8], [sflag:$0x1] =	stream.linear.gather [hbm4b:s7+s4], $0x80, $0x38;
	[tilespmem:$0x13000] =	vst v63  }
0x93: {  	s26 =	simm.s32 $0xB80;
	s30 =	sld [smem:$0x7DC]  }
0x94: {  	[tilespmem:s26], [sflag:$0x1] =	stream.linear.gather [hbm4b:s25+s4], $0x80, $0x38;
	[tilespmem:$0x13000] =	vst v63  }
0x95: {  	s31 =	simm.s32 $0xF80;
	s7 =	rddreg [dreg:$0xb]  }
0x96: {  	[tilespmem:s31], [sflag:$0x1] =	stream.linear.gather [hbm4b:s30+s4], $0x80, $0x38;
	[tilespmem:$0x13000] =	vst v63  }
0x97: {  	s8 =	simm.s32 $0x1000;
	s25 =	sld [smem:$0x7DD]  }
0x98: {  	[tilespmem:s8], [sflag:$0x1] =	stream.linear.gather [hbm4b:s7+s4], $0x80, $0x38;
	[tilespmem:$0x13000] =	vst v63  }
0x99: {  	s26 =	simm.s32 $0x1400;
	s30 =	sld [smem:$0x7DE]  }
0x9a: {  	[tilespmem:s26], [sflag:$0x1] =	stream.linear.gather [hbm4b:s25+s4], $0x80, $0x38;
	[tilespmem:$0x13000] =	vst v63  }
0x9b: {  	s31 =	simm.s32 $0x1800;
	s7 =	sld [smem:$0x7DF]  }
0x9c: {  	[tilespmem:s31], [sflag:$0x1] =	stream.linear.gather [hbm4b:s30+s4], $0x80, $0x38;
	[tilespmem:$0x13000] =	vst v63  }
0x9d: {  	s8 =	simm.s32 $0x1C00;
	s25 =	rddreg [dreg:$0xc]  }
0x9e: {  	[tilespmem:s8], [sflag:$0x1] =	stream.linear.gather [hbm4b:s7+s4], $0x80, $0x38;
	[tilespmem:$0x13000] =	vst v63  }
0x9f: {  	s26 =	simm.s32 $0x1080;
	s30 =	sld [smem:$0x7E0]  }
0xa0: {  	[tilespmem:s26], [sflag:$0x1] =	stream.linear.gather [hbm4b:s25+s4], $0x80, $0x38;
	[tilespmem:$0x13000] =	vst v63  }
0xa1: {  	s31 =	simm.s32 $0x1480;
	s7 =	sld [smem:$0x7E1]  }
0xa2: {  	[tilespmem:s31], [sflag:$0x1] =	stream.linear.gather [hbm4b:s30+s4], $0x80, $0x38;
	[tilespmem:$0x13000] =	vst v63  }
0xa3: {  	s8 =	simm.s32 $0x1880;
	s25 =	sld [smem:$0x7E2]  }
0xa4: {  	[tilespmem:s8], [sflag:$0x1] =	stream.linear.gather [hbm4b:s7+s4], $0x80, $0x38;
	[tilespmem:$0x13000] =	vst v63  }
0xa5: {  	s26 =	simm.s32 $0x1C80;
	s30 =	rddreg [dreg:$0xd]  }
0xa6: {  	[tilespmem:s26], [sflag:$0x1] =	stream.linear.gather [hbm4b:s25+s4], $0x80, $0x38;
	[tilespmem:$0x13000] =	vst v63  }
0xa7: {  	s31 =	simm.s32 $0x1100;
	s7 =	sld [smem:$0x7E3]  }
0xa8: {  	[tilespmem:s31], [sflag:$0x1] =	stream.linear.gather [hbm4b:s30+s4], $0x80, $0x38;
	[tilespmem:$0x13000] =	vst v63  }
0xa9: {  	s8 =	simm.s32 $0x1500;
	s25 =	sld [smem:$0x7E4]  }
0xaa: {  	[tilespmem:s8], [sflag:$0x1] =	stream.linear.gather [hbm4b:s7+s4], $0x80, $0x38;
	[tilespmem:$0x13000] =	vst v63  }
0xab: {  	s26 =	simm.s32 $0x1900;
	s30 =	sld [smem:$0x7E5]  }
0xac: {  	[tilespmem:s26], [sflag:$0x1] =	stream.linear.gather [hbm4b:s25+s4], $0x80, $0x38;
	[tilespmem:$0x13000] =	vst v63  }
0xad: {  	s31 =	simm.s32 $0x1D00;
	s7 =	rddreg [dreg:$0xe]  }
0xae: {  	[tilespmem:s31], [sflag:$0x1] =	stream.linear.gather [hbm4b:s30+s4], $0x80, $0x38;
	[tilespmem:$0x13000] =	vst v63  }
0xaf: {  	s8 =	simm.s32 $0x1180;
	s25 =	sld [smem:$0x7E6]  }
0xb0: {  	[tilespmem:s8], [sflag:$0x1] =	stream.linear.gather [hbm4b:s7+s4], $0x80, $0x38;
	[tilespmem:$0x13000] =	vst v63  }
0xb1: {  	s26 =	simm.s32 $0x1580;
	s30 =	sld [smem:$0x7E7]  }
0xb2: {  	[tilespmem:s26], [sflag:$0x1] =	stream.linear.gather [hbm4b:s25+s4], $0x80, $0x38;
	[tilespmem:$0x13000] =	vst v63  }
0xb3: {  	s31 =	simm.s32 $0x1980;
	s7 =	sld [smem:$0x7E8]  }
0xb4: {  	[tilespmem:s31], [sflag:$0x1] =	stream.linear.gather [hbm4b:s30+s4], $0x80, $0x38;
	[tilespmem:$0x13000] =	vst v63  }
0xb5: {  	s8 =	simm.s32 $0x1D80;
	s25 =	rddreg [dreg:$0xf]  }
0xb6: {  	[tilespmem:s8], [sflag:$0x1] =	stream.linear.gather [hbm4b:s7+s4], $0x80, $0x38;
	[tilespmem:$0x13000] =	vst v63  }
0xb7: {  	s26 =	simm.s32 $0x1200;
	s30 =	sld [smem:$0x7E9]  }
0xb8: {  	[tilespmem:s26], [sflag:$0x1] =	stream.linear.gather [hbm4b:s25+s4], $0x80, $0x38;
	[tilespmem:$0x13000] =	vst v63  }
0xb9: {  	s31 =	simm.s32 $0x1600;
	s7 =	sld [smem:$0x7EA]  }
0xba: {  	[tilespmem:s31], [sflag:$0x1] =	stream.linear.gather [hbm4b:s30+s4], $0x80, $0x38;
	[tilespmem:$0x13000] =	vst v63  }
0xbb: {  	s8 =	simm.s32 $0x1A00;
	s25 =	sld [smem:$0x7EB]  }
0xbc: {  	[tilespmem:s8], [sflag:$0x1] =	stream.linear.gather [hbm4b:s7+s4], $0x80, $0x38;
	[tilespmem:$0x13000] =	vst v63  }
0xbd: {  	s26 =	simm.s32 $0x1E00;
	s30 =	rddreg [dreg:$0x10]  }
0xbe: {  	[tilespmem:s26], [sflag:$0x1] =	stream.linear.gather [hbm4b:s25+s4], $0x80, $0x38;
	[tilespmem:$0x13000] =	vst v63  }
0xbf: {  	s31 =	simm.s32 $0x1280;
	s7 =	sld [smem:$0x7EC]  }
0xc0: {  	[tilespmem:s31], [sflag:$0x1] =	stream.linear.gather [hbm4b:s30+s4], $0x80, $0x38;
	[tilespmem:$0x13000] =	vst v63  }
0xc1: {  	s8 =	simm.s32 $0x1680;
	s25 =	sld [smem:$0x7ED]  }
0xc2: {  	[tilespmem:s8], [sflag:$0x1] =	stream.linear.gather [hbm4b:s7+s4], $0x80, $0x38;
	[tilespmem:$0x13000] =	vst v63  }
0xc3: {  	s26 =	simm.s32 $0x1A80;
	s30 =	sld [smem:$0x7EE]  }
0xc4: {  	[tilespmem:s26], [sflag:$0x1] =	stream.linear.gather [hbm4b:s25+s4], $0x80, $0x38;
	[tilespmem:$0x13000] =	vst v63  }
0xc5: {  	s31 =	simm.s32 $0x1E80;
	s7 =	rddreg [dreg:$0x11]  }
0xc6: {  	[tilespmem:s31], [sflag:$0x1] =	stream.linear.gather [hbm4b:s30+s4], $0x80, $0x38;
	[tilespmem:$0x13000] =	vst v63  }
0xc7: {  	s8 =	simm.s32 $0x1300;
	s25 =	sld [smem:$0x7EF]  }
0xc8: {  	[tilespmem:s8], [sflag:$0x1] =	stream.linear.gather [hbm4b:s7+s4], $0x80, $0x38;
	[tilespmem:$0x13000] =	vst v63  }
0xc9: {  	s26 =	simm.s32 $0x1700;
	s30 =	sld [smem:$0x7F0]  }
0xca: {  	[tilespmem:s26], [sflag:$0x1] =	stream.linear.gather [hbm4b:s25+s4], $0x80, $0x38;
	[tilespmem:$0x13000] =	vst v63  }
0xcb: {  	s31 =	simm.s32 $0x1B00;
	s7 =	sld [smem:$0x7F1]  }
0xcc: {  	[tilespmem:s31], [sflag:$0x1] =	stream.linear.gather [hbm4b:s30+s4], $0x80, $0x38;
	[tilespmem:$0x13000] =	vst v63  }
0xcd: {  	s8 =	simm.s32 $0x1F00;
	s25 =	rddreg [dreg:$0x12]  }
0xce: {  	[tilespmem:s8], [sflag:$0x1] =	stream.linear.gather [hbm4b:s7+s4], $0x80, $0x38;
	[tilespmem:$0x13000] =	vst v63  }
0xcf: {  	s26 =	simm.s32 $0x1380;
	s30 =	sld [smem:$0x7F2]  }
0xd0: {  	[tilespmem:s26], [sflag:$0x1] =	stream.linear.gather [hbm4b:s25+s4], $0x80, $0x38;
	[tilespmem:$0x13000] =	vst v63  }
0xd1: {  	s31 =	simm.s32 $0x1780;
	s7 =	sld [smem:$0x7F3]  }
0xd2: {  	[tilespmem:s31], [sflag:$0x1] =	stream.linear.gather [hbm4b:s30+s4], $0x80, $0x38;
	[tilespmem:$0x13000] =	vst v63  }
0xd3: {  	s8 =	simm.s32 $0x1B80;
	s25 =	sld [smem:$0x7F4]  }
0xd4: {  	[tilespmem:s8], [sflag:$0x1] =	stream.linear.gather [hbm4b:s7+s4], $0x80, $0x38;
	[tilespmem:$0x13000] =	vst v63  }
0xd5: {  	s26 =	simm.s32 $0x1F80;
	s30 =	rddreg [dreg:$0x13]  }
0xd6: {  	[tilespmem:s26], [sflag:$0x1] =	stream.linear.gather [hbm4b:s25+s4], $0x80, $0x38;
	[tilespmem:$0x13000] =	vst v63  }
0xd7: {  	s31 =	simm.s32 $0x2000;
	s7 =	sld [smem:$0x7F5]  }
0xd8: {  	[tilespmem:s31], [sflag:$0x1] =	stream.linear.gather [hbm4b:s30+s4], $0x80, $0x38;
	[tilespmem:$0x13000] =	vst v63  }
0xd9: {  	s8 =	simm.s32 $0x2400;
	s25 =	sld [smem:$0x7F6]  }
0xda: {  	[tilespmem:s8], [sflag:$0x1] =	stream.linear.gather [hbm4b:s7+s4], $0x80, $0x38;
	[tilespmem:$0x13000] =	vst v63  }
0xdb: {  	s26 =	simm.s32 $0x2800;
	s30 =	sld [smem:$0x7F7]  }
0xdc: {  	[tilespmem:s26], [sflag:$0x1] =	stream.linear.gather [hbm4b:s25+s4], $0x80, $0x38;
	[tilespmem:$0x13000] =	vst v63  }
0xdd: {  	s31 =	simm.s32 $0x2C00;
	s7 =	rddreg [dreg:$0x14]  }
0xde: {  	[tilespmem:s31], [sflag:$0x1] =	stream.linear.gather [hbm4b:s30+s4], $0x80, $0x38;
	[tilespmem:$0x13000] =	vst v63  }
0xdf: {  	s8 =	simm.s32 $0x2080;
	s25 =	sld [smem:$0x7F8]  }
0xe0: {  	[tilespmem:s8], [sflag:$0x1] =	stream.linear.gather [hbm4b:s7+s4], $0x80, $0x38;
	[tilespmem:$0x13000] =	vst v63  }
0xe1: {  	s26 =	simm.s32 $0x2480;
	s30 =	sld [smem:$0x7F9]  }
0xe2: {  	[tilespmem:s26], [sflag:$0x1] =	stream.linear.gather [hbm4b:s25+s4], $0x80, $0x38;
	[tilespmem:$0x13000] =	vst v63  }
0xe3: {  	s31 =	simm.s32 $0x2880;
	s7 =	sld [smem:$0x7FA]  }
0xe4: {  	[tilespmem:s31], [sflag:$0x1] =	stream.linear.gather [hbm4b:s30+s4], $0x80, $0x38;
	[tilespmem:$0x13000] =	vst v63  }
0xe5: {  	s8 =	simm.s32 $0x2C80;
	s25 =	rddreg [dreg:$0x15]  }
0xe6: {  	[tilespmem:s8], [sflag:$0x1] =	stream.linear.gather [hbm4b:s7+s4], $0x80, $0x38;
	[tilespmem:$0x13000] =	vst v63  }
0xe7: {  	s26 =	simm.s32 $0x2100;
	s30 =	sld [smem:$0x7FB]  }
0xe8: {  	[tilespmem:s26], [sflag:$0x1] =	stream.linear.gather [hbm4b:s25+s4], $0x80, $0x38;
	[tilespmem:$0x13000] =	vst v63  }
0xe9: {  	s31 =	simm.s32 $0x2500;
	s7 =	sld [smem:$0x7FC]  }
0xea: {  	[tilespmem:s31], [sflag:$0x1] =	stream.linear.gather [hbm4b:s30+s4], $0x80, $0x38;
	[tilespmem:$0x13000] =	vst v63  }
0xeb: {  	s8 =	simm.s32 $0x2900;
	s25 =	sld [smem:$0x7FD]  }
0xec: {  	[tilespmem:s8], [sflag:$0x1] =	stream.linear.gather [hbm4b:s7+s4], $0x80, $0x38;
	[tilespmem:$0x13000] =	vst v63  }
0xed: {  	s26 =	simm.s32 $0x2D00  }
0xee: {  	[tilespmem:s26], [sflag:$0x1] =	stream.linear.gather [hbm4b:s25+s4], $0x80, $0x38;
	[tilespmem:$0x13000] =	vst v63  }
0xef: {  	s30 =	rddreg [dreg:$0x17];
	s31 =	simm.s32 $0x2180  }
0xf0: {  	[tilespmem:s31], [sflag:$0x1] =	stream.linear.gather [hbm4b:s30+s4], $0x80, $0x38;
	[tilespmem:$0x13000] =	vst v63  }
0xf1: {  	s7 =	simm.s32 $0x2580  }
0xf2: {  	[tilespmem:s7], [sflag:$0x1] =	stream.linear.gather [hbm4b:s9+s4], $0x80, $0x38;
	[tilespmem:$0x13000] =	vst v63  }
0xf3: {  	s8 =	simm.s32 $0x2980  }
0xf4: {  	[tilespmem:s8], [sflag:$0x1] =	stream.linear.gather [hbm4b:s10+s4], $0x80, $0x38;
	[tilespmem:$0x13000] =	vst v63  }
0xf5: {  	s25 =	simm.s32 $0x2D80  }
0xf6: {  	[tilespmem:s25], [sflag:$0x1] =	stream.linear.gather [hbm4b:s11+s4], $0x80, $0x38;
	[tilespmem:$0x13000] =	vst v63  }
0xf7: {  	_ =	swait.ge [sflag:s14], $0x200  }
0xf8: {  	[sflag:s14] =	ssyncset.done $0x0  }
0xf9: {  	[sflag:s14] =	ssyncadd.s32 $0xFFFFFE00  }
0xfa: {  	_ =	swait.ge [sflag:s14], $0x200  }
0xfb: {  	[sflag:s14] =	ssyncset.done $0x0  }
0xfc: {  	[sflag:s14] =	ssyncadd.s32 $0xFFFFFE00  }
0xfd: {  	_ =	swait.ge [sflag:s14], $0x200  }
0xfe: {  	[sflag:s14] =	ssyncset.done $0x0  }
0xff: {  	[sflag:s14] =	ssyncadd.s32 $0xFFFFFE00  }
0x100: {  	_ =	swait.ge [sflag:s14], $0x200  }
0x101: {  	[sflag:s14] =	ssyncset.done $0x0  }
0x102: {  	[sflag:s14] =	ssyncadd.s32 $0xFFFFFE00  }
0x103: {  	_ =	swait.ge [sflag:s14], $0x200  }
0x104: {  	[sflag:s14] =	ssyncset.done $0x0  }
0x105: {  	[sflag:s14] =	ssyncadd.s32 $0xFFFFFE00  }
0x106: {  	_ =	swait.ge [sflag:s14], $0x200  }
0x107: {  	[sflag:s14] =	ssyncset.done $0x0  }
0x108: {  	[sflag:s14] =	ssyncadd.s32 $0xFFFFFE00  }
0x109: {  	_ =	swait.ge [sflag:s14], $0x200  }
0x10a: {  	[sflag:s14] =	ssyncset.done $0x0  }
0x10b: {  	[sflag:s14] =	ssyncadd.s32 $0xFFFFFE00  }
0x10c: {  	_ =	swait.ge [sflag:s14], $0x200  }
0x10d: {  	[sflag:s14] =	ssyncset.done $0x0  }
0x10e: {  	[sflag:s14] =	ssyncadd.s32 $0xFFFFFE00  }
0x10f: {  	_ =	swait.ge [sflag:s14], $0x200  }
0x110: {  	[sflag:s14] =	ssyncset.done $0x0  }
0x111: {  	[sflag:s14] =	ssyncadd.s32 $0xFFFFFE00  }
0x112: {  	_ =	swait.ge [sflag:s14], $0x200  }
0x113: {  	[sflag:s14] =	ssyncset.done $0x0  }
0x114: {  	[sflag:s14] =	ssyncadd.s32 $0xFFFFFE00  }
0x115: {  	_ =	swait.ge [sflag:s14], $0x200  }
0x116: {  	[sflag:s14] =	ssyncset.done $0x0  }
0x117: {  	[sflag:s14] =	ssyncadd.s32 $0xFFFFFE00  }
0x118: {  	_ =	swait.ge [sflag:s14], $0x200  }
0x119: {  	[sflag:s14] =	ssyncset.done $0x0  }
0x11a: {  	[sflag:s14] =	ssyncadd.s32 $0xFFFFFE00  }
0x11b: {  	_ =	swait.ge [sflag:s14], $0x200  }
0x11c: {  	[sflag:s14] =	ssyncset.done $0x0  }
0x11d: {  	[sflag:s14] =	ssyncadd.s32 $0xFFFFFE00  }
0x11e: {  	_ =	swait.ge [sflag:s14], $0x200  }
0x11f: {  	[sflag:s14] =	ssyncset.done $0x0  }
0x120: {  	[sflag:s14] =	ssyncadd.s32 $0xFFFFFE00  }
0x121: {  	_ =	swait.ge [sflag:s14], $0x200  }
0x122: {  	[sflag:s14] =	ssyncset.done $0x0  }
0x123: {  	[sflag:s14] =	ssyncadd.s32 $0xFFFFFE00  }
0x124: {  	_ =	swait.ge [sflag:s14], $0x200  }
0x125: {  	[sflag:s14] =	ssyncset.done $0x0  }
0x126: {  	[sflag:s14] =	ssyncadd.s32 $0xFFFFFE00  }
0x127: {  	_ =	swait.ge [sflag:s14], $0x200  }
0x128: {  	[sflag:s14] =	ssyncset.done $0x0  }
0x129: {  	[sflag:s14] =	ssyncadd.s32 $0xFFFFFE00  }
0x12a: {  	_ =	swait.ge [sflag:s14], $0x200  }
0x12b: {  	[sflag:s14] =	ssyncset.done $0x0  }
0x12c: {  	[sflag:s14] =	ssyncadd.s32 $0xFFFFFE00  }
0x12d: {  	_ =	swait.ge [sflag:s14], $0x200  }
0x12e: {  	[sflag:s14] =	ssyncset.done $0x0  }
0x12f: {  	[sflag:s14] =	ssyncadd.s32 $0xFFFFFE00  }
0x130: {  	_ =	swait.ge [sflag:s14], $0x200  }
0x131: {  	s26 =	sand.u32 $0x3000, s4;
	s30 =	sand.u32 $0x380, s4;
	[sflag:s14] =	ssyncset.done $0x0  }
0x132: {  	s25 =	sor.u32 s30, s26;
	[sflag:s14] =	ssyncadd.s32 $0xFFFFFE00  }
0x133: {  	v13 =	vld [tilespmem:s25+$0xC70]  }
0x134: {  	v14 =	vld [tilespmem:s25+$0x0]  }
0x135: {  	v12 =	vld [tilespmem:s25+$0x10]  }
0x136: {  	v11 =	vld [tilespmem:s25+$0x20]  }
0x137: {  	v10 =	vld [tilespmem:s25+$0x30]  }
0x138: {  	v8 =	vld [tilespmem:s25+$0x40];
	v15 =	vshrl.u32 v13, $0x2  }
0x139: {  	v9 =	vld [tilespmem:s25+$0x50];
	v37 =	vshll.u32 v14, $0x5;
	v14 =	vshrl.u32 v14, $0x2;
	[tilespmem:s25+$0x3C70] =	vst v15  }
0x13a: {  	v38 =	vshll.u32 v12, $0x5;
	v12 =	vshrl.u32 v12, $0x2;
	[tilespmem:s25+$0x3000] =	vst v14  }
0x13b: {  	v17 =	vshll.u32 v11, $0x5;
	v11 =	vshrl.u32 v11, $0x2;
	[tilespmem:s25+$0x3010] =	vst v12  }
0x13c: {  	v18 =	vshll.u32 v10, $0x5;
	v10 =	vshrl.u32 v10, $0x2;
	[tilespmem:s25+$0x3020] =	vst v11  }
0x13d: {  	v19 =	vshll.u32 v8, $0x5;
	v8 =	vshrl.u32 v8, $0x2;
	[tilespmem:s25+$0x3030] =	vst v10  }
0x13e: {  	v13 =	vshll.u32 v13, $0x5;
	v20 =	vshll.u32 v9, $0x5;
	v9 =	vshrl.u32 v9, $0x2;
	[tilespmem:s25+$0x3040] =	vst v8  }
0x13f: {  	v16 =	vand.u32 $0x60, v13;
	[tilespmem:s25+$0x3050] =	vst v9  }
0x140: {  	v15 =	vand.u32 $0x60, v37;
	[tilespmem:s25+$0x6C70] =	vst v16  }
0x141: {  	v13 =	vld [tilespmem:s25+$0x60];
	v39 =	vand.u32 $0x60, v38;
	[tilespmem:s25+$0x6000] =	vst v15  }
0x142: {  	v40 =	vand.u32 $0x60, v17;
	v17 =	vld [tilespmem:s25+$0x400];
	[tilespmem:s25+$0x6010] =	vst v39  }
0x143: {  	v41 =	vand.u32 $0x60, v18;
	v18 =	vld [tilespmem:s25+$0x410];
	[tilespmem:s25+$0x6020] =	vst v40  }
0x144: {  	v42 =	vand.u32 $0x60, v19;
	v19 =	vld [tilespmem:s25+$0x420];
	[tilespmem:s25+$0x6030] =	vst v41  }
0x145: {  	v43 =	vand.u32 $0x60, v20;
	v20 =	vld [tilespmem:s25+$0x430];
	[tilespmem:s25+$0x6040] =	vst v42  }
0x146: {  	[tilespmem:s25+$0x6050] =	vst v43;
	v21 =	vshll.u32 v13, $0x5;
	v8 =	vshrl.u32 v13, $0x2  }
0x147: {  	v16 =	vld [tilespmem:s25+$0x70];
	v23 =	vshll.u32 v17, $0x5;
	v44 =	vand.u32 $0x60, v21;
	[tilespmem:s25+$0x3060] =	vst v8  }
0x148: {  	v24 =	vshll.u32 v18, $0x5;
	v46 =	vand.u32 $0x60, v23;
	[tilespmem:s25+$0x6060] =	vst v44  }
0x149: {  	v25 =	vshll.u32 v19, $0x5;
	v47 =	vand.u32 $0x60, v24;
	[tilespmem:s25+$0x6400] =	vst v46  }
0x14a: {  	v26 =	vshll.u32 v20, $0x5;
	v21 =	vld [tilespmem:s25+$0x440];
	v48 =	vand.u32 $0x60, v25;
	[tilespmem:s25+$0x6410] =	vst v47  }
0x14b: {  	v23 =	vld [tilespmem:s25+$0x460];
	v49 =	vand.u32 $0x60, v26;
	[tilespmem:s25+$0x6420] =	vst v48  }
0x14c: {  	v22 =	vshll.u32 v16, $0x5;
	v24 =	vld [tilespmem:s25+$0x470];
	v8 =	vshrl.u32 v17, $0x2;
	[tilespmem:s25+$0x6430] =	vst v49  }
0x14d: {  	v25 =	vld [tilespmem:s25+$0x800];
	v45 =	vand.u32 $0x60, v22;
	[tilespmem:s25+$0x3400] =	vst v8  }
0x14e: {  	v26 =	vld [tilespmem:s25+$0x810];
	v8 =	vshrl.u32 v19, $0x2;
	[tilespmem:s25+$0x6070] =	vst v45  }
0x14f: {  	[tilespmem:s25+$0x3420] =	vst v8;
	v27 =	vshll.u32 v21, $0x5;
	v8 =	vshrl.u32 v21, $0x2  }
0x150: {  	v22 =	vld [tilespmem:s25+$0x450];
	v29 =	vshll.u32 v23, $0x5;
	v50 =	vand.u32 $0x60, v27;
	[tilespmem:s25+$0x3440] =	vst v8  }
0x151: {  	v30 =	vshll.u32 v24, $0x5;
	v52 =	vand.u32 $0x60, v29;
	[tilespmem:s25+$0x6440] =	vst v50  }
0x152: {  	v31 =	vshll.u32 v25, $0x5;
	v53 =	vand.u32 $0x60, v30;
	[tilespmem:s25+$0x6460] =	vst v52  }
0x153: {  	v40 =	vld [tilespmem:s25+$0xC60];
	v32 =	vshll.u32 v26, $0x5;
	v54 =	vand.u32 $0x60, v31;
	[tilespmem:s25+$0x6470] =	vst v53  }
0x154: {  	v55 =	vand.u32 $0x60, v32;
	[tilespmem:s25+$0x6800] =	vst v54  }
0x155: {  	v27 =	vld [tilespmem:s25+$0x820];
	v28 =	vshll.u32 v22, $0x5;
	v8 =	vshrl.u32 v23, $0x2;
	[tilespmem:s25+$0x6810] =	vst v55  }
0x156: {  	v29 =	vld [tilespmem:s25+$0x840];
	v51 =	vand.u32 $0x60, v28;
	[tilespmem:s25+$0x3460] =	vst v8  }
0x157: {  	v30 =	vld [tilespmem:s25+$0x850];
	v55 =	vshrl.u32 v16, $0x2;
	[tilespmem:s25+$0x6450] =	vst v51  }
0x158: {  	v31 =	vld [tilespmem:s25+$0x860];
	v53 =	vshll.u32 v40, $0x5;
	v8 =	vshrl.u32 v25, $0x2;
	[tilespmem:s25+$0x3070] =	vst v55  }
0x159: {  	v32 =	vld [tilespmem:s25+$0x870];
	v54 =	vand.u32 $0x60, v53;
	[tilespmem:s25+$0x3800] =	vst v8  }
0x15a: {  	[tilespmem:s25+$0x6C60] =	vst v54;
	v33 =	vshll.u32 v27, $0x5;
	v8 =	vshrl.u32 v27, $0x2  }
0x15b: {  	v28 =	vld [tilespmem:s25+$0x830];
	v35 =	vshll.u32 v29, $0x5;
	v56 =	vand.u32 $0x60, v33;
	[tilespmem:s25+$0x3820] =	vst v8  }
0x15c: {  	v36 =	vshll.u32 v30, $0x5;
	v58 =	vand.u32 $0x60, v35;
	[tilespmem:s25+$0x6820] =	vst v56  }
0x15d: {  	v37 =	vshll.u32 v31, $0x5;
	v59 =	vand.u32 $0x60, v36;
	[tilespmem:s25+$0x6840] =	vst v58  }
0x15e: {  	v38 =	vshll.u32 v32, $0x5;
	v60 =	vand.u32 $0x60, v37;
	[tilespmem:s25+$0x6850] =	vst v59  }
0x15f: {  	v61 =	vand.u32 $0x60, v38;
	[tilespmem:s25+$0x6860] =	vst v60  }
0x160: {  	v34 =	vshll.u32 v28, $0x5;
	v8 =	vshrl.u32 v29, $0x2;
	[tilespmem:s25+$0x6870] =	vst v61  }
0x161: {  	v57 =	vand.u32 $0x60, v34;
	[tilespmem:s25+$0x3840] =	vst v8  }
0x162: {  	v56 =	vshrl.u32 v18, $0x2;
	[tilespmem:s25+$0x6830] =	vst v57  }
0x163: {  	v33 =	vld [tilespmem:s25+$0xC00];
	v58 =	vshrl.u32 v22, $0x2;
	[tilespmem:s25+$0x3410] =	vst v56  }
0x164: {  	v35 =	vld [tilespmem:s25+$0xC20];
	v59 =	vshrl.u32 v24, $0x2;
	[tilespmem:s25+$0x3450] =	vst v58  }
0x165: {  	v36 =	vld [tilespmem:s25+$0xC30];
	v60 =	vshrl.u32 v26, $0x2;
	[tilespmem:s25+$0x3470] =	vst v59  }
0x166: {  	v37 =	vld [tilespmem:s25+$0xC40];
	v61 =	vshrl.u32 v28, $0x2;
	[tilespmem:s25+$0x3810] =	vst v60  }
0x167: {  	v38 =	vld [tilespmem:s25+$0xC50];
	v8 =	vshrl.u32 v31, $0x2;
	[tilespmem:s25+$0x3830] =	vst v61  }
0x168: {  	v34 =	vld [tilespmem:s25+$0xC10];
	v57 =	vshrl.u32 v20, $0x2;
	[tilespmem:s25+$0x3860] =	vst v8;
	v39 =	vshll.u32 v33, $0x5  }
0x169: {  	[tilespmem:s25+$0x3430] =	vst v57;
	v45 =	vshll.u32 v35, $0x5;
	v62 =	vand.u32 $0x60, v39  }
0x16a: {  	v47 =	vshll.u32 v36, $0x5;
	v46 =	vand.u32 $0x60, v45;
	[tilespmem:s25+$0x6C00] =	vst v62  }
0x16b: {  	v49 =	vshll.u32 v37, $0x5;
	v48 =	vand.u32 $0x60, v47;
	[tilespmem:s25+$0x6C20] =	vst v46  }
0x16c: {  	v51 =	vshll.u32 v38, $0x5;
	v50 =	vand.u32 $0x60, v49;
	[tilespmem:s25+$0x6C30] =	vst v48  }
0x16d: {  	v63 =	vshll.u32 v34, $0x5;
	v52 =	vand.u32 $0x60, v51;
	[tilespmem:s25+$0x6C40] =	vst v50  }
0x16e: {  	v44 =	vand.u32 $0x60, v63;
	[tilespmem:s25+$0x6C50] =	vst v52  }
0x16f: {  	v26 =	vshrl.u32 v40, $0x2;
	v22 =	vshrl.u32 v33, $0x2;
	v62 =	vshrl.u32 v30, $0x2;
	[tilespmem:s25+$0x6C10] =	vst v44  }
0x170: {  	s31 =	simm.s32 $0x200;
	s26 =	simm.s32 $0x80;
	v24 =	vshrl.u32 v35, $0x2;
	v25 =	vshrl.u32 v36, $0x2;
	v63 =	vshrl.u32 v32, $0x2;
	[tilespmem:s25+$0x3850] =	vst v62  }
0x171: {  	s29 =	simm.s32 $0x400;
	s0 =	sand.u32 $0x3000, s31;
	s1 =	sand.u32 $0x380, s26;
	v27 =	vshrl.u32 v37, $0x2;
	v28 =	vshrl.u32 v38, $0x2;
	v23 =	vshrl.u32 v34, $0x2;
	[tilespmem:s25+$0x3870] =	vst v63  }
.LBB2_2:
0x172: {  	p0 =	sne.s32 s29, $0x2600;
	s0 =	sor.u32 s1, s0;
	[tilespmem:s25+$0x3C00] =	vst v22  }
0x173: {  	v8 =	vld [tilespmem:s0+$0xC70];
	[tilespmem:s25+$0x3C10] =	vst v23  }
0x174: {  	v9 =	vld [tilespmem:s0+$0x0];
	[tilespmem:s25+$0x3C20] =	vst v24  }
0x175: {  	v10 =	vld [tilespmem:s0+$0x10];
	[tilespmem:s25+$0x3C30] =	vst v25  }
0x176: {  	v11 =	vld [tilespmem:s0+$0x20];
	[tilespmem:s25+$0x3C40] =	vst v27  }
0x177: {  	v12 =	vld [tilespmem:s0+$0x30];
	[tilespmem:s25+$0x3C50] =	vst v28  }
0x178: {  	v13 =	vld [tilespmem:s0+$0x40];
	v14 =	vshrl.u32 v8, $0x2;
	v15 =	vshll.u32 v8, $0x5;
	[tilespmem:s25+$0x3C60] =	vst v26;
	s25 =	smov.u32 s0  }
0x179: {  	v8 =	vshrl.u32 v9, $0x2;
	v9 =	vshll.u32 v9, $0x5;
	v16 =	vld [tilespmem:s25+$0x50];
	[tilespmem:s25+$0x3C70] =	vst v14;
	v14 =	vand.u32 $0x60, v15  }
0x17a: {  	v15 =	vand.u32 $0x60, v9;
	v9 =	vshrl.u32 v10, $0x2;
	v10 =	vshll.u32 v10, $0x5;
	v17 =	vld [tilespmem:s25+$0x60];
	[tilespmem:s25+$0x6C70] =	vst v14  }
0x17b: {  	[tilespmem:s25+$0x6000] =	vst v15;
	v14 =	vand.u32 $0x60, v10;
	v10 =	vshrl.u32 v11, $0x2;
	v11 =	vshll.u32 v11, $0x5;
	v18 =	vld [tilespmem:s25+$0x70]  }
0x17c: {  	[tilespmem:s25+$0x6010] =	vst v14;
	v14 =	vand.u32 $0x60, v11;
	v11 =	vshrl.u32 v12, $0x2;
	v12 =	vshll.u32 v12, $0x5;
	v19 =	vld [tilespmem:s25+$0x400]  }
0x17d: {  	[tilespmem:s25+$0x6020] =	vst v14;
	v14 =	vand.u32 $0x60, v12;
	v12 =	vshrl.u32 v13, $0x2;
	v13 =	vshll.u32 v13, $0x5;
	v20 =	vld [tilespmem:s25+$0x410]  }
0x17e: {  	[tilespmem:s25+$0x6030] =	vst v14;
	v14 =	vand.u32 $0x60, v13;
	v13 =	vshrl.u32 v16, $0x2;
	v15 =	vshll.u32 v16, $0x5;
	v21 =	vld [tilespmem:s25+$0x420]  }
0x17f: {  	[tilespmem:s25+$0x6040] =	vst v14;
	v15 =	vand.u32 $0x60, v15;
	v14 =	vshrl.u32 v17, $0x2;
	v16 =	vshll.u32 v17, $0x5;
	v22 =	vld [tilespmem:s25+$0x430]  }
0x180: {  	[tilespmem:s25+$0x6050] =	vst v15;
	v16 =	vand.u32 $0x60, v16;
	v15 =	vshrl.u32 v18, $0x2;
	v17 =	vshll.u32 v18, $0x5;
	v23 =	vld [tilespmem:s25+$0x440]  }
0x181: {  	[tilespmem:s25+$0x6060] =	vst v16;
	v17 =	vand.u32 $0x60, v17;
	v16 =	vshrl.u32 v19, $0x2;
	v18 =	vshll.u32 v19, $0x5;
	v24 =	vld [tilespmem:s25+$0x450]  }
0x182: {  	[tilespmem:s25+$0x6070] =	vst v17;
	v18 =	vand.u32 $0x60, v18;
	v17 =	vshrl.u32 v20, $0x2;
	v19 =	vshll.u32 v20, $0x5;
	v25 =	vld [tilespmem:s25+$0x460]  }
0x183: {  	[tilespmem:s25+$0x6400] =	vst v18;
	v19 =	vand.u32 $0x60, v19;
	v18 =	vshrl.u32 v21, $0x2;
	v20 =	vshll.u32 v21, $0x5;
	v26 =	vld [tilespmem:s25+$0x470]  }
0x184: {  	[tilespmem:s25+$0x6410] =	vst v19;
	v20 =	vand.u32 $0x60, v20;
	v19 =	vshrl.u32 v22, $0x2;
	v21 =	vshll.u32 v22, $0x5;
	v22 =	vld [tilespmem:s25+$0x800]  }
0x185: {  	[tilespmem:s25+$0x6420] =	vst v20;
	v21 =	vand.u32 $0x60, v21;
	v20 =	vshrl.u32 v23, $0x2;
	v23 =	vshll.u32 v23, $0x5;
	v27 =	vld [tilespmem:s25+$0x810]  }
0x186: {  	[tilespmem:s25+$0x6430] =	vst v21;
	v23 =	vand.u32 $0x60, v23;
	v21 =	vshrl.u32 v24, $0x2;
	v24 =	vshll.u32 v24, $0x5;
	v28 =	vld [tilespmem:s25+$0x820]  }
0x187: {  	[tilespmem:s25+$0x6440] =	vst v23;
	v23 =	vand.u32 $0x60, v24;
	v29 =	vshrl.u32 v25, $0x2;
	v24 =	vshll.u32 v25, $0x5;
	v25 =	vld [tilespmem:s25+$0x830]  }
0x188: {  	[tilespmem:s25+$0x6450] =	vst v23;
	v23 =	vand.u32 $0x60, v24;
	v30 =	vshrl.u32 v26, $0x2;
	v24 =	vshll.u32 v26, $0x5;
	v26 =	vld [tilespmem:s25+$0x840]  }
0x189: {  	[tilespmem:s25+$0x6460] =	vst v23;
	v23 =	vand.u32 $0x60, v24;
	v31 =	vshrl.u32 v22, $0x2;
	v22 =	vshll.u32 v22, $0x5;
	v24 =	vld [tilespmem:s25+$0x850]  }
0x18a: {  	[tilespmem:s25+$0x6470] =	vst v23;
	v22 =	vand.u32 $0x60, v22;
	v32 =	vshrl.u32 v27, $0x2;
	v23 =	vshll.u32 v27, $0x5;
	v27 =	vld [tilespmem:s25+$0x860]  }
0x18b: {  	[tilespmem:s25+$0x6800] =	vst v22;
	v22 =	vand.u32 $0x60, v23;
	v33 =	vshrl.u32 v28, $0x2;
	v23 =	vshll.u32 v28, $0x5;
	v28 =	vld [tilespmem:s25+$0x870]  }
0x18c: {  	[tilespmem:s25+$0x6810] =	vst v22;
	v22 =	vand.u32 $0x60, v23;
	v34 =	vshrl.u32 v25, $0x2;
	v23 =	vshll.u32 v25, $0x5;
	v25 =	vld [tilespmem:s25+$0xC00]  }
0x18d: {  	[tilespmem:s25+$0x6820] =	vst v22;
	v22 =	vand.u32 $0x60, v23;
	v35 =	vshrl.u32 v26, $0x2;
	v23 =	vshll.u32 v26, $0x5;
	v26 =	vld [tilespmem:s25+$0xC10]  }
0x18e: {  	[tilespmem:s25+$0x6830] =	vst v22;
	v22 =	vand.u32 $0x60, v23;
	v36 =	vshrl.u32 v24, $0x2;
	v23 =	vshll.u32 v24, $0x5;
	v37 =	vld [tilespmem:s25+$0xC20]  }
0x18f: {  	[tilespmem:s25+$0x6840] =	vst v22;
	v22 =	vand.u32 $0x60, v23;
	v38 =	vshrl.u32 v27, $0x2;
	v23 =	vshll.u32 v27, $0x5;
	v27 =	vld [tilespmem:s25+$0xC30]  }
0x190: {  	[tilespmem:s25+$0x6850] =	vst v22;
	v22 =	vand.u32 $0x60, v23;
	v39 =	vshrl.u32 v28, $0x2;
	v23 =	vshll.u32 v28, $0x5;
	v28 =	vld [tilespmem:s25+$0xC40]  }
0x191: {  	[tilespmem:s25+$0x6860] =	vst v22;
	v23 =	vand.u32 $0x60, v23;
	v22 =	vshrl.u32 v25, $0x2;
	v24 =	vshll.u32 v25, $0x5;
	v40 =	vld [tilespmem:s25+$0xC50]  }
0x192: {  	[tilespmem:s25+$0x6870] =	vst v23;
	v24 =	vand.u32 $0x60, v24;
	v23 =	vshrl.u32 v26, $0x2;
	v25 =	vshll.u32 v26, $0x5;
	v41 =	vld [tilespmem:s25+$0xC60]  }
0x193: {  	[tilespmem:s25+$0x6C00] =	vst v24;
	v25 =	vand.u32 $0x60, v25;
	v24 =	vshrl.u32 v37, $0x2;
	v26 =	vshll.u32 v37, $0x5  }
0x194: {  	[tilespmem:s25+$0x6C10] =	vst v25;
	v26 =	vand.u32 $0x60, v26;
	v25 =	vshrl.u32 v27, $0x2;
	v27 =	vshll.u32 v27, $0x5  }
0x195: {  	[tilespmem:s25+$0x6C20] =	vst v26;
	v26 =	vand.u32 $0x60, v27;
	v27 =	vshrl.u32 v28, $0x2;
	v28 =	vshll.u32 v28, $0x5  }
0x196: {  	[tilespmem:s25+$0x6C30] =	vst v26;
	v26 =	vand.u32 $0x60, v28;
	v28 =	vshrl.u32 v40, $0x2;
	v37 =	vshll.u32 v40, $0x5  }
0x197: {  	[tilespmem:s25+$0x6C40] =	vst v26;
	v37 =	vand.u32 $0x60, v37;
	v26 =	vshrl.u32 v41, $0x2;
	v40 =	vshll.u32 v41, $0x5  }
0x198: {  	[tilespmem:s25+$0x6C50] =	vst v37;
	v37 =	vand.u32 $0x60, v40  }
0x199: {  	[tilespmem:s25+$0x6C60] =	vst v37  }
0x19a: {  	[tilespmem:s25+$0x3000] =	vst v8  }
0x19b: {  	[tilespmem:s25+$0x3010] =	vst v9  }
0x19c: {  	[tilespmem:s25+$0x3020] =	vst v10  }
0x19d: {  	[tilespmem:s25+$0x3030] =	vst v11  }
0x19e: {  	[tilespmem:s25+$0x3040] =	vst v12  }
0x19f: {  	[tilespmem:s25+$0x3050] =	vst v13  }
0x1a0: {  	[tilespmem:s25+$0x3060] =	vst v14  }
0x1a1: {  	[tilespmem:s25+$0x3070] =	vst v15  }
0x1a2: {  	[tilespmem:s25+$0x3400] =	vst v16  }
0x1a3: {  	[tilespmem:s25+$0x3410] =	vst v17  }
0x1a4: {  	[tilespmem:s25+$0x3420] =	vst v18  }
0x1a5: {  	[tilespmem:s25+$0x3430] =	vst v19  }
0x1a6: {  	[tilespmem:s25+$0x3440] =	vst v20  }
0x1a7: {  	[tilespmem:s25+$0x3450] =	vst v21  }
0x1a8: {  	[tilespmem:s25+$0x3460] =	vst v29  }
0x1a9: {  	[tilespmem:s25+$0x3470] =	vst v30  }
0x1aa: {  	[tilespmem:s25+$0x3800] =	vst v31  }
0x1ab: {  	[tilespmem:s25+$0x3810] =	vst v32  }
0x1ac: {  	[tilespmem:s25+$0x3820] =	vst v33  }
.Ltmp0:
0x1ad: {  	[tilespmem:s25+$0x3830] =	vst v34;
	(pc) =	sbr.rel @p0 .LBB2_2-.Ltmp0, $4  }
0x1ae: {  	[tilespmem:s25+$0x3840] =	vst v35  }
0x1af: {  	[tilespmem:s25+$0x3850] =	vst v36  }
0x1b0: {  	s26 =	sadd.s32 $0x80, s26;
	[tilespmem:s25+$0x3860] =	vst v38  }
0x1b1: {  	s1 =	sand.u32 $0x380, s26;
	s0 =	sand.u32 $0x3000, s29;
	s29 =	sadd.s32 $0x200, s29;
	[tilespmem:s25+$0x3870] =	vst v39  }
0x1b2: {  	s26 =	sor.u32 s1, s0;
	[tilespmem:s25+$0x3C00] =	vst v22  }
0x1b3: {  	v13 =	vld [tilespmem:s26+$0xC70];
	[tilespmem:s25+$0x3C10] =	vst v23  }
0x1b4: {  	v8 =	vld [tilespmem:s26+$0x0];
	[tilespmem:s25+$0x3C20] =	vst v24  }
0x1b5: {  	v9 =	vld [tilespmem:s26+$0x10];
	[tilespmem:s25+$0x3C30] =	vst v25  }
0x1b6: {  	v10 =	vld [tilespmem:s26+$0x20];
	[tilespmem:s25+$0x3C40] =	vst v27  }
0x1b7: {  	v11 =	vld [tilespmem:s26+$0x30];
	[tilespmem:s25+$0x3C50] =	vst v28  }
0x1b8: {  	v12 =	vld [tilespmem:s26+$0x40];
	v14 =	vshrl.u32 v13, $0x2;
	v15 =	vshll.u32 v13, $0x5;
	[tilespmem:s25+$0x3C60] =	vst v26  }
0x1b9: {  	[tilespmem:s26+$0x3C70] =	vst v14;
	v51 =	vand.u32 $0x60, v15  }
0x1ba: {  	v16 =	vshll.u32 v8, $0x5;
	v8 =	vshrl.u32 v8, $0x2;
	[tilespmem:s26+$0x6C70] =	vst v51  }
0x1bb: {  	v52 =	vand.u32 $0x60, v16;
	[tilespmem:s26+$0x3000] =	vst v8  }
0x1bc: {  	v53 =	vshll.u32 v9, $0x5;
	v9 =	vshrl.u32 v9, $0x2;
	[tilespmem:s26+$0x6000] =	vst v52  }
0x1bd: {  	v13 =	vld [tilespmem:s26+$0x50];
	v54 =	vand.u32 $0x60, v53;
	[tilespmem:s26+$0x3010] =	vst v9  }
0x1be: {  	v17 =	vld [tilespmem:s26+$0x60];
	v55 =	vshll.u32 v10, $0x5;
	v8 =	vshrl.u32 v10, $0x2;
	[tilespmem:s26+$0x6010] =	vst v54  }
0x1bf: {  	v56 =	vand.u32 $0x60, v55;
	v57 =	vshll.u32 v11, $0x5;
	[tilespmem:s26+$0x3020] =	vst v8  }
0x1c0: {  	v18 =	vld [tilespmem:s26+$0x400];
	[tilespmem:s26+$0x6020] =	vst v56;
	v58 =	vand.u32 $0x60, v57  }
0x1c1: {  	v19 =	vld [tilespmem:s26+$0x410];
	v59 =	vshll.u32 v12, $0x5;
	v8 =	vshrl.u32 v12, $0x2;
	[tilespmem:s26+$0x6030] =	vst v58  }
0x1c2: {  	v20 =	vld [tilespmem:s26+$0x420];
	v60 =	vand.u32 $0x60, v59;
	[tilespmem:s26+$0x3040] =	vst v8  }
0x1c3: {  	v21 =	vld [tilespmem:s26+$0x430];
	v61 =	vshll.u32 v13, $0x5;
	v8 =	vshrl.u32 v17, $0x2;
	[tilespmem:s26+$0x6040] =	vst v60  }
0x1c4: {  	v22 =	vld [tilespmem:s26+$0x440];
	v63 =	vshll.u32 v17, $0x5;
	v62 =	vand.u32 $0x60, v61;
	[tilespmem:s26+$0x3060] =	vst v8  }
0x1c5: {  	v23 =	vld [tilespmem:s26+$0x450];
	v27 =	vshll.u32 v18, $0x5;
	v24 =	vand.u32 $0x60, v63;
	[tilespmem:s26+$0x6050] =	vst v62  }
0x1c6: {  	v29 =	vshll.u32 v19, $0x5;
	v28 =	vand.u32 $0x60, v27;
	[tilespmem:s26+$0x6060] =	vst v24  }
0x1c7: {  	v16 =	vld [tilespmem:s26+$0x70];
	v31 =	vshll.u32 v20, $0x5;
	v30 =	vand.u32 $0x60, v29;
	[tilespmem:s26+$0x6400] =	vst v28  }
0x1c8: {  	v33 =	vshll.u32 v21, $0x5;
	v32 =	vand.u32 $0x60, v31;
	[tilespmem:s26+$0x6410] =	vst v30  }
0x1c9: {  	v35 =	vshll.u32 v22, $0x5;
	v34 =	vand.u32 $0x60, v33;
	[tilespmem:s26+$0x6420] =	vst v32  }
0x1ca: {  	v37 =	vshll.u32 v23, $0x5;
	v27 =	vld [tilespmem:s26+$0x810];
	v36 =	vand.u32 $0x60, v35;
	[tilespmem:s26+$0x6430] =	vst v34  }
0x1cb: {  	v38 =	vand.u32 $0x60, v37;
	v29 =	vld [tilespmem:s26+$0x830];
	[tilespmem:s26+$0x6440] =	vst v36  }
0x1cc: {  	v25 =	vshll.u32 v16, $0x5;
	v31 =	vld [tilespmem:s26+$0x850];
	v8 =	vshrl.u32 v18, $0x2;
	[tilespmem:s26+$0x6450] =	vst v38  }
0x1cd: {  	v33 =	vld [tilespmem:s26+$0x870];
	v26 =	vand.u32 $0x60, v25;
	[tilespmem:s26+$0x3400] =	vst v8  }
0x1ce: {  	v35 =	vld [tilespmem:s26+$0xC10];
	v8 =	vshrl.u32 v20, $0x2;
	[tilespmem:s26+$0x6070] =	vst v26  }
0x1cf: {  	[tilespmem:s26+$0x3420] =	vst v8;
	v8 =	vshrl.u32 v22, $0x2;
	v45 =	vshll.u32 v27, $0x5  }
0x1d0: {  	[tilespmem:s26+$0x3440] =	vst v8;
	v49 =	vshll.u32 v29, $0x5;
	v46 =	vand.u32 $0x60, v45  }
0x1d1: {  	v24 =	vld [tilespmem:s26+$0x460];
	v53 =	vshll.u32 v31, $0x5;
	v50 =	vand.u32 $0x60, v49;
	[tilespmem:s26+$0x6810] =	vst v46  }
0x1d2: {  	v57 =	vshll.u32 v33, $0x5;
	v54 =	vand.u32 $0x60, v53;
	[tilespmem:s26+$0x6830] =	vst v50  }
0x1d3: {  	v61 =	vshll.u32 v35, $0x5;
	v58 =	vand.u32 $0x60, v57;
	[tilespmem:s26+$0x6850] =	vst v54  }
0x1d4: {  	v25 =	vld [tilespmem:s26+$0x470];
	v62 =	vand.u32 $0x60, v61;
	[tilespmem:s26+$0x6870] =	vst v58  }
0x1d5: {  	v28 =	vld [tilespmem:s26+$0x820];
	v53 =	vshrl.u32 v19, $0x2;
	[tilespmem:s26+$0x6C10] =	vst v62  }
0x1d6: {  	v30 =	vld [tilespmem:s26+$0x840];
	v8 =	vshrl.u32 v24, $0x2;
	[tilespmem:s26+$0x3410] =	vst v53  }
0x1d7: {  	v32 =	vld [tilespmem:s26+$0x860];
	v57 =	vshrl.u32 v27, $0x2;
	[tilespmem:s26+$0x3460] =	vst v8  }
0x1d8: {  	v34 =	vld [tilespmem:s26+$0xC00];
	v39 =	vshll.u32 v24, $0x5;
	v61 =	vshrl.u32 v35, $0x2;
	[tilespmem:s26+$0x3810] =	vst v57  }
0x1d9: {  	v36 =	vld [tilespmem:s26+$0xC20];
	v41 =	vshll.u32 v25, $0x5;
	v40 =	vand.u32 $0x60, v39;
	[tilespmem:s26+$0x3C10] =	vst v61  }
0x1da: {  	v47 =	vshll.u32 v28, $0x5;
	v42 =	vand.u32 $0x60, v41;
	[tilespmem:s26+$0x6460] =	vst v40  }
0x1db: {  	v51 =	vshll.u32 v30, $0x5;
	v48 =	vand.u32 $0x60, v47;
	[tilespmem:s26+$0x6470] =	vst v42  }
0x1dc: {  	v55 =	vshll.u32 v32, $0x5;
	v52 =	vand.u32 $0x60, v51;
	[tilespmem:s26+$0x6820] =	vst v48  }
0x1dd: {  	v59 =	vshll.u32 v34, $0x5;
	v56 =	vand.u32 $0x60, v55;
	[tilespmem:s26+$0x6840] =	vst v52  }
0x1de: {  	v63 =	vshll.u32 v36, $0x5;
	v60 =	vand.u32 $0x60, v59;
	[tilespmem:s26+$0x6860] =	vst v56  }
0x1df: {  	v26 =	vld [tilespmem:s26+$0x800];
	v41 =	vand.u32 $0x60, v63;
	[tilespmem:s26+$0x6C00] =	vst v60  }
0x1e0: {  	v50 =	vshrl.u32 v11, $0x2;
	[tilespmem:s26+$0x6C20] =	vst v41  }
0x1e1: {  	v51 =	vshrl.u32 v13, $0x2;
	[tilespmem:s26+$0x3030] =	vst v50  }
0x1e2: {  	v37 =	vld [tilespmem:s26+$0xC30];
	v54 =	vshrl.u32 v21, $0x2;
	[tilespmem:s26+$0x3050] =	vst v51  }
0x1e3: {  	v55 =	vshrl.u32 v23, $0x2;
	[tilespmem:s26+$0x3430] =	vst v54  }
0x1e4: {  	v8 =	vshrl.u32 v26, $0x2;
	[tilespmem:s26+$0x3450] =	vst v55  }
0x1e5: {  	v58 =	vshrl.u32 v29, $0x2;
	[tilespmem:s26+$0x3800] =	vst v8  }
0x1e6: {  	v59 =	vshrl.u32 v31, $0x2;
	[tilespmem:s26+$0x3830] =	vst v58  }
0x1e7: {  	v43 =	vshll.u32 v26, $0x5;
	v62 =	vshrl.u32 v37, $0x2;
	[tilespmem:s26+$0x3850] =	vst v59  }
0x1e8: {  	v44 =	vand.u32 $0x60, v43;
	[tilespmem:s26+$0x3C30] =	vst v62  }
0x1e9: {  	v38 =	vld [tilespmem:s26+$0xC40];
	v52 =	vshrl.u32 v16, $0x2;
	[tilespmem:s26+$0x6800] =	vst v44  }
0x1ea: {  	v56 =	vshrl.u32 v25, $0x2;
	[tilespmem:s26+$0x3070] =	vst v52  }
0x1eb: {  	v8 =	vshrl.u32 v28, $0x2;
	[tilespmem:s26+$0x3470] =	vst v56  }
0x1ec: {  	v42 =	vshll.u32 v37, $0x5;
	v60 =	vshrl.u32 v33, $0x2;
	[tilespmem:s26+$0x3820] =	vst v8  }
0x1ed: {  	v43 =	vand.u32 $0x60, v42;
	[tilespmem:s26+$0x3870] =	vst v60  }
0x1ee: {  	v39 =	vld [tilespmem:s26+$0xC50];
	v44 =	vshll.u32 v38, $0x5;
	v8 =	vshrl.u32 v30, $0x2;
	[tilespmem:s26+$0x6C30] =	vst v43  }
0x1ef: {  	v45 =	vand.u32 $0x60, v44;
	[tilespmem:s26+$0x3840] =	vst v8  }
0x1f0: {  	v40 =	vld [tilespmem:s26+$0xC60];
	v8 =	vshrl.u32 v32, $0x2;
	[tilespmem:s26+$0x6C40] =	vst v45  }
0x1f1: {  	[tilespmem:s26+$0x3860] =	vst v8;
	v8 =	vshrl.u32 v34, $0x2  }
0x1f2: {  	[tilespmem:s26+$0x3C00] =	vst v8;
	v8 =	vshrl.u32 v36, $0x2  }
0x1f3: {  	v46 =	vshll.u32 v39, $0x5;
	v63 =	vshrl.u32 v39, $0x2;
	[tilespmem:s26+$0x3C20] =	vst v8  }
0x1f4: {  	v47 =	vand.u32 $0x60, v46;
	[tilespmem:s26+$0x3C50] =	vst v63  }
0x1f5: {  	v48 =	vshll.u32 v40, $0x5;
	v8 =	vshrl.u32 v38, $0x2;
	[tilespmem:s26+$0x6C50] =	vst v47  }
0x1f6: {  	v49 =	vand.u32 $0x60, v48;
	[tilespmem:s26+$0x3C40] =	vst v8  }
0x1f7: {  	v8 =	vshrl.u32 v40, $0x2;
	[tilespmem:s26+$0x6C60] =	vst v49  }
0x1f8: {  	s29 =	simm.s32 $0x3000;
	[tilespmem:s26+$0x3C60] =	vst v8  }
0x1f9: {  	[tilespmem:s15], [sflag:$0x2] =	stream.indirect.gather [hbm4b:s2+s13], $0x80, s29, s13, $0xb8;
	[tilespmem:$0x13000] =	vst v63  }
0x1fa: {  	s30 =	simm.s32 $0x3400;
	s31 =	simm.s32 $0x0;
	s25 =	simm.s32 $0x0  }
0x1fb: {  	[tilespmem:s16], [sflag:$0x3] =	stream.indirect.gather [hbm4b:s2+s13], $0x80, s30, s13, $0xb8;
	[tilespmem:$0x13000] =	vst v63  }
.LBB2_4:
0x1fc: {  	_ =	swait.ge [sflag:s17], $0x4000  }
0x1fd: {  	p0 =	seq.s32 s31, $0x0;
	[sflag:s17] =	ssyncset.done $0x0  }
0x1fe: {  	s0 =	simm.s32 @!p0 $0x4;
	[sflag:s17] =	ssyncadd.s32 $0xFFFFC000  }
0x1ff: {  	s1 =	sshll.u32 s31, $0x9;
	s7 =	sshll.u32 s31, $0x7;
	_ =	swait.ge @!p0 [sflag:s0], $0x1000  }
0x200: {  	s1 =	sand.u32 $0x3000, s1;
	s7 =	sand.u32 $0x380, s7;
	[sflag:s0] =	ssyncset.done @!p0 $0x0  }
0x201: {  	s26 =	sor.u32 s7, s1;
	[sflag:s0] =	ssyncadd.s32 @!p0 $0xFFFFF000  }
0x202: {  	v15 =	vld [tilespmem:s26+$0x6000];
	_ =	sdelay $0x4  }
0x203: {  	v8 =	vadd.s32 s25, v15  }
0x204: {  	v8 =	vadd.s32 v0, v8;
	_ =	sdelay $0x1  }
0x205: {  	v14 =	vld [tilespmem:s26+$0x6010];
	_ =	sdelay $0x2  }
0x206: {  	v8 =	vld.idx.msk [tilespmem:v8+s15+$0x0], $0xffff;
	_ =	sdelay $0x1  }
0x207: {  	v13 =	vld [tilespmem:s26+$0x6020];
	v9 =	vadd.s32 s25, v14  }
0x208: {  	v12 =	vld [tilespmem:s26+$0x6030];
	v16 =	vadd.s32 v1, v9  }
0x209: {  	v11 =	vld [tilespmem:s26+$0x6040]  }
0x20a: {  	v10 =	vld [tilespmem:s26+$0x6050];
	v17 =	vmul.f32 $5.656854150e+00, v8  }
0x20b: {  	s0 =	simm.s32 $0x11040;
	v9 =	vld [tilespmem:s26+$0x6060]  }
0x20c: {  	v8 =	vld [tilespmem:s26+$0x6070];
	[tilespmem:s0+$0xFFFFFFC0] =	vst v17  }
0x20d: {  	v16 =	vld.idx.msk [tilespmem:v16+s15+$0x0], $0xffff;
	_ =	sdelay $0x1  }
0x20e: {  	v17 =	vadd.s32 s25, v13  }
0x20f: {  	v17 =	vadd.s32 v2, v17;
	_ =	sdelay $0x1  }
0x210: {  	v16 =	vmul.f32 $5.656854150e+00, v16;
	_ =	sdelay $0x1  }
0x211: {  	[tilespmem:s0+$0xFFFFFFD0] =	vst v16  }
0x212: {  	v16 =	vld.idx.msk [tilespmem:v17+s15+$0x0], $0xffff;
	_ =	sdelay $0x1  }
0x213: {  	v17 =	vadd.s32 s25, v12  }
0x214: {  	v17 =	vadd.s32 v3, v17;
	_ =	sdelay $0x1  }
0x215: {  	v16 =	vmul.f32 $5.656854150e+00, v16;
	_ =	sdelay $0x1  }
0x216: {  	[tilespmem:s0+$0xFFFFFFE0] =	vst v16  }
0x217: {  	v16 =	vld.idx.msk [tilespmem:v17+s15+$0x0], $0xffff;
	_ =	sdelay $0x1  }
0x218: {  	v17 =	vadd.s32 s25, v11  }
0x219: {  	v17 =	vadd.s32 v4, v17;
	_ =	sdelay $0x1  }
0x21a: {  	v16 =	vmul.f32 $5.656854150e+00, v16;
	_ =	sdelay $0x1  }
0x21b: {  	[tilespmem:s0+$0xFFFFFFF0] =	vst v16  }
0x21c: {  	v16 =	vld.idx.msk [tilespmem:v17+s15+$0x0], $0xffff;
	_ =	sdelay $0x1  }
0x21d: {  	v17 =	vadd.s32 s25, v10  }
0x21e: {  	v17 =	vadd.s32 v5, v17;
	_ =	sdelay $0x1  }
0x21f: {  	v16 =	vmul.f32 $5.656854150e+00, v16;
	_ =	sdelay $0x1  }
0x220: {  	[tilespmem:s0+$0x0] =	vst v16  }
0x221: {  	v16 =	vld.idx.msk [tilespmem:v17+s15+$0x0], $0xffff;
	_ =	sdelay $0x1  }
0x222: {  	v17 =	vadd.s32 s25, v9  }
0x223: {  	v17 =	vadd.s32 v6, v17;
	_ =	sdelay $0x1  }
0x224: {  	v16 =	vmul.f32 $5.656854150e+00, v16;
	_ =	sdelay $0x1  }
0x225: {  	[tilespmem:s0+$0x10] =	vst v16  }
0x226: {  	v16 =	vld.idx.msk [tilespmem:v17+s15+$0x0], $0xffff;
	_ =	sdelay $0x1  }
0x227: {  	v17 =	vadd.s32 s25, v8  }
0x228: {  	v17 =	vadd.s32 v7, v17;
	_ =	sdelay $0x1  }
0x229: {  	v16 =	vmul.f32 $5.656854150e+00, v16;
	_ =	sdelay $0x1  }
0x22a: {  	[tilespmem:s0+$0x20] =	vst v16  }
0x22b: {  	v16 =	vld.idx.msk [tilespmem:v17+s15+$0x0], $0xffff  }
0x22c: {  	s1 =	simm.s32 $0x1  }
0x22d: {  	s29 =	simm.s32 $0x2;
	v17 =	vadd.s32 s1, v15  }
.LBB2_5:
0x22e: {  	p1 =	sne.s32 s29, $0x1F;
	v17 =	vadd.s32 v0, v17;
	_ =	sdelay $0x1  }
0x22f: {  	v16 =	vmul.f32 $5.656854150e+00, v16;
	_ =	sdelay $0x1  }
0x230: {  	[tilespmem:s0+$0x30] =	vst v16  }
0x231: {  	v16 =	vld.idx.msk [tilespmem:v17+s15+$0x0], $0xffff;
	_ =	sdelay $0x2  }
0x232: {  	v17 =	vadd.s32 s1, v14  }
0x233: {  	v17 =	vadd.s32 v1, v17;
	_ =	sdelay $0x1  }
0x234: {  	v16 =	vmul.f32 $5.656854150e+00, v16  }
0x235: {  	s0 =	sadd.s32 $0x80, s0  }
0x236: {  	[tilespmem:s0+$0xFFFFFFC0] =	vst v16  }
0x237: {  	v16 =	vld.idx.msk [tilespmem:v17+s15+$0x0], $0xffff;
	_ =	sdelay $0x2  }
0x238: {  	v17 =	vadd.s32 s1, v13  }
0x239: {  	v17 =	vadd.s32 v2, v17;
	_ =	sdelay $0x1  }
0x23a: {  	v16 =	vmul.f32 $5.656854150e+00, v16;
	_ =	sdelay $0x1  }
0x23b: {  	[tilespmem:s0+$0xFFFFFFD0] =	vst v16  }
0x23c: {  	v16 =	vld.idx.msk [tilespmem:v17+s15+$0x0], $0xffff;
	_ =	sdelay $0x2  }
0x23d: {  	v17 =	vadd.s32 s1, v12  }
0x23e: {  	v17 =	vadd.s32 v3, v17;
	_ =	sdelay $0x1  }
0x23f: {  	v16 =	vmul.f32 $5.656854150e+00, v16;
	_ =	sdelay $0x1  }
0x240: {  	[tilespmem:s0+$0xFFFFFFE0] =	vst v16  }
0x241: {  	v16 =	vld.idx.msk [tilespmem:v17+s15+$0x0], $0xffff;
	_ =	sdelay $0x2  }
0x242: {  	v17 =	vadd.s32 s1, v11  }
0x243: {  	v17 =	vadd.s32 v4, v17;
	_ =	sdelay $0x1  }
0x244: {  	v16 =	vmul.f32 $5.656854150e+00, v16;
	_ =	sdelay $0x1  }
0x245: {  	[tilespmem:s0+$0xFFFFFFF0] =	vst v16  }
0x246: {  	v16 =	vld.idx.msk [tilespmem:v17+s15+$0x0], $0xffff;
	_ =	sdelay $0x2  }
0x247: {  	v17 =	vadd.s32 s1, v10  }
0x248: {  	v17 =	vadd.s32 v5, v17;
	_ =	sdelay $0x1  }
0x249: {  	v16 =	vmul.f32 $5.656854150e+00, v16;
	_ =	sdelay $0x1  }
0x24a: {  	[tilespmem:s0+$0x0] =	vst v16  }
0x24b: {  	v16 =	vld.idx.msk [tilespmem:v17+s15+$0x0], $0xffff;
	_ =	sdelay $0x2  }
0x24c: {  	v17 =	vadd.s32 s1, v9  }
0x24d: {  	v17 =	vadd.s32 v6, v17;
	_ =	sdelay $0x1  }
0x24e: {  	v16 =	vmul.f32 $5.656854150e+00, v16;
	_ =	sdelay $0x1  }
0x24f: {  	[tilespmem:s0+$0x10] =	vst v16  }
0x250: {  	v16 =	vld.idx.msk [tilespmem:v17+s15+$0x0], $0xffff;
	_ =	sdelay $0x2  }
0x251: {  	v17 =	vadd.s32 s1, v8;
	s1 =	smov.u32 s29  }
0x252: {  	v17 =	vadd.s32 v7, v17;
	_ =	sdelay $0x1  }
0x253: {  	v16 =	vmul.f32 $5.656854150e+00, v16;
	_ =	sdelay $0x1  }
.Ltmp1:
0x254: {  	[tilespmem:s0+$0x20] =	vst v16;
	(pc) =	sbr.rel @p1 .LBB2_5-.Ltmp1, $2  }
0x255: {  	v16 =	vld.idx.msk [tilespmem:v17+s15+$0x0], $0xffff;
	_ =	sdelay $0x2  }
0x256: {  	s29 =	sadd.s32 $0x1, s29;
	v17 =	vadd.s32 s1, v15  }
0x257: {  	v15 =	vadd.s32 v0, v17;
	_ =	sdelay $0x1  }
0x258: {  	v16 =	vmul.f32 $5.656854150e+00, v16;
	_ =	sdelay $0x1  }
0x259: {  	[tilespmem:s0+$0x30] =	vst v16  }
0x25a: {  	v15 =	vld.idx.msk [tilespmem:v15+s15+$0x0], $0xffff;
	_ =	sdelay $0x1  }
0x25b: {  	v14 =	vadd.s32 s1, v14  }
0x25c: {  	v14 =	vadd.s32 v1, v14;
	_ =	sdelay $0x1  }
0x25d: {  	v15 =	vmul.f32 $5.656854150e+00, v15  }
0x25e: {  	s8 =	sadd.s32 $0x80, s0  }
0x25f: {  	[tilespmem:s8+$0xFFFFFFC0] =	vst v15  }
0x260: {  	v14 =	vld.idx.msk [tilespmem:v14+s15+$0x0], $0xffff;
	_ =	sdelay $0x1  }
0x261: {  	v13 =	vadd.s32 s1, v13  }
0x262: {  	v13 =	vadd.s32 v2, v13;
	_ =	sdelay $0x1  }
0x263: {  	v14 =	vmul.f32 $5.656854150e+00, v14;
	_ =	sdelay $0x1  }
0x264: {  	[tilespmem:s8+$0xFFFFFFD0] =	vst v14  }
0x265: {  	v13 =	vld.idx.msk [tilespmem:v13+s15+$0x0], $0xffff;
	_ =	sdelay $0x1  }
0x266: {  	v12 =	vadd.s32 s1, v12  }
0x267: {  	v12 =	vadd.s32 v3, v12;
	_ =	sdelay $0x1  }
0x268: {  	v13 =	vmul.f32 $5.656854150e+00, v13;
	_ =	sdelay $0x1  }
0x269: {  	[tilespmem:s8+$0xFFFFFFE0] =	vst v13  }
0x26a: {  	v12 =	vld.idx.msk [tilespmem:v12+s15+$0x0], $0xffff;
	_ =	sdelay $0x1  }
0x26b: {  	v11 =	vadd.s32 s1, v11  }
0x26c: {  	v11 =	vadd.s32 v4, v11;
	_ =	sdelay $0x1  }
0x26d: {  	v12 =	vmul.f32 $5.656854150e+00, v12;
	_ =	sdelay $0x1  }
0x26e: {  	[tilespmem:s8+$0xFFFFFFF0] =	vst v12  }
0x26f: {  	v11 =	vld.idx.msk [tilespmem:v11+s15+$0x0], $0xffff;
	_ =	sdelay $0x1  }
0x270: {  	v10 =	vadd.s32 s1, v10  }
0x271: {  	v10 =	vadd.s32 v5, v10;
	_ =	sdelay $0x1  }
0x272: {  	v11 =	vmul.f32 $5.656854150e+00, v11;
	_ =	sdelay $0x1  }
0x273: {  	[tilespmem:s8+$0x0] =	vst v11  }
0x274: {  	v10 =	vld.idx.msk [tilespmem:v10+s15+$0x0], $0xffff;
	_ =	sdelay $0x1  }
0x275: {  	v9 =	vadd.s32 s1, v9  }
0x276: {  	v9 =	vadd.s32 v6, v9;
	_ =	sdelay $0x1  }
0x277: {  	v10 =	vmul.f32 $5.656854150e+00, v10;
	_ =	sdelay $0x1  }
0x278: {  	[tilespmem:s8+$0x10] =	vst v10  }
0x279: {  	v9 =	vld.idx.msk [tilespmem:v9+s15+$0x0], $0xffff;
	_ =	sdelay $0x1  }
0x27a: {  	v8 =	vadd.s32 s1, v8  }
0x27b: {  	v8 =	vadd.s32 v7, v8;
	_ =	sdelay $0x1  }
0x27c: {  	v9 =	vmul.f32 $5.656854150e+00, v9;
	_ =	sdelay $0x1  }
0x27d: {  	[tilespmem:s8+$0x20] =	vst v9  }
0x27e: {  	v8 =	vld.idx.msk [tilespmem:v8+s15+$0x0], $0xffff;
	_ =	sdelay $0x4  }
0x27f: {  	v8 =	vmul.f32 $5.656854150e+00, v8;
	_ =	sdelay $0x1  }
0x280: {  	s1 =	sadd.s32 $0x3800, s26;
	s29 =	sshll.u32 s31, $0x10;
	[tilespmem:s8+$0x30] =	vst v8  }
0x281: {  	[tilespmem:s15], [sflag:$0x2] =	stream.indirect.gather [hbm4b:s2+s13], $0x80, s1, s13, $0xb8;
	[tilespmem:$0x13000] =	vst v63  }
0x282: {  	s7 =	sadd.s32 s29, s28  }
0x283: {  	[hbm4b:s7+s12] =	stream.strided.scatter [tilespmem:s19], [sflag:$0x4], $0x1000, s18, s12, $0x38;
	[tilespmem:$0x13000] =	vst v63  }
0x284: {  	_ =	swait.ge [sflag:s20], $0x4000  }
0x285: {  	[sflag:s20] =	ssyncset.done $0x0  }
0x286: {  	s0 =	simm.s32 @!p0 $0x5;
	[sflag:s20] =	ssyncadd.s32 $0xFFFFC000  }
0x287: {  	_ =	swait.ge @!p0 [sflag:s0], $0x1000  }
0x288: {  	[sflag:s0] =	ssyncset.done @!p0 $0x0  }
0x289: {  	[sflag:s0] =	ssyncadd.s32 @!p0 $0xFFFFF000  }
0x28a: {  	v15 =	vld [tilespmem:s26+$0x6400];
	_ =	sdelay $0x3  }
0x28b: {  	s8 =	simm.s32 $0x0  }
0x28c: {  	v8 =	vadd.s32 s8, v15  }
0x28d: {  	v8 =	vadd.s32 v0, v8;
	_ =	sdelay $0x1  }
0x28e: {  	v14 =	vld [tilespmem:s26+$0x6410];
	_ =	sdelay $0x2  }
0x28f: {  	v8 =	vld.idx.msk [tilespmem:v8+s16+$0x0], $0xffff;
	_ =	sdelay $0x1  }
0x290: {  	v13 =	vld [tilespmem:s26+$0x6420];
	v9 =	vadd.s32 s8, v14  }
0x291: {  	v12 =	vld [tilespmem:s26+$0x6430];
	v16 =	vadd.s32 v1, v9  }
0x292: {  	v11 =	vld [tilespmem:s26+$0x6440]  }
0x293: {  	v10 =	vld [tilespmem:s26+$0x6450];
	v17 =	vmul.f32 $5.656854150e+00, v8  }
0x294: {  	s30 =	simm.s32 $0x12040;
	v9 =	vld [tilespmem:s26+$0x6460]  }
0x295: {  	v8 =	vld [tilespmem:s26+$0x6470];
	[tilespmem:s30+$0xFFFFFFC0] =	vst v17  }
0x296: {  	v16 =	vld.idx.msk [tilespmem:v16+s16+$0x0], $0xffff;
	_ =	sdelay $0x1  }
0x297: {  	v17 =	vadd.s32 s8, v13  }
0x298: {  	v17 =	vadd.s32 v2, v17;
	_ =	sdelay $0x1  }
0x299: {  	v16 =	vmul.f32 $5.656854150e+00, v16;
	_ =	sdelay $0x1  }
0x29a: {  	[tilespmem:s30+$0xFFFFFFD0] =	vst v16  }
0x29b: {  	v16 =	vld.idx.msk [tilespmem:v17+s16+$0x0], $0xffff;
	_ =	sdelay $0x1  }
0x29c: {  	v17 =	vadd.s32 s8, v12  }
0x29d: {  	v17 =	vadd.s32 v3, v17;
	_ =	sdelay $0x1  }
0x29e: {  	v16 =	vmul.f32 $5.656854150e+00, v16;
	_ =	sdelay $0x1  }
0x29f: {  	[tilespmem:s30+$0xFFFFFFE0] =	vst v16  }
0x2a0: {  	v16 =	vld.idx.msk [tilespmem:v17+s16+$0x0], $0xffff;
	_ =	sdelay $0x1  }
0x2a1: {  	v17 =	vadd.s32 s8, v11  }
0x2a2: {  	v17 =	vadd.s32 v4, v17;
	_ =	sdelay $0x1  }
0x2a3: {  	v16 =	vmul.f32 $5.656854150e+00, v16;
	_ =	sdelay $0x1  }
0x2a4: {  	[tilespmem:s30+$0xFFFFFFF0] =	vst v16  }
0x2a5: {  	v16 =	vld.idx.msk [tilespmem:v17+s16+$0x0], $0xffff;
	_ =	sdelay $0x1  }
0x2a6: {  	v17 =	vadd.s32 s8, v10  }
0x2a7: {  	v17 =	vadd.s32 v5, v17;
	_ =	sdelay $0x1  }
0x2a8: {  	v16 =	vmul.f32 $5.656854150e+00, v16;
	_ =	sdelay $0x1  }
0x2a9: {  	[tilespmem:s30+$0x0] =	vst v16  }
0x2aa: {  	v16 =	vld.idx.msk [tilespmem:v17+s16+$0x0], $0xffff;
	_ =	sdelay $0x1  }
0x2ab: {  	v17 =	vadd.s32 s8, v9  }
0x2ac: {  	v17 =	vadd.s32 v6, v17;
	_ =	sdelay $0x1  }
0x2ad: {  	v16 =	vmul.f32 $5.656854150e+00, v16;
	_ =	sdelay $0x1  }
0x2ae: {  	[tilespmem:s30+$0x10] =	vst v16  }
0x2af: {  	v16 =	vld.idx.msk [tilespmem:v17+s16+$0x0], $0xffff;
	_ =	sdelay $0x1  }
0x2b0: {  	v17 =	vadd.s32 s8, v8  }
0x2b1: {  	v17 =	vadd.s32 v7, v17;
	_ =	sdelay $0x1  }
0x2b2: {  	v16 =	vmul.f32 $5.656854150e+00, v16;
	_ =	sdelay $0x1  }
0x2b3: {  	[tilespmem:s30+$0x20] =	vst v16  }
0x2b4: {  	v16 =	vld.idx.msk [tilespmem:v17+s16+$0x0], $0xffff  }
0x2b5: {  	s1 =	simm.s32 $0x1  }
0x2b6: {  	s7 =	simm.s32 $0x2;
	s0 =	sor.u32 $0x800, s26;
	v17 =	vadd.s32 s1, v15  }
.LBB2_7:
0x2b7: {  	p0 =	sne.s32 s7, $0x1F;
	v17 =	vadd.s32 v0, v17;
	_ =	sdelay $0x1  }
0x2b8: {  	v16 =	vmul.f32 $5.656854150e+00, v16;
	_ =	sdelay $0x1  }
0x2b9: {  	[tilespmem:s30+$0x30] =	vst v16  }
0x2ba: {  	v16 =	vld.idx.msk [tilespmem:v17+s16+$0x0], $0xffff;
	_ =	sdelay $0x2  }
0x2bb: {  	v17 =	vadd.s32 s1, v14  }
0x2bc: {  	v17 =	vadd.s32 v1, v17;
	_ =	sdelay $0x1  }
0x2bd: {  	v16 =	vmul.f32 $5.656854150e+00, v16  }
0x2be: {  	s30 =	sadd.s32 $0x80, s30  }
0x2bf: {  	[tilespmem:s30+$0xFFFFFFC0] =	vst v16  }
0x2c0: {  	v16 =	vld.idx.msk [tilespmem:v17+s16+$0x0], $0xffff;
	_ =	sdelay $0x2  }
0x2c1: {  	v17 =	vadd.s32 s1, v13  }
0x2c2: {  	v17 =	vadd.s32 v2, v17;
	_ =	sdelay $0x1  }
0x2c3: {  	v16 =	vmul.f32 $5.656854150e+00, v16;
	_ =	sdelay $0x1  }
0x2c4: {  	[tilespmem:s30+$0xFFFFFFD0] =	vst v16  }
0x2c5: {  	v16 =	vld.idx.msk [tilespmem:v17+s16+$0x0], $0xffff;
	_ =	sdelay $0x2  }
0x2c6: {  	v17 =	vadd.s32 s1, v12  }
0x2c7: {  	v17 =	vadd.s32 v3, v17;
	_ =	sdelay $0x1  }
0x2c8: {  	v16 =	vmul.f32 $5.656854150e+00, v16;
	_ =	sdelay $0x1  }
0x2c9: {  	[tilespmem:s30+$0xFFFFFFE0] =	vst v16  }
0x2ca: {  	v16 =	vld.idx.msk [tilespmem:v17+s16+$0x0], $0xffff;
	_ =	sdelay $0x2  }
0x2cb: {  	v17 =	vadd.s32 s1, v11  }
0x2cc: {  	v17 =	vadd.s32 v4, v17;
	_ =	sdelay $0x1  }
0x2cd: {  	v16 =	vmul.f32 $5.656854150e+00, v16;
	_ =	sdelay $0x1  }
0x2ce: {  	[tilespmem:s30+$0xFFFFFFF0] =	vst v16  }
0x2cf: {  	v16 =	vld.idx.msk [tilespmem:v17+s16+$0x0], $0xffff;
	_ =	sdelay $0x2  }
0x2d0: {  	v17 =	vadd.s32 s1, v10  }
0x2d1: {  	v17 =	vadd.s32 v5, v17;
	_ =	sdelay $0x1  }
0x2d2: {  	v16 =	vmul.f32 $5.656854150e+00, v16;
	_ =	sdelay $0x1  }
0x2d3: {  	[tilespmem:s30+$0x0] =	vst v16  }
0x2d4: {  	v16 =	vld.idx.msk [tilespmem:v17+s16+$0x0], $0xffff;
	_ =	sdelay $0x2  }
0x2d5: {  	v17 =	vadd.s32 s1, v9  }
0x2d6: {  	v17 =	vadd.s32 v6, v17;
	_ =	sdelay $0x1  }
0x2d7: {  	v16 =	vmul.f32 $5.656854150e+00, v16;
	_ =	sdelay $0x1  }
0x2d8: {  	[tilespmem:s30+$0x10] =	vst v16  }
0x2d9: {  	v16 =	vld.idx.msk [tilespmem:v17+s16+$0x0], $0xffff;
	_ =	sdelay $0x2  }
0x2da: {  	v17 =	vadd.s32 s1, v8;
	s1 =	smov.u32 s7  }
0x2db: {  	v17 =	vadd.s32 v7, v17;
	_ =	sdelay $0x1  }
0x2dc: {  	v16 =	vmul.f32 $5.656854150e+00, v16;
	_ =	sdelay $0x1  }
.Ltmp2:
0x2dd: {  	[tilespmem:s30+$0x20] =	vst v16;
	(pc) =	sbr.rel @p0 .LBB2_7-.Ltmp2, $2  }
0x2de: {  	v16 =	vld.idx.msk [tilespmem:v17+s16+$0x0], $0xffff;
	_ =	sdelay $0x2  }
0x2df: {  	s7 =	sadd.s32 $0x1, s7;
	v17 =	vadd.s32 s1, v15  }
0x2e0: {  	v15 =	vadd.s32 v0, v17;
	_ =	sdelay $0x1  }
0x2e1: {  	v16 =	vmul.f32 $5.656854150e+00, v16;
	_ =	sdelay $0x1  }
0x2e2: {  	[tilespmem:s30+$0x30] =	vst v16  }
0x2e3: {  	v15 =	vld.idx.msk [tilespmem:v15+s16+$0x0], $0xffff;
	_ =	sdelay $0x1  }
0x2e4: {  	v14 =	vadd.s32 s1, v14  }
0x2e5: {  	v14 =	vadd.s32 v1, v14;
	_ =	sdelay $0x1  }
0x2e6: {  	v15 =	vmul.f32 $5.656854150e+00, v15  }
0x2e7: {  	s7 =	sadd.s32 $0x80, s30  }
0x2e8: {  	[tilespmem:s7+$0xFFFFFFC0] =	vst v15  }
0x2e9: {  	v14 =	vld.idx.msk [tilespmem:v14+s16+$0x0], $0xffff;
	_ =	sdelay $0x1  }
0x2ea: {  	v13 =	vadd.s32 s1, v13  }
0x2eb: {  	v13 =	vadd.s32 v2, v13;
	_ =	sdelay $0x1  }
0x2ec: {  	v14 =	vmul.f32 $5.656854150e+00, v14;
	_ =	sdelay $0x1  }
0x2ed: {  	[tilespmem:s7+$0xFFFFFFD0] =	vst v14  }
0x2ee: {  	v13 =	vld.idx.msk [tilespmem:v13+s16+$0x0], $0xffff;
	_ =	sdelay $0x1  }
0x2ef: {  	v12 =	vadd.s32 s1, v12  }
0x2f0: {  	v12 =	vadd.s32 v3, v12;
	_ =	sdelay $0x1  }
0x2f1: {  	v13 =	vmul.f32 $5.656854150e+00, v13;
	_ =	sdelay $0x1  }
0x2f2: {  	[tilespmem:s7+$0xFFFFFFE0] =	vst v13  }
0x2f3: {  	v12 =	vld.idx.msk [tilespmem:v12+s16+$0x0], $0xffff;
	_ =	sdelay $0x1  }
0x2f4: {  	v11 =	vadd.s32 s1, v11  }
0x2f5: {  	v11 =	vadd.s32 v4, v11;
	_ =	sdelay $0x1  }
0x2f6: {  	v12 =	vmul.f32 $5.656854150e+00, v12;
	_ =	sdelay $0x1  }
0x2f7: {  	[tilespmem:s7+$0xFFFFFFF0] =	vst v12  }
0x2f8: {  	v11 =	vld.idx.msk [tilespmem:v11+s16+$0x0], $0xffff;
	_ =	sdelay $0x1  }
0x2f9: {  	v10 =	vadd.s32 s1, v10  }
0x2fa: {  	v10 =	vadd.s32 v5, v10;
	_ =	sdelay $0x1  }
0x2fb: {  	v11 =	vmul.f32 $5.656854150e+00, v11;
	_ =	sdelay $0x1  }
0x2fc: {  	[tilespmem:s7+$0x0] =	vst v11  }
0x2fd: {  	v10 =	vld.idx.msk [tilespmem:v10+s16+$0x0], $0xffff;
	_ =	sdelay $0x1  }
0x2fe: {  	v9 =	vadd.s32 s1, v9  }
0x2ff: {  	v9 =	vadd.s32 v6, v9;
	_ =	sdelay $0x1  }
0x300: {  	v10 =	vmul.f32 $5.656854150e+00, v10;
	_ =	sdelay $0x1  }
0x301: {  	[tilespmem:s7+$0x10] =	vst v10  }
0x302: {  	v9 =	vld.idx.msk [tilespmem:v9+s16+$0x0], $0xffff;
	_ =	sdelay $0x1  }
0x303: {  	v8 =	vadd.s32 s1, v8  }
0x304: {  	v8 =	vadd.s32 v7, v8;
	_ =	sdelay $0x1  }
0x305: {  	v9 =	vmul.f32 $5.656854150e+00, v9;
	_ =	sdelay $0x1  }
0x306: {  	[tilespmem:s7+$0x20] =	vst v9  }
0x307: {  	v8 =	vld.idx.msk [tilespmem:v8+s16+$0x0], $0xffff;
	_ =	sdelay $0x4  }
0x308: {  	v8 =	vmul.f32 $5.656854150e+00, v8;
	_ =	sdelay $0x1  }
0x309: {  	s8 =	sadd.s32 $0x3C00, s26;
	[tilespmem:s7+$0x30] =	vst v8;
	s7 =	sor.u32 s5, s29  }
0x30a: {  	[tilespmem:s16], [sflag:$0x3] =	stream.indirect.gather [hbm4b:s2+s13], $0x80, s8, s13, $0xb8;
	[tilespmem:$0x13000] =	vst v63  }
0x30b: {  	s30 =	sadd.s32 s7, s3  }
0x30c: {  	s1 =	sadd.s32 $0x80, s30  }
0x30d: {  	[hbm4b:s1+s12] =	stream.strided.scatter [tilespmem:s21], [sflag:$0x5], $0x1000, s18, s12, $0x38;
	[tilespmem:$0x13000] =	vst v63  }
0x30e: {  	_ =	swait.ge [sflag:s17], $0x4000  }
0x30f: {  	[sflag:s17] =	ssyncset.done $0x0  }
0x310: {  	[sflag:s17] =	ssyncadd.s32 $0xFFFFC000  }
0x311: {  	_ =	swait.ge [sflag:s22], $0x1000  }
0x312: {  	[sflag:s22] =	ssyncset.done $0x0  }
0x313: {  	[sflag:s22] =	ssyncadd.s32 $0xFFFFF000  }
0x314: {  	v15 =	vld [tilespmem:s0+$0x6000];
	_ =	sdelay $0x3  }
0x315: {  	s8 =	simm.s32 $0x0  }
0x316: {  	v8 =	vadd.s32 s8, v15  }
0x317: {  	v8 =	vadd.s32 v0, v8;
	_ =	sdelay $0x1  }
0x318: {  	v14 =	vld [tilespmem:s26+$0x6810];
	_ =	sdelay $0x2  }
0x319: {  	v8 =	vld.idx.msk [tilespmem:v8+s15+$0x0], $0xffff;
	_ =	sdelay $0x1  }
0x31a: {  	v13 =	vld [tilespmem:s26+$0x6820];
	v9 =	vadd.s32 s8, v14  }
0x31b: {  	v12 =	vld [tilespmem:s26+$0x6830];
	v16 =	vadd.s32 v1, v9  }
0x31c: {  	v11 =	vld [tilespmem:s26+$0x6840]  }
0x31d: {  	v10 =	vld [tilespmem:s26+$0x6850];
	v17 =	vmul.f32 $5.656854150e+00, v8  }
0x31e: {  	s29 =	simm.s32 $0x11040;
	v9 =	vld [tilespmem:s26+$0x6860]  }
0x31f: {  	v8 =	vld [tilespmem:s26+$0x6870];
	[tilespmem:s29+$0xFFFFFFC0] =	vst v17  }
0x320: {  	v16 =	vld.idx.msk [tilespmem:v16+s15+$0x0], $0xffff;
	_ =	sdelay $0x1  }
0x321: {  	v17 =	vadd.s32 s8, v13  }
0x322: {  	v17 =	vadd.s32 v2, v17;
	_ =	sdelay $0x1  }
0x323: {  	v16 =	vmul.f32 $5.656854150e+00, v16;
	_ =	sdelay $0x1  }
0x324: {  	[tilespmem:s29+$0xFFFFFFD0] =	vst v16  }
0x325: {  	v16 =	vld.idx.msk [tilespmem:v17+s15+$0x0], $0xffff;
	_ =	sdelay $0x1  }
0x326: {  	v17 =	vadd.s32 s8, v12  }
0x327: {  	v17 =	vadd.s32 v3, v17;
	_ =	sdelay $0x1  }
0x328: {  	v16 =	vmul.f32 $5.656854150e+00, v16;
	_ =	sdelay $0x1  }
0x329: {  	[tilespmem:s29+$0xFFFFFFE0] =	vst v16  }
0x32a: {  	v16 =	vld.idx.msk [tilespmem:v17+s15+$0x0], $0xffff;
	_ =	sdelay $0x1  }
0x32b: {  	v17 =	vadd.s32 s8, v11  }
0x32c: {  	v17 =	vadd.s32 v4, v17;
	_ =	sdelay $0x1  }
0x32d: {  	v16 =	vmul.f32 $5.656854150e+00, v16;
	_ =	sdelay $0x1  }
0x32e: {  	[tilespmem:s29+$0xFFFFFFF0] =	vst v16  }
0x32f: {  	v16 =	vld.idx.msk [tilespmem:v17+s15+$0x0], $0xffff;
	_ =	sdelay $0x1  }
0x330: {  	v17 =	vadd.s32 s8, v10  }
0x331: {  	v17 =	vadd.s32 v5, v17;
	_ =	sdelay $0x1  }
0x332: {  	v16 =	vmul.f32 $5.656854150e+00, v16;
	_ =	sdelay $0x1  }
0x333: {  	[tilespmem:s29+$0x0] =	vst v16  }
0x334: {  	v16 =	vld.idx.msk [tilespmem:v17+s15+$0x0], $0xffff;
	_ =	sdelay $0x1  }
0x335: {  	v17 =	vadd.s32 s8, v9  }
0x336: {  	v17 =	vadd.s32 v6, v17;
	_ =	sdelay $0x1  }
0x337: {  	v16 =	vmul.f32 $5.656854150e+00, v16;
	_ =	sdelay $0x1  }
0x338: {  	[tilespmem:s29+$0x10] =	vst v16  }
0x339: {  	v16 =	vld.idx.msk [tilespmem:v17+s15+$0x0], $0xffff;
	_ =	sdelay $0x1  }
0x33a: {  	v17 =	vadd.s32 s8, v8  }
0x33b: {  	v17 =	vadd.s32 v7, v17;
	_ =	sdelay $0x1  }
0x33c: {  	v16 =	vmul.f32 $5.656854150e+00, v16;
	_ =	sdelay $0x1  }
0x33d: {  	[tilespmem:s29+$0x20] =	vst v16  }
0x33e: {  	v16 =	vld.idx.msk [tilespmem:v17+s15+$0x0], $0xffff  }
0x33f: {  	s1 =	simm.s32 $0x1  }
0x340: {  	s7 =	simm.s32 $0x2;
	s0 =	sor.u32 $0xC00, s26;
	v17 =	vadd.s32 s1, v15  }
.LBB2_9:
0x341: {  	p0 =	sne.s32 s7, $0x1F;
	v17 =	vadd.s32 v0, v17;
	_ =	sdelay $0x1  }
0x342: {  	v16 =	vmul.f32 $5.656854150e+00, v16;
	_ =	sdelay $0x1  }
0x343: {  	[tilespmem:s29+$0x30] =	vst v16  }
0x344: {  	v16 =	vld.idx.msk [tilespmem:v17+s15+$0x0], $0xffff;
	_ =	sdelay $0x2  }
0x345: {  	v17 =	vadd.s32 s1, v14  }
0x346: {  	v17 =	vadd.s32 v1, v17;
	_ =	sdelay $0x1  }
0x347: {  	v16 =	vmul.f32 $5.656854150e+00, v16  }
0x348: {  	s29 =	sadd.s32 $0x80, s29  }
0x349: {  	[tilespmem:s29+$0xFFFFFFC0] =	vst v16  }
0x34a: {  	v16 =	vld.idx.msk [tilespmem:v17+s15+$0x0], $0xffff;
	_ =	sdelay $0x2  }
0x34b: {  	v17 =	vadd.s32 s1, v13  }
0x34c: {  	v17 =	vadd.s32 v2, v17;
	_ =	sdelay $0x1  }
0x34d: {  	v16 =	vmul.f32 $5.656854150e+00, v16;
	_ =	sdelay $0x1  }
0x34e: {  	[tilespmem:s29+$0xFFFFFFD0] =	vst v16  }
0x34f: {  	v16 =	vld.idx.msk [tilespmem:v17+s15+$0x0], $0xffff;
	_ =	sdelay $0x2  }
0x350: {  	v17 =	vadd.s32 s1, v12  }
0x351: {  	v17 =	vadd.s32 v3, v17;
	_ =	sdelay $0x1  }
0x352: {  	v16 =	vmul.f32 $5.656854150e+00, v16;
	_ =	sdelay $0x1  }
0x353: {  	[tilespmem:s29+$0xFFFFFFE0] =	vst v16  }
0x354: {  	v16 =	vld.idx.msk [tilespmem:v17+s15+$0x0], $0xffff;
	_ =	sdelay $0x2  }
0x355: {  	v17 =	vadd.s32 s1, v11  }
0x356: {  	v17 =	vadd.s32 v4, v17;
	_ =	sdelay $0x1  }
0x357: {  	v16 =	vmul.f32 $5.656854150e+00, v16;
	_ =	sdelay $0x1  }
0x358: {  	[tilespmem:s29+$0xFFFFFFF0] =	vst v16  }
0x359: {  	v16 =	vld.idx.msk [tilespmem:v17+s15+$0x0], $0xffff;
	_ =	sdelay $0x2  }
0x35a: {  	v17 =	vadd.s32 s1, v10  }
0x35b: {  	v17 =	vadd.s32 v5, v17;
	_ =	sdelay $0x1  }
0x35c: {  	v16 =	vmul.f32 $5.656854150e+00, v16;
	_ =	sdelay $0x1  }
0x35d: {  	[tilespmem:s29+$0x0] =	vst v16  }
0x35e: {  	v16 =	vld.idx.msk [tilespmem:v17+s15+$0x0], $0xffff;
	_ =	sdelay $0x2  }
0x35f: {  	v17 =	vadd.s32 s1, v9  }
0x360: {  	v17 =	vadd.s32 v6, v17;
	_ =	sdelay $0x1  }
0x361: {  	v16 =	vmul.f32 $5.656854150e+00, v16;
	_ =	sdelay $0x1  }
0x362: {  	[tilespmem:s29+$0x10] =	vst v16  }
0x363: {  	v16 =	vld.idx.msk [tilespmem:v17+s15+$0x0], $0xffff;
	_ =	sdelay $0x2  }
0x364: {  	v17 =	vadd.s32 s1, v8;
	s1 =	smov.u32 s7  }
0x365: {  	v17 =	vadd.s32 v7, v17;
	_ =	sdelay $0x1  }
0x366: {  	v16 =	vmul.f32 $5.656854150e+00, v16;
	_ =	sdelay $0x1  }
.Ltmp3:
0x367: {  	[tilespmem:s29+$0x20] =	vst v16;
	(pc) =	sbr.rel @p0 .LBB2_9-.Ltmp3, $2  }
0x368: {  	v16 =	vld.idx.msk [tilespmem:v17+s15+$0x0], $0xffff;
	_ =	sdelay $0x2  }
0x369: {  	s7 =	sadd.s32 $0x1, s7;
	v17 =	vadd.s32 s1, v15  }
0x36a: {  	v15 =	vadd.s32 v0, v17;
	_ =	sdelay $0x1  }
0x36b: {  	v16 =	vmul.f32 $5.656854150e+00, v16;
	_ =	sdelay $0x1  }
0x36c: {  	[tilespmem:s29+$0x30] =	vst v16  }
0x36d: {  	v15 =	vld.idx.msk [tilespmem:v15+s15+$0x0], $0xffff;
	_ =	sdelay $0x1  }
0x36e: {  	v14 =	vadd.s32 s1, v14  }
0x36f: {  	v14 =	vadd.s32 v1, v14;
	_ =	sdelay $0x1  }
0x370: {  	v15 =	vmul.f32 $5.656854150e+00, v15  }
0x371: {  	s7 =	sadd.s32 $0x80, s29  }
0x372: {  	[tilespmem:s7+$0xFFFFFFC0] =	vst v15  }
0x373: {  	v14 =	vld.idx.msk [tilespmem:v14+s15+$0x0], $0xffff;
	_ =	sdelay $0x1  }
0x374: {  	v13 =	vadd.s32 s1, v13  }
0x375: {  	v13 =	vadd.s32 v2, v13;
	_ =	sdelay $0x1  }
0x376: {  	v14 =	vmul.f32 $5.656854150e+00, v14;
	_ =	sdelay $0x1  }
0x377: {  	[tilespmem:s7+$0xFFFFFFD0] =	vst v14  }
0x378: {  	v13 =	vld.idx.msk [tilespmem:v13+s15+$0x0], $0xffff;
	_ =	sdelay $0x1  }
0x379: {  	v12 =	vadd.s32 s1, v12  }
0x37a: {  	v12 =	vadd.s32 v3, v12;
	_ =	sdelay $0x1  }
0x37b: {  	v13 =	vmul.f32 $5.656854150e+00, v13;
	_ =	sdelay $0x1  }
0x37c: {  	[tilespmem:s7+$0xFFFFFFE0] =	vst v13  }
0x37d: {  	v12 =	vld.idx.msk [tilespmem:v12+s15+$0x0], $0xffff;
	_ =	sdelay $0x1  }
0x37e: {  	v11 =	vadd.s32 s1, v11  }
0x37f: {  	v11 =	vadd.s32 v4, v11;
	_ =	sdelay $0x1  }
0x380: {  	v12 =	vmul.f32 $5.656854150e+00, v12;
	_ =	sdelay $0x1  }
0x381: {  	[tilespmem:s7+$0xFFFFFFF0] =	vst v12  }
0x382: {  	v11 =	vld.idx.msk [tilespmem:v11+s15+$0x0], $0xffff;
	_ =	sdelay $0x1  }
0x383: {  	v10 =	vadd.s32 s1, v10  }
0x384: {  	v10 =	vadd.s32 v5, v10;
	_ =	sdelay $0x1  }
0x385: {  	v11 =	vmul.f32 $5.656854150e+00, v11;
	_ =	sdelay $0x1  }
0x386: {  	[tilespmem:s7+$0x0] =	vst v11  }
0x387: {  	v10 =	vld.idx.msk [tilespmem:v10+s15+$0x0], $0xffff;
	_ =	sdelay $0x1  }
0x388: {  	v9 =	vadd.s32 s1, v9  }
0x389: {  	v9 =	vadd.s32 v6, v9;
	_ =	sdelay $0x1  }
0x38a: {  	v10 =	vmul.f32 $5.656854150e+00, v10;
	_ =	sdelay $0x1  }
0x38b: {  	[tilespmem:s7+$0x10] =	vst v10  }
0x38c: {  	v9 =	vld.idx.msk [tilespmem:v9+s15+$0x0], $0xffff;
	_ =	sdelay $0x1  }
0x38d: {  	v8 =	vadd.s32 s1, v8  }
0x38e: {  	v8 =	vadd.s32 v7, v8;
	_ =	sdelay $0x1  }
0x38f: {  	v9 =	vmul.f32 $5.656854150e+00, v9;
	_ =	sdelay $0x1  }
0x390: {  	[tilespmem:s7+$0x20] =	vst v9  }
0x391: {  	v8 =	vld.idx.msk [tilespmem:v8+s15+$0x0], $0xffff;
	_ =	sdelay $0x2  }
0x392: {  	p0 =	seq.s32 s31, $0x13;
	s29 =	sadd.s32 $0x1, s31  }
0x393: {  	s1 =	sshll.u32 @!p0 s29, $0x9;
	s31 =	sshll.u32 @!p0 s29, $0x7  }
0x394: {  	s1 =	sand.u32 @!p0 $0x7000, s1;
	s31 =	sand.u32 @!p0 $0x380, s31;
	v8 =	vmul.f32 $5.656854150e+00, v8  }
0x395: {  	s31 =	sor.u32 @!p0 s31, s1  }
0x396: {  	s8 =	simm.s32 @!p0 $0x9000;
	s1 =	sadd.s32 @!p0 $0x3000, s31;
	[tilespmem:s7+$0x30] =	vst v8;
	s7 =	simm.s32 @!p0 $0x80  }
0x397: {  	[tilespmem:s8], [sflag:$0x2] =	stream.indirect.gather @!p0 [hbm4b:s2+s7], $0x80, s1, s7, $0xb8;
	[tilespmem:$0x13000] =	vst v63  }
0x398: {  	s7 =	sadd.s32 $0x100, s30  }
0x399: {  	[hbm4b:s7+s12] =	stream.strided.scatter [tilespmem:s19], [sflag:$0x4], $0x1000, s18, s12, $0x38;
	[tilespmem:$0x13000] =	vst v63  }
0x39a: {  	_ =	swait.ge [sflag:s20], $0x4000  }
0x39b: {  	[sflag:s20] =	ssyncset.done $0x0  }
0x39c: {  	[sflag:s20] =	ssyncadd.s32 $0xFFFFC000  }
0x39d: {  	_ =	swait.ge [sflag:s23], $0x1000  }
0x39e: {  	[sflag:s23] =	ssyncset.done $0x0  }
0x39f: {  	[sflag:s23] =	ssyncadd.s32 $0xFFFFF000  }
0x3a0: {  	v15 =	vld [tilespmem:s0+$0x6000];
	_ =	sdelay $0x3  }
0x3a1: {  	s8 =	simm.s32 $0x0  }
0x3a2: {  	v8 =	vadd.s32 s8, v15  }
0x3a3: {  	v8 =	vadd.s32 v0, v8;
	_ =	sdelay $0x1  }
0x3a4: {  	v14 =	vld [tilespmem:s26+$0x6C10];
	_ =	sdelay $0x2  }
0x3a5: {  	v8 =	vld.idx.msk [tilespmem:v8+s16+$0x0], $0xffff;
	_ =	sdelay $0x1  }
0x3a6: {  	v13 =	vld [tilespmem:s26+$0x6C20];
	v9 =	vadd.s32 s8, v14  }
0x3a7: {  	v12 =	vld [tilespmem:s26+$0x6C30];
	v16 =	vadd.s32 v1, v9  }
0x3a8: {  	v11 =	vld [tilespmem:s26+$0x6C40]  }
0x3a9: {  	v10 =	vld [tilespmem:s26+$0x6C50];
	v17 =	vmul.f32 $5.656854150e+00, v8  }
0x3aa: {  	s0 =	simm.s32 $0x12040;
	v9 =	vld [tilespmem:s26+$0x6C60]  }
0x3ab: {  	v8 =	vld [tilespmem:s26+$0x6C70];
	[tilespmem:s0+$0xFFFFFFC0] =	vst v17  }
0x3ac: {  	v16 =	vld.idx.msk [tilespmem:v16+s16+$0x0], $0xffff;
	_ =	sdelay $0x1  }
0x3ad: {  	v17 =	vadd.s32 s8, v13  }
0x3ae: {  	v17 =	vadd.s32 v2, v17;
	_ =	sdelay $0x1  }
0x3af: {  	v16 =	vmul.f32 $5.656854150e+00, v16;
	_ =	sdelay $0x1  }
0x3b0: {  	[tilespmem:s0+$0xFFFFFFD0] =	vst v16  }
0x3b1: {  	v16 =	vld.idx.msk [tilespmem:v17+s16+$0x0], $0xffff;
	_ =	sdelay $0x1  }
0x3b2: {  	v17 =	vadd.s32 s8, v12  }
0x3b3: {  	v17 =	vadd.s32 v3, v17;
	_ =	sdelay $0x1  }
0x3b4: {  	v16 =	vmul.f32 $5.656854150e+00, v16;
	_ =	sdelay $0x1  }
0x3b5: {  	[tilespmem:s0+$0xFFFFFFE0] =	vst v16  }
0x3b6: {  	v16 =	vld.idx.msk [tilespmem:v17+s16+$0x0], $0xffff;
	_ =	sdelay $0x1  }
0x3b7: {  	v17 =	vadd.s32 s8, v11  }
0x3b8: {  	v17 =	vadd.s32 v4, v17;
	_ =	sdelay $0x1  }
0x3b9: {  	v16 =	vmul.f32 $5.656854150e+00, v16;
	_ =	sdelay $0x1  }
0x3ba: {  	[tilespmem:s0+$0xFFFFFFF0] =	vst v16  }
0x3bb: {  	v16 =	vld.idx.msk [tilespmem:v17+s16+$0x0], $0xffff;
	_ =	sdelay $0x1  }
0x3bc: {  	v17 =	vadd.s32 s8, v10  }
0x3bd: {  	v17 =	vadd.s32 v5, v17;
	_ =	sdelay $0x1  }
0x3be: {  	v16 =	vmul.f32 $5.656854150e+00, v16;
	_ =	sdelay $0x1  }
0x3bf: {  	[tilespmem:s0+$0x0] =	vst v16  }
0x3c0: {  	v16 =	vld.idx.msk [tilespmem:v17+s16+$0x0], $0xffff;
	_ =	sdelay $0x1  }
0x3c1: {  	v17 =	vadd.s32 s8, v9  }
0x3c2: {  	v17 =	vadd.s32 v6, v17;
	_ =	sdelay $0x1  }
0x3c3: {  	v16 =	vmul.f32 $5.656854150e+00, v16;
	_ =	sdelay $0x1  }
0x3c4: {  	[tilespmem:s0+$0x10] =	vst v16  }
0x3c5: {  	v16 =	vld.idx.msk [tilespmem:v17+s16+$0x0], $0xffff;
	_ =	sdelay $0x1  }
0x3c6: {  	v17 =	vadd.s32 s8, v8  }
0x3c7: {  	v17 =	vadd.s32 v7, v17;
	_ =	sdelay $0x1  }
0x3c8: {  	v16 =	vmul.f32 $5.656854150e+00, v16;
	_ =	sdelay $0x1  }
0x3c9: {  	[tilespmem:s0+$0x20] =	vst v16  }
0x3ca: {  	v16 =	vld.idx.msk [tilespmem:v17+s16+$0x0], $0xffff  }
0x3cb: {  	s1 =	simm.s32 $0x1  }
0x3cc: {  	s7 =	simm.s32 $0x2;
	v17 =	vadd.s32 s1, v15  }
.LBB2_11:
0x3cd: {  	p1 =	sne.s32 s7, $0x1F;
	v17 =	vadd.s32 v0, v17;
	_ =	sdelay $0x1  }
0x3ce: {  	v16 =	vmul.f32 $5.656854150e+00, v16;
	_ =	sdelay $0x1  }
0x3cf: {  	[tilespmem:s0+$0x30] =	vst v16  }
0x3d0: {  	v16 =	vld.idx.msk [tilespmem:v17+s16+$0x0], $0xffff;
	_ =	sdelay $0x2  }
0x3d1: {  	v17 =	vadd.s32 s1, v14  }
0x3d2: {  	v17 =	vadd.s32 v1, v17;
	_ =	sdelay $0x1  }
0x3d3: {  	v16 =	vmul.f32 $5.656854150e+00, v16  }
0x3d4: {  	s0 =	sadd.s32 $0x80, s0  }
0x3d5: {  	[tilespmem:s0+$0xFFFFFFC0] =	vst v16  }
0x3d6: {  	v16 =	vld.idx.msk [tilespmem:v17+s16+$0x0], $0xffff;
	_ =	sdelay $0x2  }
0x3d7: {  	v17 =	vadd.s32 s1, v13  }
0x3d8: {  	v17 =	vadd.s32 v2, v17;
	_ =	sdelay $0x1  }
0x3d9: {  	v16 =	vmul.f32 $5.656854150e+00, v16;
	_ =	sdelay $0x1  }
0x3da: {  	[tilespmem:s0+$0xFFFFFFD0] =	vst v16  }
0x3db: {  	v16 =	vld.idx.msk [tilespmem:v17+s16+$0x0], $0xffff;
	_ =	sdelay $0x2  }
0x3dc: {  	v17 =	vadd.s32 s1, v12  }
0x3dd: {  	v17 =	vadd.s32 v3, v17;
	_ =	sdelay $0x1  }
0x3de: {  	v16 =	vmul.f32 $5.656854150e+00, v16;
	_ =	sdelay $0x1  }
0x3df: {  	[tilespmem:s0+$0xFFFFFFE0] =	vst v16  }
0x3e0: {  	v16 =	vld.idx.msk [tilespmem:v17+s16+$0x0], $0xffff;
	_ =	sdelay $0x2  }
0x3e1: {  	v17 =	vadd.s32 s1, v11  }
0x3e2: {  	v17 =	vadd.s32 v4, v17;
	_ =	sdelay $0x1  }
0x3e3: {  	v16 =	vmul.f32 $5.656854150e+00, v16;
	_ =	sdelay $0x1  }
0x3e4: {  	[tilespmem:s0+$0xFFFFFFF0] =	vst v16  }
0x3e5: {  	v16 =	vld.idx.msk [tilespmem:v17+s16+$0x0], $0xffff;
	_ =	sdelay $0x2  }
0x3e6: {  	v17 =	vadd.s32 s1, v10  }
0x3e7: {  	v17 =	vadd.s32 v5, v17;
	_ =	sdelay $0x1  }
0x3e8: {  	v16 =	vmul.f32 $5.656854150e+00, v16;
	_ =	sdelay $0x1  }
0x3e9: {  	[tilespmem:s0+$0x0] =	vst v16  }
0x3ea: {  	v16 =	vld.idx.msk [tilespmem:v17+s16+$0x0], $0xffff;
	_ =	sdelay $0x2  }
0x3eb: {  	v17 =	vadd.s32 s1, v9  }
0x3ec: {  	v17 =	vadd.s32 v6, v17;
	_ =	sdelay $0x1  }
0x3ed: {  	v16 =	vmul.f32 $5.656854150e+00, v16;
	_ =	sdelay $0x1  }
0x3ee: {  	[tilespmem:s0+$0x10] =	vst v16  }
0x3ef: {  	v16 =	vld.idx.msk [tilespmem:v17+s16+$0x0], $0xffff;
	_ =	sdelay $0x2  }
0x3f0: {  	v17 =	vadd.s32 s1, v8;
	s1 =	smov.u32 s7  }
0x3f1: {  	v17 =	vadd.s32 v7, v17;
	_ =	sdelay $0x1  }
0x3f2: {  	v16 =	vmul.f32 $5.656854150e+00, v16;
	_ =	sdelay $0x1  }
.Ltmp4:
0x3f3: {  	[tilespmem:s0+$0x20] =	vst v16;
	(pc) =	sbr.rel @p1 .LBB2_11-.Ltmp4, $2  }
0x3f4: {  	v16 =	vld.idx.msk [tilespmem:v17+s16+$0x0], $0xffff;
	_ =	sdelay $0x2  }
0x3f5: {  	s7 =	sadd.s32 $0x1, s7;
	v17 =	vadd.s32 s1, v15  }
0x3f6: {  	v15 =	vadd.s32 v0, v17;
	_ =	sdelay $0x1  }
0x3f7: {  	v16 =	vmul.f32 $5.656854150e+00, v16;
	_ =	sdelay $0x1  }
0x3f8: {  	[tilespmem:s0+$0x30] =	vst v16  }
0x3f9: {  	v15 =	vld.idx.msk [tilespmem:v15+s16+$0x0], $0xffff;
	_ =	sdelay $0x1  }
0x3fa: {  	v14 =	vadd.s32 s1, v14  }
0x3fb: {  	v14 =	vadd.s32 v1, v14;
	_ =	sdelay $0x1  }
0x3fc: {  	v15 =	vmul.f32 $5.656854150e+00, v15  }
0x3fd: {  	s26 =	sadd.s32 $0x80, s0  }
0x3fe: {  	[tilespmem:s26+$0xFFFFFFC0] =	vst v15  }
0x3ff: {  	v14 =	vld.idx.msk [tilespmem:v14+s16+$0x0], $0xffff;
	_ =	sdelay $0x1  }
0x400: {  	v13 =	vadd.s32 s1, v13  }
0x401: {  	v13 =	vadd.s32 v2, v13;
	_ =	sdelay $0x1  }
0x402: {  	v14 =	vmul.f32 $5.656854150e+00, v14;
	_ =	sdelay $0x1  }
0x403: {  	[tilespmem:s26+$0xFFFFFFD0] =	vst v14  }
0x404: {  	v13 =	vld.idx.msk [tilespmem:v13+s16+$0x0], $0xffff;
	_ =	sdelay $0x1  }
0x405: {  	v12 =	vadd.s32 s1, v12  }
0x406: {  	v12 =	vadd.s32 v3, v12;
	_ =	sdelay $0x1  }
0x407: {  	v13 =	vmul.f32 $5.656854150e+00, v13;
	_ =	sdelay $0x1  }
0x408: {  	[tilespmem:s26+$0xFFFFFFE0] =	vst v13  }
0x409: {  	v12 =	vld.idx.msk [tilespmem:v12+s16+$0x0], $0xffff;
	_ =	sdelay $0x1  }
0x40a: {  	v11 =	vadd.s32 s1, v11  }
0x40b: {  	v11 =	vadd.s32 v4, v11;
	_ =	sdelay $0x1  }
0x40c: {  	v12 =	vmul.f32 $5.656854150e+00, v12;
	_ =	sdelay $0x1  }
0x40d: {  	[tilespmem:s26+$0xFFFFFFF0] =	vst v12  }
0x40e: {  	v11 =	vld.idx.msk [tilespmem:v11+s16+$0x0], $0xffff;
	_ =	sdelay $0x1  }
0x40f: {  	v10 =	vadd.s32 s1, v10  }
0x410: {  	v10 =	vadd.s32 v5, v10;
	_ =	sdelay $0x1  }
0x411: {  	v11 =	vmul.f32 $5.656854150e+00, v11;
	_ =	sdelay $0x1  }
0x412: {  	[tilespmem:s26+$0x0] =	vst v11  }
0x413: {  	v10 =	vld.idx.msk [tilespmem:v10+s16+$0x0], $0xffff;
	_ =	sdelay $0x1  }
0x414: {  	v9 =	vadd.s32 s1, v9  }
0x415: {  	v9 =	vadd.s32 v6, v9;
	_ =	sdelay $0x1  }
0x416: {  	v10 =	vmul.f32 $5.656854150e+00, v10;
	_ =	sdelay $0x1  }
0x417: {  	[tilespmem:s26+$0x10] =	vst v10  }
0x418: {  	v9 =	vld.idx.msk [tilespmem:v9+s16+$0x0], $0xffff;
	_ =	sdelay $0x1  }
0x419: {  	v8 =	vadd.s32 s1, v8  }
0x41a: {  	v8 =	vadd.s32 v7, v8;
	_ =	sdelay $0x1  }
0x41b: {  	v9 =	vmul.f32 $5.656854150e+00, v9;
	_ =	sdelay $0x1  }
0x41c: {  	[tilespmem:s26+$0x20] =	vst v9  }
0x41d: {  	v8 =	vld.idx.msk [tilespmem:v8+s16+$0x0], $0xffff;
	_ =	sdelay $0x4  }
0x41e: {  	v8 =	vmul.f32 $5.656854150e+00, v8;
	_ =	sdelay $0x1  }
0x41f: {  	s1 =	simm.s32 @!p0 $0x80;
	s7 =	simm.s32 @!p0 $0xD000;
	s0 =	sadd.s32 @!p0 $0x3400, s31;
	[tilespmem:s26+$0x30] =	vst v8  }
0x420: {  	[tilespmem:s7], [sflag:$0x3] =	stream.indirect.gather @!p0 [hbm4b:s2+s1], $0x80, s0, s1, $0xb8;
	[tilespmem:$0x13000] =	vst v63  }
0x421: {  	p0 =	sne.s32 s29, $0x14  }
.Ltmp5:
0x422: {  	_ = 	snop;
	(pc) =	sbr.rel @p0 .LBB2_4-.Ltmp5, $3  }
0x423: {  	_ =	sdelay $0x1  }
0x424: {  	s30 =	sadd.s32 $0x180, s30;
	s31 =	smov.u32 s29  }
0x425: {  	[hbm4b:s30+s12] =	stream.strided.scatter [tilespmem:s21], [sflag:$0x5], $0x1000, s18, s12, $0x38;
	[tilespmem:$0x13000] =	vst v63  }
0x426: {  	_ =	swait.ge [sflag:s22], $0x1000  }
0x427: {  	[sflag:s22] =	ssyncset.done $0x0  }
0x428: {  	[sflag:s22] =	ssyncadd.s32 $0xFFFFF000  }
0x429: {  	_ =	swait.ge [sflag:s23], $0x1000  }
0x42a: {  	s24 =	sadd.s32 $0x1, s24;
	s0 =	rddreg [dreg:$0x16]  }
0x42b: {  	p0 =	sne.s32 s24, s0  }
.Ltmp6:
0x42c: {  	_ = 	snop;
	(pc) =	sbr.rel @p0 .LBB2_1-.Ltmp6, $3  }
0x42d: {  	_ =	sdelay $0x1  }
0x42e: {  	[sflag:s23] =	ssyncset.done $0x0  }
0x42f: {  	[sflag:s23] =	ssyncadd.s32 $0xFFFFF000  }
0x430: {  	_ =	sfence.sel $0x180000  }
0x431: {  	[bflag:$0x0] =	sbarrier.arrive $0xFFFF  }
0x432: {  	_ =	strace $0x90000047  }
0x433: {  	s0 =	stileid.u32;
	[bflag:$0x2] =	sbarrier.arrive $0xFFFF  }
0x434: {  	p0 =	sne.s32 s0, $0x0;
	s0 =	rddreg [dreg:$0x3]  }
0x435: {  	s0 =	sadd.s32 @!p0 $0x100000, s0  }
0x436: {  	[sflag:s0] =	ssyncadd.tile.s32 @!p0 $0x1;
	_ =	shalt  }
.Lfunc_end2:
_tile_overlayer_lowered:
.L_overlay_start_2:
0x437: {  	(tag) =	ssettag $0x2  }
0x438: {  	s0 =	rddreg [dreg:$0x0];
	s2 =	stileid.u32  }
0x439: {  	s1 =	rddreg [dreg:$0x1];
	p0 =	sne.s32 s2, $0x0  }
0x43a: {  	s3 =	rddreg [dreg:$0x2];
	[bflag:$0x3] =	sbarrier.arrive $0xFFFF;
	s2 =	simm.s32 @!p0 $0x1C06  }
0x43b: {  	[timem:s3], [sflag:s2] =	dma.local @!p0 [hbm:s0], s1  }
0x43c: {  	s0 =	simm.s32 @!p0 $0x6  }
0x43d: {  	_ =	swait.ge @!p0 [sflag:s0], s1  }
0x43e: {  	s1 =	ssub.s32 @!p0 $0x0, s1;
	[sflag:s0] =	ssyncset.done @!p0 $0x0  }
0x43f: {  	[sflag:s0] =	ssyncadd.s32 @!p0 s1  }
0x440: {  	[bflag:$0x3] =	sbarrier.arrive $0xFFFF  }
0x441: {  	_ =	shalt  }

</sc_bundles>
